<compile_context>
chip_gen: v7x
topology: tpu7x:2x2x1
jax: 0.10.2.dev20260603
libtpu: 0.0.44.dev20260713+nightly
codegen_flags: <defaults>
</compile_context>

<pallas_src>
import functools

import jax
import jax.numpy as jnp
from jax import lax
from jax.experimental import pallas as pl
from jax.experimental.pallas import tpu as pltpu
from jax.experimental.pallas import tpu_sc as plsc

N = 10000
E = 160000
F = 128
DE = 4
H = 20
C1 = 16
C2 = 32
G = 64

NC = 2
NS = 16
NW = NC * NS
CH = 128
NPAD = 10112
EPAD = 163840
EPW = EPAD // NW
NCHUNK = EPW // CH
ECH = 64
ECHUNK = EPW // ECH
NSLOT = 3
NTRI = ECHUNK // NSLOT
HROWS = ECH // 4
RPT = NPAD // NS
TGW = 384
BM = 2528

_mesh = plsc.VectorSubcoreMesh(core_axis_name="c", subcore_axis_name="s")



def _mm_body(x_ref, w_ref, o_ref):
    o_ref[...] = x_ref[...] @ w_ref[...]


def _emlp_body(e_ref, w0_ref, b0_ref, w1_ref, b1_ref, o_ref):
    h1 = jnp.maximum(e_ref[...] @ w0_ref[...] + b0_ref[...], 0.0)
    o_ref[...] = jnp.maximum(h1 @ w1_ref[...] + b1_ref[...], 0.0)


def _node1_body(a0_ref, a1_ref, x_ref, wr_ref, br_ref, y1_ref, n32_ref):
    a0 = a0_ref[...]
    a1 = a1_ref[...]
    agg = a0[:, :C1] + a1[:, :C1]
    deg = a0[:, C1:C1 + 1] + a1[:, C1:C1 + 1] + 1.0
    x1 = jnp.maximum(agg + x_ref[...] @ wr_ref[...] + br_ref[...], 0.0)
    nrm = lax.rsqrt(deg)
    y1 = x1 * nrm
    y1_ref[...] = jnp.concatenate([y1] * (F // C1), axis=1)
    n32_ref[...] = jnp.broadcast_to(nrm, n32_ref.shape)


def _node2_body(sa_ref, sb_ref, y1_ref, n32_ref, wg_ref, bg_ref, y2_ref):
    n32 = n32_ref[...]
    p = n32[:, :C1] * (sa_ref[:, :C1] + sb_ref[:, :C1] + y1_ref[:, :C1])
    x2 = jnp.maximum(p @ wg_ref[...] + bg_ref[...], 0.0)
    y2_ref[...] = jnp.concatenate([x2 * n32] * (F // C2), axis=1)


def _final_body(sa_ref, sb_ref, y2_ref, n32_ref, irow_ref, wg_ref, bg_ref,
                wd1_ref, bd1_ref, wd2_ref, bd2_ref, o_ref, pool_ref):
    t = pl.program_id(0)
    p = n32_ref[...] * (sa_ref[:, :C2] + sb_ref[:, :C2] + y2_ref[:, :C2])
    x3 = jnp.maximum(p @ wg_ref[...] + bg_ref[...], 0.0)
    rid = t * BM + lax.broadcasted_iota(jnp.int32, (BM, 1), 0)
    x3 = jnp.where(rid < N, x3, 0.0)
    gid = irow_ref[0]
    oh = (lax.broadcasted_iota(jnp.int32, (G, BM), 0).astype(jnp.float32)
          == gid)
    contrib = oh.astype(jnp.float32) @ x3

    @pl.when(t == 0)
    def _():
        pool_ref[...] = jnp.zeros_like(pool_ref)

    pool_ref[...] += contrib

    @pl.when(t == pl.num_programs(0) - 1)
    def _():
        g = pool_ref[...]
        o_ref[...] = (g @ wd1_ref[...] + bd1_ref[...]) @ wd2_ref[...] + bd2_ref[...]



def _zero_shared(zbuf, acc, sid, width):
    nv = width // 16
    zr = 64

    def _z(j, _):
        for v in range(nv):
            zbuf[j, pl.ds(v * 16, 16)] = jnp.zeros((16,), jnp.float32)
        return 0

    lax.fori_loop(0, zr, _z, 0)

    def _cp(q, _):
        off = pl.multiple_of(sid * RPT + q * zr, 8)
        pltpu.sync_copy(zbuf, acc.at[pl.ds(off, zr)])
        return 0

    lax.fori_loop(0, RPT // zr, _cp, 0)
    tail = RPT - (RPT // zr) * zr
    off = pl.multiple_of(sid * RPT + (RPT // zr) * zr, 8)
    pltpu.sync_copy(zbuf.at[pl.ds(0, tail)], acc.at[pl.ds(off, tail)])


def _ecc_compute(rows, hbuf, msg):

    def _edge(k, _):
        r = k // 4
        off = (k - 4 * r) * 32
        hv0 = hbuf[r, pl.ds(off, 16)]
        hv1 = hbuf[r, pl.ds(off + 16, 16)]
        m = rows[k, pl.ds(H * C1, 16)]
        for hh in range(H):
            s = hv0[hh] if hh < 16 else hv1[hh - 16]
            m = m + rows[k, pl.ds(hh * 16, 16)] * s
        msg[k, pl.ds(0, 16)] = m
        return 0

    lax.fori_loop(0, ECH, _edge, 0)


def _ecc_body(tg_hbm, h_hbm, src_hbm, dst_hbm, out_hbm,
              idx_s, idx_d, rows, hbuf, msg, zbuf, acc, sem):
    cid = lax.axis_index("c")
    sid = lax.axis_index("s")
    wid = sid * NC + cid

    _zero_shared(zbuf, acc, sid, 2 * C1)

    cvec = jnp.where(lax.iota(jnp.int32, 16) == 0, 1.0, 0.0)

    def _c(j, _):
        msg[j, pl.ds(C1, 16)] = cvec
        return 0

    lax.fori_loop(0, ECH, _c, 0)

    ebase = wid * EPW
    hbase0 = wid * (EPW // 4)
    plsc.subcore_barrier()

    def _chunk(c, _):
        base = pl.multiple_of(ebase + c * ECH, ECH)
        hbase = pl.multiple_of(hbase0 + c * HROWS, 8)
        pltpu.sync_copy(src_hbm.at[pl.ds(base, ECH)], idx_s)
        pltpu.sync_copy(dst_hbm.at[pl.ds(base, ECH)], idx_d)
        pltpu.sync_copy(h_hbm.at[pl.ds(hbase, HROWS)], hbuf)
        pltpu.async_copy(tg_hbm.at[idx_s], rows, sem).wait()
        _ecc_compute(rows, hbuf, msg)
        pltpu.sync_copy(msg, acc.at[idx_d], add=True)
        return 0

    lax.fori_loop(0, ECHUNK, _chunk, 0)

    plsc.subcore_barrier()
    pltpu.sync_copy(acc.at[pl.ds(sid * RPT, RPT)],
                    out_hbm.at[cid, pl.ds(sid * RPT, RPT)])


def _seg_body(y_hbm, src_hbm, dst_hbm, out_hbm,
              idxs0, idxs1, idxd0, idxd1, rows0, rows1, zbuf, acc,
              gs0, gs1, ss0, ss1):
    cid = lax.axis_index("c")
    sid = lax.axis_index("s")
    wid = sid * NC + cid

    _zero_shared(zbuf, acc, sid, F)
    ebase = wid * EPW
    plsc.subcore_barrier()

    def _pair(g, _):
        c0 = 2 * g
        base = pl.multiple_of(ebase + c0 * CH, CH)
        pltpu.sync_copy(src_hbm.at[pl.ds(base, CH)], idxs0)
        pltpu.sync_copy(src_hbm.at[pl.ds(base + CH, CH)], idxs1)
        d0 = pltpu.async_copy(y_hbm.at[idxs0], rows0, gs0)
        d1 = pltpu.async_copy(y_hbm.at[idxs1], rows1, gs1)
        pltpu.sync_copy(dst_hbm.at[pl.ds(base, CH)], idxd0)
        pltpu.sync_copy(dst_hbm.at[pl.ds(base + CH, CH)], idxd1)
        d0.wait()
        s0 = pltpu.async_copy(rows0, acc.at[idxd0], ss0, add=True)
        d1.wait()
        s1 = pltpu.async_copy(rows1, acc.at[idxd1], ss1, add=True)
        s0.wait()
        s1.wait()
        return 0

    lax.fori_loop(0, NCHUNK // 2, _pair, 0)

    plsc.subcore_barrier()
    pltpu.sync_copy(acc.at[pl.ds(sid * RPT, RPT)],
                    out_hbm.at[cid, pl.ds(sid * RPT, RPT)])


_ecc_call = functools.partial(
    pl.kernel,
    _ecc_body,
    out_type=jax.ShapeDtypeStruct((NC, NPAD, 2 * C1), jnp.float32),
    mesh=_mesh,
    scratch_types=[
        pltpu.VMEM((ECH,), jnp.int32),
        pltpu.VMEM((ECH,), jnp.int32),
        pltpu.VMEM((ECH, TGW), jnp.float32),
        pltpu.VMEM((HROWS, F), jnp.float32),
        pltpu.VMEM((ECH, 2 * C1), jnp.float32),
        pltpu.VMEM((64, 2 * C1), jnp.float32),
        pltpu.VMEM_SHARED((NPAD, 2 * C1), jnp.float32),
        pltpu.SemaphoreType.DMA,
    ],
)


_seg_call = functools.partial(
    pl.kernel,
    _seg_body,
    out_type=jax.ShapeDtypeStruct((NC, NPAD, F), jnp.float32),
    mesh=_mesh,
    scratch_types=[
        pltpu.VMEM((CH,), jnp.int32),
        pltpu.VMEM((CH,), jnp.int32),
        pltpu.VMEM((CH,), jnp.int32),
        pltpu.VMEM((CH,), jnp.int32),
        pltpu.VMEM((CH, F), jnp.float32),
        pltpu.VMEM((CH, F), jnp.float32),
        pltpu.VMEM((64, F), jnp.float32),
        pltpu.VMEM_SHARED((NPAD, F), jnp.float32),
        pltpu.SemaphoreType.DMA,
        pltpu.SemaphoreType.DMA,
        pltpu.SemaphoreType.DMA,
        pltpu.SemaphoreType.DMA,
    ],
)



def kernel(x, edge_index, e, i, W0, b0, W1, b1, W2, b2, Wr, br,
           Wg1, bg1, Wg2, bg2, Wd1, bd1, Wd2, bd2):
    f32 = jnp.float32
    src = edge_index[0].astype(jnp.int32)
    dst = edge_index[1].astype(jnp.int32)
    pad_idx = jnp.full((EPAD - E,), N, jnp.int32)
    src_p = jnp.concatenate([src, pad_idx])
    dst_p = jnp.concatenate([dst, pad_idx])
    e_p = jnp.pad(e, ((0, EPAD - E), (0, 0)))

    W2r = W2.reshape(H, F, C1)
    wcat = jnp.concatenate(
        [jnp.transpose(W2r, (1, 0, 2)).reshape(F, H * C1), b2.reshape(F, C1),
         jnp.zeros((F, TGW - H * C1 - C1), f32)],
        axis=1)
    W1p = jnp.pad(W1, ((0, 0), (0, C2 - H)))
    b1p = jnp.pad(b1, (0, C2 - H)).reshape(1, C2)
    b0r = b0.reshape(1, H)
    brr = br.reshape(1, C1)
    bg1r = bg1.reshape(1, C2)
    bg2r = bg2.reshape(1, C2)
    bd1r = bd1.reshape(1, 16)
    bd2r = bd2.reshape(1, 1)
    i_p = jnp.pad(i.astype(f32), (0, NPAD - N),
                  constant_values=-1.0).reshape(NPAD // BM, 1, BM)

    tg = pl.pallas_call(
        _mm_body,
        grid=(NPAD // BM,),
        in_specs=[pl.BlockSpec((BM, F), lambda t: (t, 0)),
                  pl.BlockSpec((F, TGW), lambda t: (0, 0))],
        out_specs=pl.BlockSpec((BM, TGW), lambda t: (t, 0)),
        out_shape=jax.ShapeDtypeStruct((NPAD, TGW), f32),
    )(x, wcat)

    BE = 2048
    h_e = pl.pallas_call(
        _emlp_body,
        grid=(EPAD // BE,),
        in_specs=[pl.BlockSpec((BE, DE), lambda t: (t, 0)),
                  pl.BlockSpec((DE, H), lambda t: (0, 0)),
                  pl.BlockSpec((1, H), lambda t: (0, 0)),
                  pl.BlockSpec((H, C2), lambda t: (0, 0)),
                  pl.BlockSpec((1, C2), lambda t: (0, 0))],
        out_specs=pl.BlockSpec((BE, C2), lambda t: (t, 0)),
        out_shape=jax.ShapeDtypeStruct((EPAD, C2), f32),
    )(e_p, W0, b0r, W1p, b1p)

    h4 = h_e.reshape(EPAD // 4, F)
    agg2 = _ecc_call()(tg, h4, src_p, dst_p)

    y1, n32 = pl.pallas_call(
        _node1_body,
        grid=(NPAD // BM,),
        in_specs=[pl.BlockSpec((BM, 2 * C1), lambda t: (t, 0)),
                  pl.BlockSpec((BM, 2 * C1), lambda t: (t, 0)),
                  pl.BlockSpec((BM, F), lambda t: (t, 0)),
                  pl.BlockSpec((F, C1), lambda t: (0, 0)),
                  pl.BlockSpec((1, C1), lambda t: (0, 0))],
        out_specs=[pl.BlockSpec((BM, F), lambda t: (t, 0)),
                   pl.BlockSpec((BM, C2), lambda t: (t, 0))],
        out_shape=[jax.ShapeDtypeStruct((NPAD, F), f32),
                   jax.ShapeDtypeStruct((NPAD, C2), f32)],
    )(agg2[0], agg2[1], x, Wr, brr)

    s1 = _seg_call()(y1, src_p, dst_p)

    y2 = pl.pallas_call(
        _node2_body,
        grid=(NPAD // BM,),
        in_specs=[pl.BlockSpec((BM, F), lambda t: (t, 0)),
                  pl.BlockSpec((BM, F), lambda t: (t, 0)),
                  pl.BlockSpec((BM, F), lambda t: (t, 0)),
                  pl.BlockSpec((BM, C2), lambda t: (t, 0)),
                  pl.BlockSpec((C1, C2), lambda t: (0, 0)),
                  pl.BlockSpec((1, C2), lambda t: (0, 0))],
        out_specs=pl.BlockSpec((BM, F), lambda t: (t, 0)),
        out_shape=jax.ShapeDtypeStruct((NPAD, F), f32),
    )(s1[0], s1[1], y1, n32, Wg1, bg1r)

    s2 = _seg_call()(y2, src_p, dst_p)

    out = pl.pallas_call(
        _final_body,
        grid=(NPAD // BM,),
        in_specs=[pl.BlockSpec((BM, F), lambda t: (t, 0)),
                  pl.BlockSpec((BM, F), lambda t: (t, 0)),
                  pl.BlockSpec((BM, F), lambda t: (t, 0)),
                  pl.BlockSpec((BM, C2), lambda t: (t, 0)),
                  pl.BlockSpec((1, 1, BM), lambda t: (t, 0, 0)),
                  pl.BlockSpec((C2, C2), lambda t: (0, 0)),
                  pl.BlockSpec((1, C2), lambda t: (0, 0)),
                  pl.BlockSpec((C2, 16), lambda t: (0, 0)),
                  pl.BlockSpec((1, 16), lambda t: (0, 0)),
                  pl.BlockSpec((16, 1), lambda t: (0, 0)),
                  pl.BlockSpec((1, 1), lambda t: (0, 0))],
        out_specs=pl.BlockSpec((G, 1), lambda t: (0, 0)),
        out_shape=jax.ShapeDtypeStruct((G, 1), f32),
        scratch_shapes=[pltpu.VMEM((G, C2), f32)],
    )(s2[0], s2[1], y2, n32, i_p, Wg2, bg2r, Wd1, bd1r, Wd2, bd2r)

    return out

# --- scband reference (transcript-rebuilt; emitter-appended) ---
"""Pipeline reference for scband-model-2482491097864 (READ-ONLY COPY).

The authoritative reference and input builder live on the scoring server;
editing this copy changes nothing except your own understanding.
"""

import jax, jax.numpy as jnp
import numpy as np

N = 10000
E = 160000
F = 128
DE = 4
H = 20
C_ECC = 16
C_GCN = 32
G = 64


def setup_inputs(seed: int = 0) -> dict:
    key = jax.random.key(seed)
    ks = jax.random.split(key, 24)
    x = jax.random.normal(ks[0], (N, F), dtype=jnp.float32)
    edge_index = jax.random.randint(ks[1], (2, E), 0, N)
    e = jax.random.normal(ks[2], (E, DE), dtype=jnp.float32)
    i = jnp.sort(jax.random.randint(ks[3], (N,), 0, G))
    s = 0.05
    # ECC kernel network: DE -> H -> H -> F*C_ECC
    W0 = jax.random.normal(ks[4], (DE, H), dtype=jnp.float32) * s
    b0 = jnp.zeros((H,), jnp.float32)
    W1 = jax.random.normal(ks[5], (H, H), dtype=jnp.float32) * s
    b1 = jnp.zeros((H,), jnp.float32)
    W2 = jax.random.normal(ks[6], (H, F * C_ECC), dtype=jnp.float32) * s
    b2 = jnp.zeros((F * C_ECC,), jnp.float32)
    Wr = jax.random.normal(ks[7], (F, C_ECC), dtype=jnp.float32) * s
    br = jnp.zeros((C_ECC,), jnp.float32)
    # GCN layers
    Wg1 = jax.random.normal(ks[8], (C_ECC, C_GCN), dtype=jnp.float32) * s
    bg1 = jnp.zeros((C_GCN,), jnp.float32)
    Wg2 = jax.random.normal(ks[9], (C_GCN, C_GCN), dtype=jnp.float32) * s
    bg2 = jnp.zeros((C_GCN,), jnp.float32)
    # Dense head
    Wd1 = jax.random.normal(ks[10], (C_GCN, 16), dtype=jnp.float32) * s
    bd1 = jnp.zeros((16,), jnp.float32)
    Wd2 = jax.random.normal(ks[11], (16, 1), dtype=jnp.float32) * s
    bd2 = jnp.zeros((1,), jnp.float32)
    return {"x": x, "edge_index": edge_index, "e": e, "i": i,
            "W0": W0, "b0": b0, "W1": W1, "b1": b1, "W2": W2, "b2": b2,
            "Wr": Wr, "br": br, "Wg1": Wg1, "bg1": bg1, "Wg2": Wg2, "bg2": bg2,
            "Wd1": Wd1, "bd1": bd1, "Wd2": Wd2, "bd2": bd2}


def reference(x, edge_index, e, i, W0, b0, W1, b1, W2, b2, Wr, br,
              Wg1, bg1, Wg2, bg2, Wd1, bd1, Wd2, bd2):
    src = edge_index[0]
    dst = edge_index[1]
    # ---- ECCConv: edge-conditioned convolution ----
    h = jax.nn.relu(e @ W0 + b0)
    h = jax.nn.relu(h @ W1 + b1)
    W2r = W2.reshape(H, F, C_ECC)
    b2r = b2.reshape(F, C_ECC)
    x_src = x[src]                                   # gather [E, F]
    # msg_e = x_src_e @ (h_e @ W2r + b2r), factored to avoid [E,F,C] materialization
    tmp = jnp.einsum('ef,hfo->eho', x_src, W2r)      # [E, H, C]
    msg = jnp.einsum('eho,eh->eo', tmp, h) + x_src @ b2r
    agg = jax.ops.segment_sum(msg, dst, num_segments=N)  # scatter-add [N, C]
    x1 = jax.nn.relu(agg + x @ Wr + br)
    # ---- GCN propagation (sym-normalized adjacency with self loops) ----
    deg = jax.ops.segment_sum(jnp.ones((E,), jnp.float32), dst, num_segments=N) + 1.0
    norm = jax.lax.rsqrt(deg)
    ew = norm[src] * norm[dst]

    def gcn(xx, W, b):
        p = jax.ops.segment_sum(xx[src] * ew[:, None], dst, num_segments=N)
        p = p + xx * (norm * norm)[:, None]
        return jax.nn.relu(p @ W + b)

    x2 = gcn(x1, Wg1, bg1)
    x3 = gcn(x2, Wg2, bg2)
    # ---- GlobalSumPool over graph ids ----
    g = jax.ops.segment_sum(x3, i, num_segments=G)   # [G, C_GCN]
    out = (g @ Wd1 + bd1) @ Wd2 + bd2                # [G, 1]
    return out

if __name__ == "__main__":
    import jax
    _d = setup_inputs()
    print(jax.jit(kernel)(*tuple(_d.values())))

</pallas_src>

<mosaic_0001>
#map = affine_map<(d0, d1) -> (0, 0)>
#map1 = affine_map<(d0, d1) -> (0)>
#map2 = affine_map<(d0, d1) -> (0, 0, 0)>
module attributes {stable_mosaic.version = 14 : i64} {
  func.func @_ecc_body(%arg0: i32, %arg1: i32, %arg2: memref<10112x384xf32, #tpu.memory_space<hbm>>, %arg3: memref<40960x128xf32, #tpu.memory_space<hbm>>, %arg4: memref<163840xi32, #tpu.memory_space<hbm>>, %arg5: memref<163840xi32, #tpu.memory_space<hbm>>, %arg6: memref<2x10112x32xf32, #tpu.memory_space<hbm>>, %arg7: memref<64xi32, #tpu.memory_space<vmem>>, %arg8: memref<64xi32, #tpu.memory_space<vmem>>, %arg9: memref<64x384xf32, #tpu.memory_space<vmem>>, %arg10: memref<16x128xf32, #tpu.memory_space<vmem>>, %arg11: memref<64x32xf32, #tpu.memory_space<vmem>>, %arg12: memref<64x32xf32, #tpu.memory_space<vmem>>, %arg13: memref<10112x32xf32, #tpu.memory_space<vmem_shared>>, %arg14: memref<!tpu.dma_semaphore, #tpu.memory_space<semaphore_mem>>) attributes {dimension_semantics = [#tpu.dimension_semantics<core_parallel>, #tpu.dimension_semantics<subcore_parallel>], iteration_bounds = array<i64: 2, 16>, scalar_prefetch = 0 : i64, scratch_operands = 8 : i64, tpu.core_type = #tpu.core_type<sc_vector_subcore>, window_params = [{transform_indices = #map}, {transform_indices = #map}, {transform_indices = #map1}, {transform_indices = #map1}, {transform_indices = #map2}]} {
    %mul3A = arith.constant 2 : i32
    %mul3A_0 = arith.muli %arg1, %mul3A : i32
    %add3A = arith.addi %mul3A_0, %arg0 : i32
    %scan3A = arith.constant 0 : i32
    %scan3A_1 = arith.constant 0 : i32
    %scan3A_2 = arith.constant 64 : i32
    %scan3A_3 = arith.addi %scan3A_1, %scan3A_2 : i32
    %scan3A_4 = arith.constant 1 : i32
    %scan3A_5 = scf.for %scan3A_45 = %scan3A_1 to %scan3A_3 step %scan3A_4 iter_args(%scan3A_46 = %scan3A) -> (i32)  : i32 {
      %broadcast_in_dim3A_47 = arith.constant 0.000000e+00 : f32
      %broadcast_in_dim3A_48 = vector.broadcast %broadcast_in_dim3A_47 : f32 to vector<16xf32>
      %swap3A = arith.index_cast %scan3A_45 : i32 to index
      %swap3A_49 = arith.constant 0 : index
      %swap3A_50 = tpu.vector_load %arg12[%swap3A, %swap3A_49] {strides = array<i32>} : memref<64x32xf32, #tpu.memory_space<vmem>>, vector<1x16xf32>,
      %swap3A_51 = vector.shape_cast %swap3A_50 : vector<1x16xf32> to vector<16xf32>
      %swap3A_52 = vector.shape_cast %broadcast_in_dim3A_48 : vector<16xf32> to vector<1x16xf32>
      tpu.vector_store %arg12[%swap3A, %swap3A_49], %swap3A_52 {strides = array<i32>} : memref<64x32xf32, #tpu.memory_space<vmem>>, vector<1x16xf32>,
      %broadcast_in_dim3A_53 = arith.constant 0.000000e+00 : f32
      %broadcast_in_dim3A_54 = vector.broadcast %broadcast_in_dim3A_53 : f32 to vector<16xf32>
      %swap3A_55 = arith.index_cast %scan3A_45 : i32 to index
      %swap3A_56 = arith.constant 16 : index
      %swap3A_57 = tpu.vector_load %arg12[%swap3A_55, %swap3A_56] {strides = array<i32>} : memref<64x32xf32, #tpu.memory_space<vmem>>, vector<1x16xf32>,
      %swap3A_58 = vector.shape_cast %swap3A_57 : vector<1x16xf32> to vector<16xf32>
      %swap3A_59 = vector.shape_cast %broadcast_in_dim3A_54 : vector<16xf32> to vector<1x16xf32>
      tpu.vector_store %arg12[%swap3A_55, %swap3A_56], %swap3A_59 {strides = array<i32>} : memref<64x32xf32, #tpu.memory_space<vmem>>, vector<1x16xf32>,
      %scan3A_60 = arith.constant 0 : i32
      scf.yield %scan3A_60 : i32
    }
    %scan3A_6 = arith.constant 64 : i32
    %scan3A_7 = arith.constant 0 : i32
    %scan3A_8 = arith.constant 0 : i32
    %scan3A_9 = arith.constant 9 : i32
    %scan3A_10 = arith.addi %scan3A_8, %scan3A_9 : i32
    %scan3A_11 = arith.constant 1 : i32
    %scan3A_12 = scf.for %scan3A_45 = %scan3A_8 to %scan3A_10 step %scan3A_11 iter_args(%scan3A_46 = %scan3A_7) -> (i32)  : i32 {
      %mul3A_47 = arith.constant 632 : i32
      %mul3A_48 = arith.muli %arg1, %mul3A_47 : i32
      %mul3A_49 = arith.constant 64 : i32
      %mul3A_50 = arith.muli %scan3A_45, %mul3A_49 : i32
      %add3A_51 = arith.addi %mul3A_48, %mul3A_50 : i32
      %multiple_of3A_52 = tpu.assume_multiple %add3A_51, 8 : i32
      "tpu.region"() ({
        %run_scoped3A = tpu.sem_alloc : memref<!tpu.dma_semaphore, #tpu.memory_space<semaphore_mem>>
        %dma_start3A = arith.constant 0 : i32
        %dma_start3A_54 = tpu.memref_slice %arg13[%multiple_of3A_52, %dma_start3A] : memref<10112x32xf32, #tpu.memory_space<vmem_shared>> -> memref<64x32xf32, #tpu.memory_space<vmem_shared>>
        %dma_start3A_55 = arith.constant 0 : i32
        %dma_start3A_56 = tpu.memref_slice %arg13[%multiple_of3A_52, %dma_start3A_55] : memref<10112x32xf32, #tpu.memory_space<vmem_shared>> -> memref<64x32xf32, #tpu.memory_space<vmem_shared>>
        tpu.enqueue_dma source(%arg12 : memref<64x32xf32, #tpu.memory_space<vmem>>) target(%dma_start3A_56 : memref<64x32xf32, #tpu.memory_space<vmem_shared>>) target_semaphore(%run_scoped3A : memref<!tpu.dma_semaphore, #tpu.memory_space<semaphore_mem>>)
        %dma_wait3A = arith.constant 0 : i32
        %dma_wait3A_57 = tpu.memref_slice %arg13[%multiple_of3A_52, %dma_wait3A] : memref<10112x32xf32, #tpu.memory_space<vmem_shared>> -> memref<64x32xf32, #tpu.memory_space<vmem_shared>>
        %dma_wait3A_58 = arith.constant 0 : i32
        %dma_wait3A_59 = tpu.memref_slice %arg13[%multiple_of3A_52, %dma_wait3A_58] : memref<10112x32xf32, #tpu.memory_space<vmem_shared>> -> memref<64x32xf32, #tpu.memory_space<vmem_shared>>
        tpu.wait_dma2 semaphore(%run_scoped3A : memref<!tpu.dma_semaphore, #tpu.memory_space<semaphore_mem>>) src(%arg12 : memref<64x32xf32, #tpu.memory_space<vmem>>) dst(%dma_wait3A_59 : memref<64x32xf32, #tpu.memory_space<vmem_shared>>)
        tpu.yield
      }) : () -> ()
      %scan3A_53 = arith.constant 0 : i32
      scf.yield %scan3A_53 : i32
    }
    %scan3A_13 = arith.constant 9 : i32
    %mul3A_14 = arith.constant 632 : i32
    %mul3A_15 = arith.muli %arg1, %mul3A_14 : i32
    %add3A_16 = arith.constant 576 : i32
    %add3A_17 = arith.addi %mul3A_15, %add3A_16 : i32
    %multiple_of3A = tpu.assume_multiple %add3A_17, 8 : i32
    "tpu.region"() ({
      %run_scoped3A = tpu.sem_alloc : memref<!tpu.dma_semaphore, #tpu.memory_space<semaphore_mem>>
      %dma_start3A = arith.constant 0 : i32
      %dma_start3A_45 = arith.constant 0 : i32
      %dma_start3A_46 = tpu.memref_slice %arg12[%dma_start3A, %dma_start3A_45] : memref<64x32xf32, #tpu.memory_space<vmem>> -> memref<56x32xf32, #tpu.memory_space<vmem>>
      %dma_start3A_47 = arith.constant 0 : i32
      %dma_start3A_48 = tpu.memref_slice %arg13[%multiple_of3A, %dma_start3A_47] : memref<10112x32xf32, #tpu.memory_space<vmem_shared>> -> memref<56x32xf32, #tpu.memory_space<vmem_shared>>
      %dma_start3A_49 = arith.constant 0 : i32
      %dma_start3A_50 = tpu.memref_slice %arg13[%multiple_of3A, %dma_start3A_49] : memref<10112x32xf32, #tpu.memory_space<vmem_shared>> -> memref<56x32xf32, #tpu.memory_space<vmem_shared>>
      %dma_start3A_51 = arith.constant 0 : i32
      %dma_start3A_52 = arith.constant 0 : i32
      %dma_start3A_53 = tpu.memref_slice %arg12[%dma_start3A_51, %dma_start3A_52] : memref<64x32xf32, #tpu.memory_space<vmem>> -> memref<56x32xf32, #tpu.memory_space<vmem>>
      tpu.enqueue_dma source(%dma_start3A_53 : memref<56x32xf32, #tpu.memory_space<vmem>>) target(%dma_start3A_50 : memref<56x32xf32, #tpu.memory_space<vmem_shared>>) target_semaphore(%run_scoped3A : memref<!tpu.dma_semaphore, #tpu.memory_space<semaphore_mem>>)
      %dma_wait3A = arith.constant 0 : i32
      %dma_wait3A_54 = arith.constant 0 : i32
      %dma_wait3A_55 = tpu.memref_slice %arg12[%dma_wait3A, %dma_wait3A_54] : memref<64x32xf32, #tpu.memory_space<vmem>> -> memref<56x32xf32, #tpu.memory_space<vmem>>
      %dma_wait3A_56 = arith.constant 0 : i32
      %dma_wait3A_57 = tpu.memref_slice %arg13[%multiple_of3A, %dma_wait3A_56] : memref<10112x32xf32, #tpu.memory_space<vmem_shared>> -> memref<56x32xf32, #tpu.memory_space<vmem_shared>>
      %dma_wait3A_58 = arith.constant 0 : i32
      %dma_wait3A_59 = tpu.memref_slice %arg13[%multiple_of3A, %dma_wait3A_58] : memref<10112x32xf32, #tpu.memory_space<vmem_shared>> -> memref<56x32xf32, #tpu.memory_space<vmem_shared>>
      %dma_wait3A_60 = arith.constant 0 : i32
      %dma_wait3A_61 = arith.constant 0 : i32
      %dma_wait3A_62 = tpu.memref_slice %arg12[%dma_wait3A_60, %dma_wait3A_61] : memref<64x32xf32, #tpu.memory_space<vmem>> -> memref<56x32xf32, #tpu.memory_space<vmem>>
      tpu.wait_dma2 semaphore(%run_scoped3A : memref<!tpu.dma_semaphore, #tpu.memory_space<semaphore_mem>>) src(%dma_wait3A_62 : memref<56x32xf32, #tpu.memory_space<vmem>>) dst(%dma_wait3A_59 : memref<56x32xf32, #tpu.memory_space<vmem_shared>>)
      tpu.yield
    }) : () -> ()
    %iota3A = tpu.iota {dimensions = array<i32: 0>} : vector<16xi32>
    %eq3A = arith.constant 0 : i32
    %eq3A_18 = vector.broadcast %eq3A : i32 to vector<16xi32>
    %eq3A_19 = arith.cmpi eq, %iota3A, %eq3A_18 : vector<16xi32>
    %jit3A = arith.constant 1.000000e+00 : f32
    %jit3A_20 = arith.constant 0.000000e+00 : f32
    %broadcast_in_dim3A = vector.broadcast %jit3A : f32 to vector<16xf32>
    %broadcast_in_dim3A_21 = vector.broadcast %jit3A_20 : f32 to vector<16xf32>
    %select_n3A = arith.select %eq3A_19, %broadcast_in_dim3A, %broadcast_in_dim3A_21 : vector<16xi1>, vector<16xf32>
    %scan3A_22 = arith.constant 0 : i32
    %scan3A_23 = arith.constant 0 : i32
    %scan3A_24 = arith.constant 64 : i32
    %scan3A_25 = arith.addi %scan3A_23, %scan3A_24 : i32
    %scan3A_26 = arith.constant 1 : i32
    %scan3A_27 = scf.for %scan3A_45 = %scan3A_23 to %scan3A_25 step %scan3A_26 iter_args(%scan3A_46 = %scan3A_22) -> (i32)  : i32 {
      %swap3A = arith.index_cast %scan3A_45 : i32 to index
      %swap3A_47 = arith.constant 16 : index
      %swap3A_48 = tpu.vector_load %arg11[%swap3A, %swap3A_47] {strides = array<i32>} : memref<64x32xf32, #tpu.memory_space<vmem>>, vector<1x16xf32>,
      %swap3A_49 = vector.shape_cast %swap3A_48 : vector<1x16xf32> to vector<16xf32>
      %swap3A_50 = vector.shape_cast %select_n3A : vector<16xf32> to vector<1x16xf32>
      tpu.vector_store %arg11[%swap3A, %swap3A_47], %swap3A_50 {strides = array<i32>} : memref<64x32xf32, #tpu.memory_space<vmem>>, vector<1x16xf32>,
      %scan3A_51 = arith.constant 0 : i32
      scf.yield %scan3A_51 : i32
    }
    %scan3A_28 = arith.constant 64 : i32
    %mul3A_29 = arith.constant 5120 : i32
    %mul3A_30 = arith.muli %add3A, %mul3A_29 : i32
    %mul3A_31 = arith.constant 1280 : i32
    %mul3A_32 = arith.muli %add3A, %mul3A_31 : i32
    %barrier3A = arith.constant 0 : index
    tpu.barrier barrier_id(%barrier3A)
    %scan3A_33 = arith.constant 0 : i32
    %scan3A_34 = arith.constant 0 : i32
    %scan3A_35 = arith.constant 80 : i32
    %scan3A_36 = arith.addi %scan3A_34, %scan3A_35 : i32
    %scan3A_37 = arith.constant 1 : i32
    %scan3A_38 = scf.for %scan3A_45 = %scan3A_34 to %scan3A_36 step %scan3A_37 iter_args(%scan3A_46 = %scan3A_33) -> (i32)  : i32 {
      %mul3A_47 = arith.constant 64 : i32
      %mul3A_48 = arith.muli %scan3A_45, %mul3A_47 : i32
      %add3A_49 = arith.addi %mul3A_30, %mul3A_48 : i32
      %multiple_of3A_50 = tpu.assume_multiple %add3A_49, 64 : i32
      %mul3A_51 = arith.constant 16 : i32
      %mul3A_52 = arith.muli %scan3A_45, %mul3A_51 : i32
      %add3A_53 = arith.addi %mul3A_32, %mul3A_52 : i32
      %multiple_of3A_54 = tpu.assume_multiple %add3A_53, 8 : i32
      "tpu.region"() ({
        %run_scoped3A = tpu.sem_alloc : memref<!tpu.dma_semaphore, #tpu.memory_space<semaphore_mem>>
        %dma_start3A_67 = tpu.memref_slice %arg4[%multiple_of3A_50] : memref<163840xi32, #tpu.memory_space<hbm>> -> memref<64xi32, #tpu.memory_space<hbm>>
        %dma_start3A_68 = tpu.memref_slice %arg4[%multiple_of3A_50] : memref<163840xi32, #tpu.memory_space<hbm>> -> memref<64xi32, #tpu.memory_space<hbm>>
        tpu.enqueue_dma source(%dma_start3A_68 : memref<64xi32, #tpu.memory_space<hbm>>) target(%arg7 : memref<64xi32, #tpu.memory_space<vmem>>) target_semaphore(%run_scoped3A : memref<!tpu.dma_semaphore, #tpu.memory_space<semaphore_mem>>)
        %dma_wait3A_69 = tpu.memref_slice %arg4[%multiple_of3A_50] : memref<163840xi32, #tpu.memory_space<hbm>> -> memref<64xi32, #tpu.memory_space<hbm>>
        %dma_wait3A_70 = tpu.memref_slice %arg4[%multiple_of3A_50] : memref<163840xi32, #tpu.memory_space<hbm>> -> memref<64xi32, #tpu.memory_space<hbm>>
        tpu.wait_dma2 semaphore(%run_scoped3A : memref<!tpu.dma_semaphore, #tpu.memory_space<semaphore_mem>>) src(%dma_wait3A_70 : memref<64xi32, #tpu.memory_space<hbm>>) dst(%arg7 : memref<64xi32, #tpu.memory_space<vmem>>)
        tpu.yield
      }) : () -> ()
      "tpu.region"() ({
        %run_scoped3A = tpu.sem_alloc : memref<!tpu.dma_semaphore, #tpu.memory_space<semaphore_mem>>
        %dma_start3A_67 = tpu.memref_slice %arg5[%multiple_of3A_50] : memref<163840xi32, #tpu.memory_space<hbm>> -> memref<64xi32, #tpu.memory_space<hbm>>
        %dma_start3A_68 = tpu.memref_slice %arg5[%multiple_of3A_50] : memref<163840xi32, #tpu.memory_space<hbm>> -> memref<64xi32, #tpu.memory_space<hbm>>
        tpu.enqueue_dma source(%dma_start3A_68 : memref<64xi32, #tpu.memory_space<hbm>>) target(%arg8 : memref<64xi32, #tpu.memory_space<vmem>>) target_semaphore(%run_scoped3A : memref<!tpu.dma_semaphore, #tpu.memory_space<semaphore_mem>>)
        %dma_wait3A_69 = tpu.memref_slice %arg5[%multiple_of3A_50] : memref<163840xi32, #tpu.memory_space<hbm>> -> memref<64xi32, #tpu.memory_space<hbm>>
        %dma_wait3A_70 = tpu.memref_slice %arg5[%multiple_of3A_50] : memref<163840xi32, #tpu.memory_space<hbm>> -> memref<64xi32, #tpu.memory_space<hbm>>
        tpu.wait_dma2 semaphore(%run_scoped3A : memref<!tpu.dma_semaphore, #tpu.memory_space<semaphore_mem>>) src(%dma_wait3A_70 : memref<64xi32, #tpu.memory_space<hbm>>) dst(%arg8 : memref<64xi32, #tpu.memory_space<vmem>>)
        tpu.yield
      }) : () -> ()
      "tpu.region"() ({
        %run_scoped3A = tpu.sem_alloc : memref<!tpu.dma_semaphore, #tpu.memory_space<semaphore_mem>>
        %dma_start3A_67 = arith.constant 0 : i32
        %dma_start3A_68 = tpu.memref_slice %arg3[%multiple_of3A_54, %dma_start3A_67] : memref<40960x128xf32, #tpu.memory_space<hbm>> -> memref<16x128xf32, #tpu.memory_space<hbm>>
        %dma_start3A_69 = arith.constant 0 : i32
        %dma_start3A_70 = tpu.memref_slice %arg3[%multiple_of3A_54, %dma_start3A_69] : memref<40960x128xf32, #tpu.memory_space<hbm>> -> memref<16x128xf32, #tpu.memory_space<hbm>>
        tpu.enqueue_dma source(%dma_start3A_70 : memref<16x128xf32, #tpu.memory_space<hbm>>) target(%arg10 : memref<16x128xf32, #tpu.memory_space<vmem>>) target_semaphore(%run_scoped3A : memref<!tpu.dma_semaphore, #tpu.memory_space<semaphore_mem>>)
        %dma_wait3A_71 = arith.constant 0 : i32
        %dma_wait3A_72 = tpu.memref_slice %arg3[%multiple_of3A_54, %dma_wait3A_71] : memref<40960x128xf32, #tpu.memory_space<hbm>> -> memref<16x128xf32, #tpu.memory_space<hbm>>
        %dma_wait3A_73 = arith.constant 0 : i32
        %dma_wait3A_74 = tpu.memref_slice %arg3[%multiple_of3A_54, %dma_wait3A_73] : memref<40960x128xf32, #tpu.memory_space<hbm>> -> memref<16x128xf32, #tpu.memory_space<hbm>>
        tpu.wait_dma2 semaphore(%run_scoped3A : memref<!tpu.dma_semaphore, #tpu.memory_space<semaphore_mem>>) src(%dma_wait3A_74 : memref<16x128xf32, #tpu.memory_space<hbm>>) dst(%arg10 : memref<16x128xf32, #tpu.memory_space<vmem>>)
        tpu.yield
      }) : () -> ()
      %dma_start3A = arith.constant 0 : i32
      %dma_start3A_55 = arith.constant 0 : i32
      %dma_start3A_56 = tpu.memref_slice %arg2[%dma_start3A, %dma_start3A_55] : memref<10112x384xf32, #tpu.memory_space<hbm>> -> memref<10112x384xf32, #tpu.memory_space<hbm>>
      tpu.enqueue_indirect_dma source(%dma_start3A_56 : memref<10112x384xf32, #tpu.memory_space<hbm>>) target(%arg9 : memref<64x384xf32, #tpu.memory_space<vmem>>) offsets(%arg7 : memref<64xi32, #tpu.memory_space<vmem>>) semaphore(%arg14 : memref<!tpu.dma_semaphore, #tpu.memory_space<semaphore_mem>>)
      %dma_wait3A = arith.constant 0 : i32
      %dma_wait3A_57 = arith.constant 0 : i32
      %dma_wait3A_58 = tpu.memref_slice %arg2[%dma_wait3A, %dma_wait3A_57] : memref<10112x384xf32, #tpu.memory_space<hbm>> -> memref<10112x384xf32, #tpu.memory_space<hbm>>
      tpu.wait_indirect_dma semaphore(%arg14 : memref<!tpu.dma_semaphore, #tpu.memory_space<semaphore_mem>>) src(%dma_wait3A_58 : memref<10112x384xf32, #tpu.memory_space<hbm>>) dst(%arg9 : memref<64x384xf32, #tpu.memory_space<vmem>>)
      %scan3A_59 = arith.constant 0 : i32
      %scan3A_60 = arith.constant 0 : i32
      %scan3A_61 = arith.constant 64 : i32
      %scan3A_62 = arith.addi %scan3A_60, %scan3A_61 : i32
      %scan3A_63 = arith.constant 1 : i32
      %scan3A_64 = scf.for %scan3A_67 = %scan3A_60 to %scan3A_62 step %scan3A_63 iter_args(%scan3A_68 = %scan3A_59) -> (i32)  : i32 {
        %jit3A_69 = arith.constant 4 : i32
        %div3A = arith.divsi %scan3A_67, %jit3A_69 : i32
        %sign3A = arith.constant 0 : i32
        %sign3A_70 = arith.cmpi sgt, %scan3A_67, %sign3A : i32
        %sign3A_71 = arith.extui %sign3A_70 : i1 to i32
        %sign3A_72 = arith.constant 0 : i32
        %sign3A_73 = arith.cmpi slt, %scan3A_67, %sign3A_72 : i32
        %sign3A_74 = arith.extui %sign3A_73 : i1 to i32
        %sign3A_75 = arith.subi %sign3A_71, %sign3A_74 : i32
        %sign3A_76 = arith.constant 0 : i32
        %sign3A_77 = arith.cmpi sgt, %jit3A_69, %sign3A_76 : i32
        %sign3A_78 = arith.extui %sign3A_77 : i1 to i32
        %sign3A_79 = arith.constant 0 : i32
        %sign3A_80 = arith.cmpi slt, %jit3A_69, %sign3A_79 : i32
        %sign3A_81 = arith.extui %sign3A_80 : i1 to i32
        %sign3A_82 = arith.subi %sign3A_78, %sign3A_81 : i32
        %ne3A = arith.cmpi ne, %sign3A_75, %sign3A_82 : i32
        %rem3A = arith.remsi %scan3A_67, %jit3A_69 : i32
        %ne3A_83 = arith.constant 0 : i32
        %ne3A_84 = arith.cmpi ne, %rem3A, %ne3A_83 : i32
        %and3A = arith.andi %ne3A, %ne3A_84 : i1
        %sub3A = arith.constant 1 : i32
        %sub3A_85 = arith.subi %div3A, %sub3A : i32
        %select_n3A_86 = arith.select %and3A, %sub3A_85, %div3A : i32
        %mul3A_87 = arith.constant 4 : i32
        %mul3A_88 = arith.muli %mul3A_87, %select_n3A_86 : i32
        %sub3A_89 = arith.subi %scan3A_67, %mul3A_88 : i32
        %mul3A_90 = arith.constant 32 : i32
        %mul3A_91 = arith.muli %sub3A_89, %mul3A_90 : i32
        %get3A = arith.index_cast %select_n3A_86 : i32 to index
        %get3A_92 = arith.index_cast %mul3A_91 : i32 to index
        %get3A_93 = tpu.vector_load %arg10[%get3A, %get3A_92] {strides = array<i32>} : memref<16x128xf32, #tpu.memory_space<vmem>>, vector<1x16xf32>,
        %get3A_94 = vector.shape_cast %get3A_93 : vector<1x16xf32> to vector<16xf32>
        %add3A_95 = arith.constant 16 : i32
        %add3A_96 = arith.addi %mul3A_91, %add3A_95 : i32
        %get3A_97 = arith.index_cast %select_n3A_86 : i32 to index
        %get3A_98 = arith.index_cast %add3A_96 : i32 to index
        %get3A_99 = tpu.vector_load %arg10[%get3A_97, %get3A_98] {strides = array<i32>} : memref<16x128xf32, #tpu.memory_space<vmem>>, vector<1x16xf32>,
        %get3A_100 = vector.shape_cast %get3A_99 : vector<1x16xf32> to vector<16xf32>
        %get3A_101 = arith.index_cast %scan3A_67 : i32 to index
        %get3A_102 = arith.constant 320 : index
        %get3A_103 = tpu.vector_load %arg9[%get3A_101, %get3A_102] {strides = array<i32>} : memref<64x384xf32, #tpu.memory_space<vmem>>, vector<1x16xf32>,
        %get3A_104 = vector.shape_cast %get3A_103 : vector<1x16xf32> to vector<16xf32>
        %slice3A = vector.extract_strided_slice %get3A_94 {offsets = [0], sizes = [1], strides = [1]} : vector<16xf32> to vector<1xf32>
        %squeeze3A = vector.extract %slice3A[0] : f32 from vector<1xf32>
        %get3A_105 = arith.index_cast %scan3A_67 : i32 to index
        %get3A_106 = arith.constant 0 : index
        %get3A_107 = tpu.vector_load %arg9[%get3A_105, %get3A_106] {strides = array<i32>} : memref<64x384xf32, #tpu.memory_space<vmem>>, vector<1x16xf32>,
        %get3A_108 = vector.shape_cast %get3A_107 : vector<1x16xf32> to vector<16xf32>
        %mul3A_109 = vector.broadcast %squeeze3A : f32 to vector<16xf32>
        %mul3A_110 = arith.mulf %get3A_108, %mul3A_109 : vector<16xf32>
        %add3A_111 = arith.addf %get3A_104, %mul3A_110 : vector<16xf32>
        %slice3A_112 = vector.extract_strided_slice %get3A_94 {offsets = [1], sizes = [1], strides = [1]} : vector<16xf32> to vector<1xf32>
        %squeeze3A_113 = vector.extract %slice3A_112[0] : f32 from vector<1xf32>
        %get3A_114 = arith.index_cast %scan3A_67 : i32 to index
        %get3A_115 = arith.constant 16 : index
        %get3A_116 = tpu.vector_load %arg9[%get3A_114, %get3A_115] {strides = array<i32>} : memref<64x384xf32, #tpu.memory_space<vmem>>, vector<1x16xf32>,
        %get3A_117 = vector.shape_cast %get3A_116 : vector<1x16xf32> to vector<16xf32>
        %mul3A_118 = vector.broadcast %squeeze3A_113 : f32 to vector<16xf32>
        %mul3A_119 = arith.mulf %get3A_117, %mul3A_118 : vector<16xf32>
        %add3A_120 = arith.addf %add3A_111, %mul3A_119 : vector<16xf32>
        %slice3A_121 = vector.extract_strided_slice %get3A_94 {offsets = [2], sizes = [1], strides = [1]} : vector<16xf32> to vector<1xf32>
        %squeeze3A_122 = vector.extract %slice3A_121[0] : f32 from vector<1xf32>
        %get3A_123 = arith.index_cast %scan3A_67 : i32 to index
        %get3A_124 = arith.constant 32 : index
        %get3A_125 = tpu.vector_load %arg9[%get3A_123, %get3A_124] {strides = array<i32>} : memref<64x384xf32, #tpu.memory_space<vmem>>, vector<1x16xf32>,
        %get3A_126 = vector.shape_cast %get3A_125 : vector<1x16xf32> to vector<16xf32>
        %mul3A_127 = vector.broadcast %squeeze3A_122 : f32 to vector<16xf32>
        %mul3A_128 = arith.mulf %get3A_126, %mul3A_127 : vector<16xf32>
        %add3A_129 = arith.addf %add3A_120, %mul3A_128 : vector<16xf32>
        %slice3A_130 = vector.extract_strided_slice %get3A_94 {offsets = [3], sizes = [1], strides = [1]} : vector<16xf32> to vector<1xf32>
        %squeeze3A_131 = vector.extract %slice3A_130[0] : f32 from vector<1xf32>
        %get3A_132 = arith.index_cast %scan3A_67 : i32 to index
        %get3A_133 = arith.constant 48 : index
        %get3A_134 = tpu.vector_load %arg9[%get3A_132, %get3A_133] {strides = array<i32>} : memref<64x384xf32, #tpu.memory_space<vmem>>, vector<1x16xf32>,
        %get3A_135 = vector.shape_cast %get3A_134 : vector<1x16xf32> to vector<16xf32>
        %mul3A_136 = vector.broadcast %squeeze3A_131 : f32 to vector<16xf32>
        %mul3A_137 = arith.mulf %get3A_135, %mul3A_136 : vector<16xf32>
        %add3A_138 = arith.addf %add3A_129, %mul3A_137 : vector<16xf32>
        %slice3A_139 = vector.extract_strided_slice %get3A_94 {offsets = [4], sizes = [1], strides = [1]} : vector<16xf32> to vector<1xf32>
        %squeeze3A_140 = vector.extract %slice3A_139[0] : f32 from vector<1xf32>
        %get3A_141 = arith.index_cast %scan3A_67 : i32 to index
        %get3A_142 = arith.constant 64 : index
        %get3A_143 = tpu.vector_load %arg9[%get3A_141, %get3A_142] {strides = array<i32>} : memref<64x384xf32, #tpu.memory_space<vmem>>, vector<1x16xf32>,
        %get3A_144 = vector.shape_cast %get3A_143 : vector<1x16xf32> to vector<16xf32>
        %mul3A_145 = vector.broadcast %squeeze3A_140 : f32 to vector<16xf32>
        %mul3A_146 = arith.mulf %get3A_144, %mul3A_145 : vector<16xf32>
        %add3A_147 = arith.addf %add3A_138, %mul3A_146 : vector<16xf32>
        %slice3A_148 = vector.extract_strided_slice %get3A_94 {offsets = [5], sizes = [1], strides = [1]} : vector<16xf32> to vector<1xf32>
        %squeeze3A_149 = vector.extract %slice3A_148[0] : f32 from vector<1xf32>
        %get3A_150 = arith.index_cast %scan3A_67 : i32 to index
        %get3A_151 = arith.constant 80 : index
        %get3A_152 = tpu.vector_load %arg9[%get3A_150, %get3A_151] {strides = array<i32>} : memref<64x384xf32, #tpu.memory_space<vmem>>, vector<1x16xf32>,
        %get3A_153 = vector.shape_cast %get3A_152 : vector<1x16xf32> to vector<16xf32>
        %mul3A_154 = vector.broadcast %squeeze3A_149 : f32 to vector<16xf32>
        %mul3A_155 = arith.mulf %get3A_153, %mul3A_154 : vector<16xf32>
        %add3A_156 = arith.addf %add3A_147, %mul3A_155 : vector<16xf32>
        %slice3A_157 = vector.extract_strided_slice %get3A_94 {offsets = [6], sizes = [1], strides = [1]} : vector<16xf32> to vector<1xf32>
        %squeeze3A_158 = vector.extract %slice3A_157[0] : f32 from vector<1xf32>
        %get3A_159 = arith.index_cast %scan3A_67 : i32 to index
        %get3A_160 = arith.constant 96 : index
        %get3A_161 = tpu.vector_load %arg9[%get3A_159, %get3A_160] {strides = array<i32>} : memref<64x384xf32, #tpu.memory_space<vmem>>, vector<1x16xf32>,
        %get3A_162 = vector.shape_cast %get3A_161 : vector<1x16xf32> to vector<16xf32>
        %mul3A_163 = vector.broadcast %squeeze3A_158 : f32 to vector<16xf32>
        %mul3A_164 = arith.mulf %get3A_162, %mul3A_163 : vector<16xf32>
        %add3A_165 = arith.addf %add3A_156, %mul3A_164 : vector<16xf32>
        %slice3A_166 = vector.extract_strided_slice %get3A_94 {offsets = [7], sizes = [1], strides = [1]} : vector<16xf32> to vector<1xf32>
        %squeeze3A_167 = vector.extract %slice3A_166[0] : f32 from vector<1xf32>
        %get3A_168 = arith.index_cast %scan3A_67 : i32 to index
        %get3A_169 = arith.constant 112 : index
        %get3A_170 = tpu.vector_load %arg9[%get3A_168, %get3A_169] {strides = array<i32>} : memref<64x384xf32, #tpu.memory_space<vmem>>, vector<1x16xf32>,
        %get3A_171 = vector.shape_cast %get3A_170 : vector<1x16xf32> to vector<16xf32>
        %mul3A_172 = vector.broadcast %squeeze3A_167 : f32 to vector<16xf32>
        %mul3A_173 = arith.mulf %get3A_171, %mul3A_172 : vector<16xf32>
        %add3A_174 = arith.addf %add3A_165, %mul3A_173 : vector<16xf32>
        %slice3A_175 = vector.extract_strided_slice %get3A_94 {offsets = [8], sizes = [1], strides = [1]} : vector<16xf32> to vector<1xf32>
        %squeeze3A_176 = vector.extract %slice3A_175[0] : f32 from vector<1xf32>
        %get3A_177 = arith.index_cast %scan3A_67 : i32 to index
        %get3A_178 = arith.constant 128 : index
        %get3A_179 = tpu.vector_load %arg9[%get3A_177, %get3A_178] {strides = array<i32>} : memref<64x384xf32, #tpu.memory_space<vmem>>, vector<1x16xf32>,
        %get3A_180 = vector.shape_cast %get3A_179 : vector<1x16xf32> to vector<16xf32>
        %mul3A_181 = vector.broadcast %squeeze3A_176 : f32 to vector<16xf32>
        %mul3A_182 = arith.mulf %get3A_180, %mul3A_181 : vector<16xf32>
        %add3A_183 = arith.addf %add3A_174, %mul3A_182 : vector<16xf32>
        %slice3A_184 = vector.extract_strided_slice %get3A_94 {offsets = [9], sizes = [1], strides = [1]} : vector<16xf32> to vector<1xf32>
        %squeeze3A_185 = vector.extract %slice3A_184[0] : f32 from vector<1xf32>
        %get3A_186 = arith.index_cast %scan3A_67 : i32 to index
        %get3A_187 = arith.constant 144 : index
        %get3A_188 = tpu.vector_load %arg9[%get3A_186, %get3A_187] {strides = array<i32>} : memref<64x384xf32, #tpu.memory_space<vmem>>, vector<1x16xf32>,
        %get3A_189 = vector.shape_cast %get3A_188 : vector<1x16xf32> to vector<16xf32>
        %mul3A_190 = vector.broadcast %squeeze3A_185 : f32 to vector<16xf32>
        %mul3A_191 = arith.mulf %get3A_189, %mul3A_190 : vector<16xf32>
        %add3A_192 = arith.addf %add3A_183, %mul3A_191 : vector<16xf32>
        %slice3A_193 = vector.extract_strided_slice %get3A_94 {offsets = [10], sizes = [1], strides = [1]} : vector<16xf32> to vector<1xf32>
        %squeeze3A_194 = vector.extract %slice3A_193[0] : f32 from vector<1xf32>
        %get3A_195 = arith.index_cast %scan3A_67 : i32 to index
        %get3A_196 = arith.constant 160 : index
        %get3A_197 = tpu.vector_load %arg9[%get3A_195, %get3A_196] {strides = array<i32>} : memref<64x384xf32, #tpu.memory_space<vmem>>, vector<1x16xf32>,
        %get3A_198 = vector.shape_cast %get3A_197 : vector<1x16xf32> to vector<16xf32>
        %mul3A_199 = vector.broadcast %squeeze3A_194 : f32 to vector<16xf32>
        %mul3A_200 = arith.mulf %get3A_198, %mul3A_199 : vector<16xf32>
        %add3A_201 = arith.addf %add3A_192, %mul3A_200 : vector<16xf32>
        %slice3A_202 = vector.extract_strided_slice %get3A_94 {offsets = [11], sizes = [1], strides = [1]} : vector<16xf32> to vector<1xf32>
        %squeeze3A_203 = vector.extract %slice3A_202[0] : f32 from vector<1xf32>
        %get3A_204 = arith.index_cast %scan3A_67 : i32 to index
        %get3A_205 = arith.constant 176 : index
        %get3A_206 = tpu.vector_load %arg9[%get3A_204, %get3A_205] {strides = array<i32>} : memref<64x384xf32, #tpu.memory_space<vmem>>, vector<1x16xf32>,
        %get3A_207 = vector.shape_cast %get3A_206 : vector<1x16xf32> to vector<16xf32>
        %mul3A_208 = vector.broadcast %squeeze3A_203 : f32 to vector<16xf32>
        %mul3A_209 = arith.mulf %get3A_207, %mul3A_208 : vector<16xf32>
        %add3A_210 = arith.addf %add3A_201, %mul3A_209 : vector<16xf32>
        %slice3A_211 = vector.extract_strided_slice %get3A_94 {offsets = [12], sizes = [1], strides = [1]} : vector<16xf32> to vector<1xf32>
        %squeeze3A_212 = vector.extract %slice3A_211[0] : f32 from vector<1xf32>
        %get3A_213 = arith.index_cast %scan3A_67 : i32 to index
        %get3A_214 = arith.constant 192 : index
        %get3A_215 = tpu.vector_load %arg9[%get3A_213, %get3A_214] {strides = array<i32>} : memref<64x384xf32, #tpu.memory_space<vmem>>, vector<1x16xf32>,
        %get3A_216 = vector.shape_cast %get3A_215 : vector<1x16xf32> to vector<16xf32>
        %mul3A_217 = vector.broadcast %squeeze3A_212 : f32 to vector<16xf32>
        %mul3A_218 = arith.mulf %get3A_216, %mul3A_217 : vector<16xf32>
        %add3A_219 = arith.addf %add3A_210, %mul3A_218 : vector<16xf32>
        %slice3A_220 = vector.extract_strided_slice %get3A_94 {offsets = [13], sizes = [1], strides = [1]} : vector<16xf32> to vector<1xf32>
        %squeeze3A_221 = vector.extract %slice3A_220[0] : f32 from vector<1xf32>
        %get3A_222 = arith.index_cast %scan3A_67 : i32 to index
        %get3A_223 = arith.constant 208 : index
        %get3A_224 = tpu.vector_load %arg9[%get3A_222, %get3A_223] {strides = array<i32>} : memref<64x384xf32, #tpu.memory_space<vmem>>, vector<1x16xf32>,
        %get3A_225 = vector.shape_cast %get3A_224 : vector<1x16xf32> to vector<16xf32>
        %mul3A_226 = vector.broadcast %squeeze3A_221 : f32 to vector<16xf32>
        %mul3A_227 = arith.mulf %get3A_225, %mul3A_226 : vector<16xf32>
        %add3A_228 = arith.addf %add3A_219, %mul3A_227 : vector<16xf32>
        %slice3A_229 = vector.extract_strided_slice %get3A_94 {offsets = [14], sizes = [1], strides = [1]} : vector<16xf32> to vector<1xf32>
        %squeeze3A_230 = vector.extract %slice3A_229[0] : f32 from vector<1xf32>
        %get3A_231 = arith.index_cast %scan3A_67 : i32 to index
        %get3A_232 = arith.constant 224 : index
        %get3A_233 = tpu.vector_load %arg9[%get3A_231, %get3A_232] {strides = array<i32>} : memref<64x384xf32, #tpu.memory_space<vmem>>, vector<1x16xf32>,
        %get3A_234 = vector.shape_cast %get3A_233 : vector<1x16xf32> to vector<16xf32>
        %mul3A_235 = vector.broadcast %squeeze3A_230 : f32 to vector<16xf32>
        %mul3A_236 = arith.mulf %get3A_234, %mul3A_235 : vector<16xf32>
        %add3A_237 = arith.addf %add3A_228, %mul3A_236 : vector<16xf32>
        %slice3A_238 = vector.extract_strided_slice %get3A_94 {offsets = [15], sizes = [1], strides = [1]} : vector<16xf32> to vector<1xf32>
        %squeeze3A_239 = vector.extract %slice3A_238[0] : f32 from vector<1xf32>
        %get3A_240 = arith.index_cast %scan3A_67 : i32 to index
        %get3A_241 = arith.constant 240 : index
        %get3A_242 = tpu.vector_load %arg9[%get3A_240, %get3A_241] {strides = array<i32>} : memref<64x384xf32, #tpu.memory_space<vmem>>, vector<1x16xf32>,
        %get3A_243 = vector.shape_cast %get3A_242 : vector<1x16xf32> to vector<16xf32>
        %mul3A_244 = vector.broadcast %squeeze3A_239 : f32 to vector<16xf32>
        %mul3A_245 = arith.mulf %get3A_243, %mul3A_244 : vector<16xf32>
        %add3A_246 = arith.addf %add3A_237, %mul3A_245 : vector<16xf32>
        %slice3A_247 = vector.extract_strided_slice %get3A_100 {offsets = [0], sizes = [1], strides = [1]} : vector<16xf32> to vector<1xf32>
        %squeeze3A_248 = vector.extract %slice3A_247[0] : f32 from vector<1xf32>
        %get3A_249 = arith.index_cast %scan3A_67 : i32 to index
        %get3A_250 = arith.constant 256 : index
        %get3A_251 = tpu.vector_load %arg9[%get3A_249, %get3A_250] {strides = array<i32>} : memref<64x384xf32, #tpu.memory_space<vmem>>, vector<1x16xf32>,
        %get3A_252 = vector.shape_cast %get3A_251 : vector<1x16xf32> to vector<16xf32>
        %mul3A_253 = vector.broadcast %squeeze3A_248 : f32 to vector<16xf32>
        %mul3A_254 = arith.mulf %get3A_252, %mul3A_253 : vector<16xf32>
        %add3A_255 = arith.addf %add3A_246, %mul3A_254 : vector<16xf32>
        %slice3A_256 = vector.extract_strided_slice %get3A_100 {offsets = [1], sizes = [1], strides = [1]} : vector<16xf32> to vector<1xf32>
        %squeeze3A_257 = vector.extract %slice3A_256[0] : f32 from vector<1xf32>
        %get3A_258 = arith.index_cast %scan3A_67 : i32 to index
        %get3A_259 = arith.constant 272 : index
        %get3A_260 = tpu.vector_load %arg9[%get3A_258, %get3A_259] {strides = array<i32>} : memref<64x384xf32, #tpu.memory_space<vmem>>, vector<1x16xf32>,
        %get3A_261 = vector.shape_cast %get3A_260 : vector<1x16xf32> to vector<16xf32>
        %mul3A_262 = vector.broadcast %squeeze3A_257 : f32 to vector<16xf32>
        %mul3A_263 = arith.mulf %get3A_261, %mul3A_262 : vector<16xf32>
        %add3A_264 = arith.addf %add3A_255, %mul3A_263 : vector<16xf32>
        %slice3A_265 = vector.extract_strided_slice %get3A_100 {offsets = [2], sizes = [1], strides = [1]} : vector<16xf32> to vector<1xf32>
        %squeeze3A_266 = vector.extract %slice3A_265[0] : f32 from vector<1xf32>
        %get3A_267 = arith.index_cast %scan3A_67 : i32 to index
        %get3A_268 = arith.constant 288 : index
        %get3A_269 = tpu.vector_load %arg9[%get3A_267, %get3A_268] {strides = array<i32>} : memref<64x384xf32, #tpu.memory_space<vmem>>, vector<1x16xf32>,
        %get3A_270 = vector.shape_cast %get3A_269 : vector<1x16xf32> to vector<16xf32>
        %mul3A_271 = vector.broadcast %squeeze3A_266 : f32 to vector<16xf32>
        %mul3A_272 = arith.mulf %get3A_270, %mul3A_271 : vector<16xf32>
        %add3A_273 = arith.addf %add3A_264, %mul3A_272 : vector<16xf32>
        %slice3A_274 = vector.extract_strided_slice %get3A_100 {offsets = [3], sizes = [1], strides = [1]} : vector<16xf32> to vector<1xf32>
        %squeeze3A_275 = vector.extract %slice3A_274[0] : f32 from vector<1xf32>
        %get3A_276 = arith.index_cast %scan3A_67 : i32 to index
        %get3A_277 = arith.constant 304 : index
        %get3A_278 = tpu.vector_load %arg9[%get3A_276, %get3A_277] {strides = array<i32>} : memref<64x384xf32, #tpu.memory_space<vmem>>, vector<1x16xf32>,
        %get3A_279 = vector.shape_cast %get3A_278 : vector<1x16xf32> to vector<16xf32>
        %mul3A_280 = vector.broadcast %squeeze3A_275 : f32 to vector<16xf32>
        %mul3A_281 = arith.mulf %get3A_279, %mul3A_280 : vector<16xf32>
        %add3A_282 = arith.addf %add3A_273, %mul3A_281 : vector<16xf32>
        %swap3A = arith.index_cast %scan3A_67 : i32 to index
        %swap3A_283 = arith.constant 0 : index
        %swap3A_284 = tpu.vector_load %arg11[%swap3A, %swap3A_283] {strides = array<i32>} : memref<64x32xf32, #tpu.memory_space<vmem>>, vector<1x16xf32>,
        %swap3A_285 = vector.shape_cast %swap3A_284 : vector<1x16xf32> to vector<16xf32>
        %swap3A_286 = vector.shape_cast %add3A_282 : vector<16xf32> to vector<1x16xf32>
        tpu.vector_store %arg11[%swap3A, %swap3A_283], %swap3A_286 {strides = array<i32>} : memref<64x32xf32, #tpu.memory_space<vmem>>, vector<1x16xf32>,
        %scan3A_287 = arith.constant 0 : i32
        scf.yield %scan3A_287 : i32
      }
      %scan3A_65 = arith.constant 64 : i32
      "tpu.region"() ({
        %run_scoped3A = tpu.sem_alloc : memref<!tpu.dma_semaphore, #tpu.memory_space<semaphore_mem>>
        %dma_start3A_67 = arith.constant 0 : i32
        %dma_start3A_68 = arith.constant 0 : i32
        %dma_start3A_69 = tpu.memref_slice %arg13[%dma_start3A_67, %dma_start3A_68] : memref<10112x32xf32, #tpu.memory_space<vmem_shared>> -> memref<10112x32xf32, #tpu.memory_space<vmem_shared>>
        tpu.enqueue_indirect_dma source(%arg11 : memref<64x32xf32, #tpu.memory_space<vmem>>) target(%dma_start3A_69 : memref<10112x32xf32, #tpu.memory_space<vmem_shared>>) offsets(%arg8 : memref<64xi32, #tpu.memory_space<vmem>>) semaphore(%run_scoped3A : memref<!tpu.dma_semaphore, #tpu.memory_space<semaphore_mem>>) {add = true}
        %dma_wait3A_70 = arith.constant 0 : i32
        %dma_wait3A_71 = arith.constant 0 : i32
        %dma_wait3A_72 = tpu.memref_slice %arg13[%dma_wait3A_70, %dma_wait3A_71] : memref<10112x32xf32, #tpu.memory_space<vmem_shared>> -> memref<10112x32xf32, #tpu.memory_space<vmem_shared>>
        tpu.wait_indirect_dma semaphore(%run_scoped3A : memref<!tpu.dma_semaphore, #tpu.memory_space<semaphore_mem>>) src(%arg11 : memref<64x32xf32, #tpu.memory_space<vmem>>) dst(%dma_wait3A_72 : memref<10112x32xf32, #tpu.memory_space<vmem_shared>>)
        tpu.yield
      }) : () -> ()
      %scan3A_66 = arith.constant 0 : i32
      scf.yield %scan3A_66 : i32
    }
    %scan3A_39 = arith.constant 80 : i32
    %barrier3A_40 = arith.constant 0 : index
    tpu.barrier barrier_id(%barrier3A_40)
    %mul3A_41 = arith.constant 632 : i32
    %mul3A_42 = arith.muli %arg1, %mul3A_41 : i32
    %mul3A_43 = arith.constant 632 : i32
    %mul3A_44 = arith.muli %arg1, %mul3A_43 : i32
    "tpu.region"() ({
      %run_scoped3A = tpu.sem_alloc : memref<!tpu.dma_semaphore, #tpu.memory_space<semaphore_mem>>
      %dma_start3A = arith.constant 0 : i32
      %dma_start3A_45 = tpu.memref_slice %arg6[%arg0, %mul3A_44, %dma_start3A] : memref<2x10112x32xf32, #tpu.memory_space<hbm>> -> memref<1x632x32xf32, #tpu.memory_space<hbm>>
      %dma_start3A_46 = tpu.memref_squeeze %dma_start3A_45 : memref<1x632x32xf32, #tpu.memory_space<hbm>> -> memref<632x32xf32, #tpu.memory_space<hbm>>
      %dma_start3A_47 = arith.constant 0 : i32
      %dma_start3A_48 = tpu.memref_slice %arg13[%mul3A_42, %dma_start3A_47] : memref<10112x32xf32, #tpu.memory_space<vmem_shared>> -> memref<632x32xf32, #tpu.memory_space<vmem_shared>>
      tpu.enqueue_dma source(%dma_start3A_48 : memref<632x32xf32, #tpu.memory_space<vmem_shared>>) target(%dma_start3A_46 : memref<632x32xf32, #tpu.memory_space<hbm>>) target_semaphore(%run_scoped3A : memref<!tpu.dma_semaphore, #tpu.memory_space<semaphore_mem>>)
      %dma_wait3A = arith.constant 0 : i32
      %dma_wait3A_49 = tpu.memref_slice %arg6[%arg0, %mul3A_44, %dma_wait3A] : memref<2x10112x32xf32, #tpu.memory_space<hbm>> -> memref<1x632x32xf32, #tpu.memory_space<hbm>>
      %dma_wait3A_50 = tpu.memref_squeeze %dma_wait3A_49 : memref<1x632x32xf32, #tpu.memory_space<hbm>> -> memref<632x32xf32, #tpu.memory_space<hbm>>
      %dma_wait3A_51 = arith.constant 0 : i32
      %dma_wait3A_52 = tpu.memref_slice %arg13[%mul3A_42, %dma_wait3A_51] : memref<10112x32xf32, #tpu.memory_space<vmem_shared>> -> memref<632x32xf32, #tpu.memory_space<vmem_shared>>
      tpu.wait_dma2 semaphore(%run_scoped3A : memref<!tpu.dma_semaphore, #tpu.memory_space<semaphore_mem>>) src(%dma_wait3A_52 : memref<632x32xf32, #tpu.memory_space<vmem_shared>>) dst(%dma_wait3A_50 : memref<632x32xf32, #tpu.memory_space<hbm>>)
      tpu.yield
    }) : () -> ()
    return
  }
}

#map = affine_map<(d0, d1) -> (0, 0)>
#map1 = affine_map<(d0, d1) -> (0)>
#map2 = affine_map<(d0, d1) -> (0, 0, 0)>
module attributes {stable_mosaic.version = 14 : i64} {
  func.func @_seg_body(%arg0: i32, %arg1: i32, %arg2: memref<10112x128xf32, #tpu.memory_space<hbm>>, %arg3: memref<163840xi32, #tpu.memory_space<hbm>>, %arg4: memref<163840xi32, #tpu.memory_space<hbm>>, %arg5: memref<2x10112x128xf32, #tpu.memory_space<hbm>>, %arg6: memref<128xi32, #tpu.memory_space<vmem>>, %arg7: memref<128xi32, #tpu.memory_space<vmem>>, %arg8: memref<128xi32, #tpu.memory_space<vmem>>, %arg9: memref<128xi32, #tpu.memory_space<vmem>>, %arg10: memref<128x128xf32, #tpu.memory_space<vmem>>, %arg11: memref<128x128xf32, #tpu.memory_space<vmem>>, %arg12: memref<64x128xf32, #tpu.memory_space<vmem>>, %arg13: memref<10112x128xf32, #tpu.memory_space<vmem_shared>>, %arg14: memref<!tpu.dma_semaphore, #tpu.memory_space<semaphore_mem>>, %arg15: memref<!tpu.dma_semaphore, #tpu.memory_space<semaphore_mem>>, %arg16: memref<!tpu.dma_semaphore, #tpu.memory_space<semaphore_mem>>, %arg17: memref<!tpu.dma_semaphore, #tpu.memory_space<semaphore_mem>>) attributes {dimension_semantics = [#tpu.dimension_semantics<core_parallel>, #tpu.dimension_semantics<subcore_parallel>], iteration_bounds = array<i64: 2, 16>, scalar_prefetch = 0 : i64, scratch_operands = 12 : i64, tpu.core_type = #tpu.core_type<sc_vector_subcore>, window_params = [{transform_indices = #map}, {transform_indices = #map1}, {transform_indices = #map1}, {transform_indices = #map2}]} {
    %mul3A = arith.constant 2 : i32
    %mul3A_0 = arith.muli %arg1, %mul3A : i32
    %add3A = arith.addi %mul3A_0, %arg0 : i32
    %scan3A = arith.constant 0 : i32
    %scan3A_1 = arith.constant 0 : i32
    %scan3A_2 = arith.constant 64 : i32
    %scan3A_3 = arith.addi %scan3A_1, %scan3A_2 : i32
    %scan3A_4 = arith.constant 1 : i32
    %scan3A_5 = scf.for %scan3A_32 = %scan3A_1 to %scan3A_3 step %scan3A_4 iter_args(%scan3A_33 = %scan3A) -> (i32)  : i32 {
      %broadcast_in_dim3A = arith.constant 0.000000e+00 : f32
      %broadcast_in_dim3A_34 = vector.broadcast %broadcast_in_dim3A : f32 to vector<16xf32>
      %swap3A = arith.index_cast %scan3A_32 : i32 to index
      %swap3A_35 = arith.constant 0 : index
      %swap3A_36 = tpu.vector_load %arg12[%swap3A, %swap3A_35] {strides = array<i32>} : memref<64x128xf32, #tpu.memory_space<vmem>>, vector<1x16xf32>,
      %swap3A_37 = vector.shape_cast %swap3A_36 : vector<1x16xf32> to vector<16xf32>
      %swap3A_38 = vector.shape_cast %broadcast_in_dim3A_34 : vector<16xf32> to vector<1x16xf32>
      tpu.vector_store %arg12[%swap3A, %swap3A_35], %swap3A_38 {strides = array<i32>} : memref<64x128xf32, #tpu.memory_space<vmem>>, vector<1x16xf32>,
      %broadcast_in_dim3A_39 = arith.constant 0.000000e+00 : f32
      %broadcast_in_dim3A_40 = vector.broadcast %broadcast_in_dim3A_39 : f32 to vector<16xf32>
      %swap3A_41 = arith.index_cast %scan3A_32 : i32 to index
      %swap3A_42 = arith.constant 16 : index
      %swap3A_43 = tpu.vector_load %arg12[%swap3A_41, %swap3A_42] {strides = array<i32>} : memref<64x128xf32, #tpu.memory_space<vmem>>, vector<1x16xf32>,
      %swap3A_44 = vector.shape_cast %swap3A_43 : vector<1x16xf32> to vector<16xf32>
      %swap3A_45 = vector.shape_cast %broadcast_in_dim3A_40 : vector<16xf32> to vector<1x16xf32>
      tpu.vector_store %arg12[%swap3A_41, %swap3A_42], %swap3A_45 {strides = array<i32>} : memref<64x128xf32, #tpu.memory_space<vmem>>, vector<1x16xf32>,
      %broadcast_in_dim3A_46 = arith.constant 0.000000e+00 : f32
      %broadcast_in_dim3A_47 = vector.broadcast %broadcast_in_dim3A_46 : f32 to vector<16xf32>
      %swap3A_48 = arith.index_cast %scan3A_32 : i32 to index
      %swap3A_49 = arith.constant 32 : index
      %swap3A_50 = tpu.vector_load %arg12[%swap3A_48, %swap3A_49] {strides = array<i32>} : memref<64x128xf32, #tpu.memory_space<vmem>>, vector<1x16xf32>,
      %swap3A_51 = vector.shape_cast %swap3A_50 : vector<1x16xf32> to vector<16xf32>
      %swap3A_52 = vector.shape_cast %broadcast_in_dim3A_47 : vector<16xf32> to vector<1x16xf32>
      tpu.vector_store %arg12[%swap3A_48, %swap3A_49], %swap3A_52 {strides = array<i32>} : memref<64x128xf32, #tpu.memory_space<vmem>>, vector<1x16xf32>,
      %broadcast_in_dim3A_53 = arith.constant 0.000000e+00 : f32
      %broadcast_in_dim3A_54 = vector.broadcast %broadcast_in_dim3A_53 : f32 to vector<16xf32>
      %swap3A_55 = arith.index_cast %scan3A_32 : i32 to index
      %swap3A_56 = arith.constant 48 : index
      %swap3A_57 = tpu.vector_load %arg12[%swap3A_55, %swap3A_56] {strides = array<i32>} : memref<64x128xf32, #tpu.memory_space<vmem>>, vector<1x16xf32>,
      %swap3A_58 = vector.shape_cast %swap3A_57 : vector<1x16xf32> to vector<16xf32>
      %swap3A_59 = vector.shape_cast %broadcast_in_dim3A_54 : vector<16xf32> to vector<1x16xf32>
      tpu.vector_store %arg12[%swap3A_55, %swap3A_56], %swap3A_59 {strides = array<i32>} : memref<64x128xf32, #tpu.memory_space<vmem>>, vector<1x16xf32>,
      %broadcast_in_dim3A_60 = arith.constant 0.000000e+00 : f32
      %broadcast_in_dim3A_61 = vector.broadcast %broadcast_in_dim3A_60 : f32 to vector<16xf32>
      %swap3A_62 = arith.index_cast %scan3A_32 : i32 to index
      %swap3A_63 = arith.constant 64 : index
      %swap3A_64 = tpu.vector_load %arg12[%swap3A_62, %swap3A_63] {strides = array<i32>} : memref<64x128xf32, #tpu.memory_space<vmem>>, vector<1x16xf32>,
      %swap3A_65 = vector.shape_cast %swap3A_64 : vector<1x16xf32> to vector<16xf32>
      %swap3A_66 = vector.shape_cast %broadcast_in_dim3A_61 : vector<16xf32> to vector<1x16xf32>
      tpu.vector_store %arg12[%swap3A_62, %swap3A_63], %swap3A_66 {strides = array<i32>} : memref<64x128xf32, #tpu.memory_space<vmem>>, vector<1x16xf32>,
      %broadcast_in_dim3A_67 = arith.constant 0.000000e+00 : f32
      %broadcast_in_dim3A_68 = vector.broadcast %broadcast_in_dim3A_67 : f32 to vector<16xf32>
      %swap3A_69 = arith.index_cast %scan3A_32 : i32 to index
      %swap3A_70 = arith.constant 80 : index
      %swap3A_71 = tpu.vector_load %arg12[%swap3A_69, %swap3A_70] {strides = array<i32>} : memref<64x128xf32, #tpu.memory_space<vmem>>, vector<1x16xf32>,
      %swap3A_72 = vector.shape_cast %swap3A_71 : vector<1x16xf32> to vector<16xf32>
      %swap3A_73 = vector.shape_cast %broadcast_in_dim3A_68 : vector<16xf32> to vector<1x16xf32>
      tpu.vector_store %arg12[%swap3A_69, %swap3A_70], %swap3A_73 {strides = array<i32>} : memref<64x128xf32, #tpu.memory_space<vmem>>, vector<1x16xf32>,
      %broadcast_in_dim3A_74 = arith.constant 0.000000e+00 : f32
      %broadcast_in_dim3A_75 = vector.broadcast %broadcast_in_dim3A_74 : f32 to vector<16xf32>
      %swap3A_76 = arith.index_cast %scan3A_32 : i32 to index
      %swap3A_77 = arith.constant 96 : index
      %swap3A_78 = tpu.vector_load %arg12[%swap3A_76, %swap3A_77] {strides = array<i32>} : memref<64x128xf32, #tpu.memory_space<vmem>>, vector<1x16xf32>,
      %swap3A_79 = vector.shape_cast %swap3A_78 : vector<1x16xf32> to vector<16xf32>
      %swap3A_80 = vector.shape_cast %broadcast_in_dim3A_75 : vector<16xf32> to vector<1x16xf32>
      tpu.vector_store %arg12[%swap3A_76, %swap3A_77], %swap3A_80 {strides = array<i32>} : memref<64x128xf32, #tpu.memory_space<vmem>>, vector<1x16xf32>,
      %broadcast_in_dim3A_81 = arith.constant 0.000000e+00 : f32
      %broadcast_in_dim3A_82 = vector.broadcast %broadcast_in_dim3A_81 : f32 to vector<16xf32>
      %swap3A_83 = arith.index_cast %scan3A_32 : i32 to index
      %swap3A_84 = arith.constant 112 : index
      %swap3A_85 = tpu.vector_load %arg12[%swap3A_83, %swap3A_84] {strides = array<i32>} : memref<64x128xf32, #tpu.memory_space<vmem>>, vector<1x16xf32>,
      %swap3A_86 = vector.shape_cast %swap3A_85 : vector<1x16xf32> to vector<16xf32>
      %swap3A_87 = vector.shape_cast %broadcast_in_dim3A_82 : vector<16xf32> to vector<1x16xf32>
      tpu.vector_store %arg12[%swap3A_83, %swap3A_84], %swap3A_87 {strides = array<i32>} : memref<64x128xf32, #tpu.memory_space<vmem>>, vector<1x16xf32>,
      %scan3A_88 = arith.constant 0 : i32
      scf.yield %scan3A_88 : i32
    }
    %scan3A_6 = arith.constant 64 : i32
    %scan3A_7 = arith.constant 0 : i32
    %scan3A_8 = arith.constant 0 : i32
    %scan3A_9 = arith.constant 9 : i32
    %scan3A_10 = arith.addi %scan3A_8, %scan3A_9 : i32
    %scan3A_11 = arith.constant 1 : i32
    %scan3A_12 = scf.for %scan3A_32 = %scan3A_8 to %scan3A_10 step %scan3A_11 iter_args(%scan3A_33 = %scan3A_7) -> (i32)  : i32 {
      %mul3A_34 = arith.constant 632 : i32
      %mul3A_35 = arith.muli %arg1, %mul3A_34 : i32
      %mul3A_36 = arith.constant 64 : i32
      %mul3A_37 = arith.muli %scan3A_32, %mul3A_36 : i32
      %add3A_38 = arith.addi %mul3A_35, %mul3A_37 : i32
      %multiple_of3A_39 = tpu.assume_multiple %add3A_38, 8 : i32
      "tpu.region"() ({
        %run_scoped3A = tpu.sem_alloc : memref<!tpu.dma_semaphore, #tpu.memory_space<semaphore_mem>>
        %dma_start3A = arith.constant 0 : i32
        %dma_start3A_41 = tpu.memref_slice %arg13[%multiple_of3A_39, %dma_start3A] : memref<10112x128xf32, #tpu.memory_space<vmem_shared>> -> memref<64x128xf32, #tpu.memory_space<vmem_shared>>
        %dma_start3A_42 = arith.constant 0 : i32
        %dma_start3A_43 = tpu.memref_slice %arg13[%multiple_of3A_39, %dma_start3A_42] : memref<10112x128xf32, #tpu.memory_space<vmem_shared>> -> memref<64x128xf32, #tpu.memory_space<vmem_shared>>
        tpu.enqueue_dma source(%arg12 : memref<64x128xf32, #tpu.memory_space<vmem>>) target(%dma_start3A_43 : memref<64x128xf32, #tpu.memory_space<vmem_shared>>) target_semaphore(%run_scoped3A : memref<!tpu.dma_semaphore, #tpu.memory_space<semaphore_mem>>)
        %dma_wait3A = arith.constant 0 : i32
        %dma_wait3A_44 = tpu.memref_slice %arg13[%multiple_of3A_39, %dma_wait3A] : memref<10112x128xf32, #tpu.memory_space<vmem_shared>> -> memref<64x128xf32, #tpu.memory_space<vmem_shared>>
        %dma_wait3A_45 = arith.constant 0 : i32
        %dma_wait3A_46 = tpu.memref_slice %arg13[%multiple_of3A_39, %dma_wait3A_45] : memref<10112x128xf32, #tpu.memory_space<vmem_shared>> -> memref<64x128xf32, #tpu.memory_space<vmem_shared>>
        tpu.wait_dma2 semaphore(%run_scoped3A : memref<!tpu.dma_semaphore, #tpu.memory_space<semaphore_mem>>) src(%arg12 : memref<64x128xf32, #tpu.memory_space<vmem>>) dst(%dma_wait3A_46 : memref<64x128xf32, #tpu.memory_space<vmem_shared>>)
        tpu.yield
      }) : () -> ()
      %scan3A_40 = arith.constant 0 : i32
      scf.yield %scan3A_40 : i32
    }
    %scan3A_13 = arith.constant 9 : i32
    %mul3A_14 = arith.constant 632 : i32
    %mul3A_15 = arith.muli %arg1, %mul3A_14 : i32
    %add3A_16 = arith.constant 576 : i32
    %add3A_17 = arith.addi %mul3A_15, %add3A_16 : i32
    %multiple_of3A = tpu.assume_multiple %add3A_17, 8 : i32
    "tpu.region"() ({
      %run_scoped3A = tpu.sem_alloc : memref<!tpu.dma_semaphore, #tpu.memory_space<semaphore_mem>>
      %dma_start3A = arith.constant 0 : i32
      %dma_start3A_32 = arith.constant 0 : i32
      %dma_start3A_33 = tpu.memref_slice %arg12[%dma_start3A, %dma_start3A_32] : memref<64x128xf32, #tpu.memory_space<vmem>> -> memref<56x128xf32, #tpu.memory_space<vmem>>
      %dma_start3A_34 = arith.constant 0 : i32
      %dma_start3A_35 = tpu.memref_slice %arg13[%multiple_of3A, %dma_start3A_34] : memref<10112x128xf32, #tpu.memory_space<vmem_shared>> -> memref<56x128xf32, #tpu.memory_space<vmem_shared>>
      %dma_start3A_36 = arith.constant 0 : i32
      %dma_start3A_37 = tpu.memref_slice %arg13[%multiple_of3A, %dma_start3A_36] : memref<10112x128xf32, #tpu.memory_space<vmem_shared>> -> memref<56x128xf32, #tpu.memory_space<vmem_shared>>
      %dma_start3A_38 = arith.constant 0 : i32
      %dma_start3A_39 = arith.constant 0 : i32
      %dma_start3A_40 = tpu.memref_slice %arg12[%dma_start3A_38, %dma_start3A_39] : memref<64x128xf32, #tpu.memory_space<vmem>> -> memref<56x128xf32, #tpu.memory_space<vmem>>
      tpu.enqueue_dma source(%dma_start3A_40 : memref<56x128xf32, #tpu.memory_space<vmem>>) target(%dma_start3A_37 : memref<56x128xf32, #tpu.memory_space<vmem_shared>>) target_semaphore(%run_scoped3A : memref<!tpu.dma_semaphore, #tpu.memory_space<semaphore_mem>>)
      %dma_wait3A = arith.constant 0 : i32
      %dma_wait3A_41 = arith.constant 0 : i32
      %dma_wait3A_42 = tpu.memref_slice %arg12[%dma_wait3A, %dma_wait3A_41] : memref<64x128xf32, #tpu.memory_space<vmem>> -> memref<56x128xf32, #tpu.memory_space<vmem>>
      %dma_wait3A_43 = arith.constant 0 : i32
      %dma_wait3A_44 = tpu.memref_slice %arg13[%multiple_of3A, %dma_wait3A_43] : memref<10112x128xf32, #tpu.memory_space<vmem_shared>> -> memref<56x128xf32, #tpu.memory_space<vmem_shared>>
      %dma_wait3A_45 = arith.constant 0 : i32
      %dma_wait3A_46 = tpu.memref_slice %arg13[%multiple_of3A, %dma_wait3A_45] : memref<10112x128xf32, #tpu.memory_space<vmem_shared>> -> memref<56x128xf32, #tpu.memory_space<vmem_shared>>
      %dma_wait3A_47 = arith.constant 0 : i32
      %dma_wait3A_48 = arith.constant 0 : i32
      %dma_wait3A_49 = tpu.memref_slice %arg12[%dma_wait3A_47, %dma_wait3A_48] : memref<64x128xf32, #tpu.memory_space<vmem>> -> memref<56x128xf32, #tpu.memory_space<vmem>>
      tpu.wait_dma2 semaphore(%run_scoped3A : memref<!tpu.dma_semaphore, #tpu.memory_space<semaphore_mem>>) src(%dma_wait3A_49 : memref<56x128xf32, #tpu.memory_space<vmem>>) dst(%dma_wait3A_46 : memref<56x128xf32, #tpu.memory_space<vmem_shared>>)
      tpu.yield
    }) : () -> ()
    %mul3A_18 = arith.constant 5120 : i32
    %mul3A_19 = arith.muli %add3A, %mul3A_18 : i32
    %barrier3A = arith.constant 0 : index
    tpu.barrier barrier_id(%barrier3A)
    %scan3A_20 = arith.constant 0 : i32
    %scan3A_21 = arith.constant 0 : i32
    %scan3A_22 = arith.constant 20 : i32
    %scan3A_23 = arith.addi %scan3A_21, %scan3A_22 : i32
    %scan3A_24 = arith.constant 1 : i32
    %scan3A_25 = scf.for %scan3A_32 = %scan3A_21 to %scan3A_23 step %scan3A_24 iter_args(%scan3A_33 = %scan3A_20) -> (i32)  : i32 {
      %mul3A_34 = arith.constant 2 : i32
      %mul3A_35 = arith.muli %mul3A_34, %scan3A_32 : i32
      %mul3A_36 = arith.constant 128 : i32
      %mul3A_37 = arith.muli %mul3A_35, %mul3A_36 : i32
      %add3A_38 = arith.addi %mul3A_19, %mul3A_37 : i32
      %multiple_of3A_39 = tpu.assume_multiple %add3A_38, 128 : i32
      "tpu.region"() ({
        %run_scoped3A = tpu.sem_alloc : memref<!tpu.dma_semaphore, #tpu.memory_space<semaphore_mem>>
        %dma_start3A_67 = tpu.memref_slice %arg3[%multiple_of3A_39] : memref<163840xi32, #tpu.memory_space<hbm>> -> memref<128xi32, #tpu.memory_space<hbm>>
        %dma_start3A_68 = tpu.memref_slice %arg3[%multiple_of3A_39] : memref<163840xi32, #tpu.memory_space<hbm>> -> memref<128xi32, #tpu.memory_space<hbm>>
        tpu.enqueue_dma source(%dma_start3A_68 : memref<128xi32, #tpu.memory_space<hbm>>) target(%arg6 : memref<128xi32, #tpu.memory_space<vmem>>) target_semaphore(%run_scoped3A : memref<!tpu.dma_semaphore, #tpu.memory_space<semaphore_mem>>)
        %dma_wait3A_69 = tpu.memref_slice %arg3[%multiple_of3A_39] : memref<163840xi32, #tpu.memory_space<hbm>> -> memref<128xi32, #tpu.memory_space<hbm>>
        %dma_wait3A_70 = tpu.memref_slice %arg3[%multiple_of3A_39] : memref<163840xi32, #tpu.memory_space<hbm>> -> memref<128xi32, #tpu.memory_space<hbm>>
        tpu.wait_dma2 semaphore(%run_scoped3A : memref<!tpu.dma_semaphore, #tpu.memory_space<semaphore_mem>>) src(%dma_wait3A_70 : memref<128xi32, #tpu.memory_space<hbm>>) dst(%arg6 : memref<128xi32, #tpu.memory_space<vmem>>)
        tpu.yield
      }) : () -> ()
      %add3A_40 = arith.constant 128 : i32
      %add3A_41 = arith.addi %multiple_of3A_39, %add3A_40 : i32
      "tpu.region"() ({
        %run_scoped3A = tpu.sem_alloc : memref<!tpu.dma_semaphore, #tpu.memory_space<semaphore_mem>>
        %dma_start3A_67 = tpu.memref_slice %arg3[%add3A_41] : memref<163840xi32, #tpu.memory_space<hbm>> -> memref<128xi32, #tpu.memory_space<hbm>>
        %dma_start3A_68 = tpu.memref_slice %arg3[%add3A_41] : memref<163840xi32, #tpu.memory_space<hbm>> -> memref<128xi32, #tpu.memory_space<hbm>>
        tpu.enqueue_dma source(%dma_start3A_68 : memref<128xi32, #tpu.memory_space<hbm>>) target(%arg7 : memref<128xi32, #tpu.memory_space<vmem>>) target_semaphore(%run_scoped3A : memref<!tpu.dma_semaphore, #tpu.memory_space<semaphore_mem>>)
        %dma_wait3A_69 = tpu.memref_slice %arg3[%add3A_41] : memref<163840xi32, #tpu.memory_space<hbm>> -> memref<128xi32, #tpu.memory_space<hbm>>
        %dma_wait3A_70 = tpu.memref_slice %arg3[%add3A_41] : memref<163840xi32, #tpu.memory_space<hbm>> -> memref<128xi32, #tpu.memory_space<hbm>>
        tpu.wait_dma2 semaphore(%run_scoped3A : memref<!tpu.dma_semaphore, #tpu.memory_space<semaphore_mem>>) src(%dma_wait3A_70 : memref<128xi32, #tpu.memory_space<hbm>>) dst(%arg7 : memref<128xi32, #tpu.memory_space<vmem>>)
        tpu.yield
      }) : () -> ()
      %dma_start3A = arith.constant 0 : i32
      %dma_start3A_42 = arith.constant 0 : i32
      %dma_start3A_43 = tpu.memref_slice %arg2[%dma_start3A, %dma_start3A_42] : memref<10112x128xf32, #tpu.memory_space<hbm>> -> memref<10112x128xf32, #tpu.memory_space<hbm>>
      tpu.enqueue_indirect_dma source(%dma_start3A_43 : memref<10112x128xf32, #tpu.memory_space<hbm>>) target(%arg10 : memref<128x128xf32, #tpu.memory_space<vmem>>) offsets(%arg6 : memref<128xi32, #tpu.memory_space<vmem>>) semaphore(%arg14 : memref<!tpu.dma_semaphore, #tpu.memory_space<semaphore_mem>>)
      %dma_start3A_44 = arith.constant 0 : i32
      %dma_start3A_45 = arith.constant 0 : i32
      %dma_start3A_46 = tpu.memref_slice %arg2[%dma_start3A_44, %dma_start3A_45] : memref<10112x128xf32, #tpu.memory_space<hbm>> -> memref<10112x128xf32, #tpu.memory_space<hbm>>
      tpu.enqueue_indirect_dma source(%dma_start3A_46 : memref<10112x128xf32, #tpu.memory_space<hbm>>) target(%arg11 : memref<128x128xf32, #tpu.memory_space<vmem>>) offsets(%arg7 : memref<128xi32, #tpu.memory_space<vmem>>) semaphore(%arg15 : memref<!tpu.dma_semaphore, #tpu.memory_space<semaphore_mem>>)
      "tpu.region"() ({
        %run_scoped3A = tpu.sem_alloc : memref<!tpu.dma_semaphore, #tpu.memory_space<semaphore_mem>>
        %dma_start3A_67 = tpu.memref_slice %arg4[%multiple_of3A_39] : memref<163840xi32, #tpu.memory_space<hbm>> -> memref<128xi32, #tpu.memory_space<hbm>>
        %dma_start3A_68 = tpu.memref_slice %arg4[%multiple_of3A_39] : memref<163840xi32, #tpu.memory_space<hbm>> -> memref<128xi32, #tpu.memory_space<hbm>>
        tpu.enqueue_dma source(%dma_start3A_68 : memref<128xi32, #tpu.memory_space<hbm>>) target(%arg8 : memref<128xi32, #tpu.memory_space<vmem>>) target_semaphore(%run_scoped3A : memref<!tpu.dma_semaphore, #tpu.memory_space<semaphore_mem>>)
        %dma_wait3A_69 = tpu.memref_slice %arg4[%multiple_of3A_39] : memref<163840xi32, #tpu.memory_space<hbm>> -> memref<128xi32, #tpu.memory_space<hbm>>
        %dma_wait3A_70 = tpu.memref_slice %arg4[%multiple_of3A_39] : memref<163840xi32, #tpu.memory_space<hbm>> -> memref<128xi32, #tpu.memory_space<hbm>>
        tpu.wait_dma2 semaphore(%run_scoped3A : memref<!tpu.dma_semaphore, #tpu.memory_space<semaphore_mem>>) src(%dma_wait3A_70 : memref<128xi32, #tpu.memory_space<hbm>>) dst(%arg8 : memref<128xi32, #tpu.memory_space<vmem>>)
        tpu.yield
      }) : () -> ()
      %add3A_47 = arith.constant 128 : i32
      %add3A_48 = arith.addi %multiple_of3A_39, %add3A_47 : i32
      "tpu.region"() ({
        %run_scoped3A = tpu.sem_alloc : memref<!tpu.dma_semaphore, #tpu.memory_space<semaphore_mem>>
        %dma_start3A_67 = tpu.memref_slice %arg4[%add3A_48] : memref<163840xi32, #tpu.memory_space<hbm>> -> memref<128xi32, #tpu.memory_space<hbm>>
        %dma_start3A_68 = tpu.memref_slice %arg4[%add3A_48] : memref<163840xi32, #tpu.memory_space<hbm>> -> memref<128xi32, #tpu.memory_space<hbm>>
        tpu.enqueue_dma source(%dma_start3A_68 : memref<128xi32, #tpu.memory_space<hbm>>) target(%arg9 : memref<128xi32, #tpu.memory_space<vmem>>) target_semaphore(%run_scoped3A : memref<!tpu.dma_semaphore, #tpu.memory_space<semaphore_mem>>)
        %dma_wait3A_69 = tpu.memref_slice %arg4[%add3A_48] : memref<163840xi32, #tpu.memory_space<hbm>> -> memref<128xi32, #tpu.memory_space<hbm>>
        %dma_wait3A_70 = tpu.memref_slice %arg4[%add3A_48] : memref<163840xi32, #tpu.memory_space<hbm>> -> memref<128xi32, #tpu.memory_space<hbm>>
        tpu.wait_dma2 semaphore(%run_scoped3A : memref<!tpu.dma_semaphore, #tpu.memory_space<semaphore_mem>>) src(%dma_wait3A_70 : memref<128xi32, #tpu.memory_space<hbm>>) dst(%arg9 : memref<128xi32, #tpu.memory_space<vmem>>)
        tpu.yield
      }) : () -> ()
      %dma_wait3A = arith.constant 0 : i32
      %dma_wait3A_49 = arith.constant 0 : i32
      %dma_wait3A_50 = tpu.memref_slice %arg2[%dma_wait3A, %dma_wait3A_49] : memref<10112x128xf32, #tpu.memory_space<hbm>> -> memref<10112x128xf32, #tpu.memory_space<hbm>>
      tpu.wait_indirect_dma semaphore(%arg14 : memref<!tpu.dma_semaphore, #tpu.memory_space<semaphore_mem>>) src(%dma_wait3A_50 : memref<10112x128xf32, #tpu.memory_space<hbm>>) dst(%arg10 : memref<128x128xf32, #tpu.memory_space<vmem>>)
      %dma_start3A_51 = arith.constant 0 : i32
      %dma_start3A_52 = arith.constant 0 : i32
      %dma_start3A_53 = tpu.memref_slice %arg13[%dma_start3A_51, %dma_start3A_52] : memref<10112x128xf32, #tpu.memory_space<vmem_shared>> -> memref<10112x128xf32, #tpu.memory_space<vmem_shared>>
      tpu.enqueue_indirect_dma source(%arg10 : memref<128x128xf32, #tpu.memory_space<vmem>>) target(%dma_start3A_53 : memref<10112x128xf32, #tpu.memory_space<vmem_shared>>) offsets(%arg8 : memref<128xi32, #tpu.memory_space<vmem>>) semaphore(%arg16 : memref<!tpu.dma_semaphore, #tpu.memory_space<semaphore_mem>>) {add = true}
      %dma_wait3A_54 = arith.constant 0 : i32
      %dma_wait3A_55 = arith.constant 0 : i32
      %dma_wait3A_56 = tpu.memref_slice %arg2[%dma_wait3A_54, %dma_wait3A_55] : memref<10112x128xf32, #tpu.memory_space<hbm>> -> memref<10112x128xf32, #tpu.memory_space<hbm>>
      tpu.wait_indirect_dma semaphore(%arg15 : memref<!tpu.dma_semaphore, #tpu.memory_space<semaphore_mem>>) src(%dma_wait3A_56 : memref<10112x128xf32, #tpu.memory_space<hbm>>) dst(%arg11 : memref<128x128xf32, #tpu.memory_space<vmem>>)
      %dma_start3A_57 = arith.constant 0 : i32
      %dma_start3A_58 = arith.constant 0 : i32
      %dma_start3A_59 = tpu.memref_slice %arg13[%dma_start3A_57, %dma_start3A_58] : memref<10112x128xf32, #tpu.memory_space<vmem_shared>> -> memref<10112x128xf32, #tpu.memory_space<vmem_shared>>
      tpu.enqueue_indirect_dma source(%arg11 : memref<128x128xf32, #tpu.memory_space<vmem>>) target(%dma_start3A_59 : memref<10112x128xf32, #tpu.memory_space<vmem_shared>>) offsets(%arg9 : memref<128xi32, #tpu.memory_space<vmem>>) semaphore(%arg17 : memref<!tpu.dma_semaphore, #tpu.memory_space<semaphore_mem>>) {add = true}
      %dma_wait3A_60 = arith.constant 0 : i32
      %dma_wait3A_61 = arith.constant 0 : i32
      %dma_wait3A_62 = tpu.memref_slice %arg13[%dma_wait3A_60, %dma_wait3A_61] : memref<10112x128xf32, #tpu.memory_space<vmem_shared>> -> memref<10112x128xf32, #tpu.memory_space<vmem_shared>>
      tpu.wait_indirect_dma semaphore(%arg16 : memref<!tpu.dma_semaphore, #tpu.memory_space<semaphore_mem>>) src(%arg10 : memref<128x128xf32, #tpu.memory_space<vmem>>) dst(%dma_wait3A_62 : memref<10112x128xf32, #tpu.memory_space<vmem_shared>>)
      %dma_wait3A_63 = arith.constant 0 : i32
      %dma_wait3A_64 = arith.constant 0 : i32
      %dma_wait3A_65 = tpu.memref_slice %arg13[%dma_wait3A_63, %dma_wait3A_64] : memref<10112x128xf32, #tpu.memory_space<vmem_shared>> -> memref<10112x128xf32, #tpu.memory_space<vmem_shared>>
      tpu.wait_indirect_dma semaphore(%arg17 : memref<!tpu.dma_semaphore, #tpu.memory_space<semaphore_mem>>) src(%arg11 : memref<128x128xf32, #tpu.memory_space<vmem>>) dst(%dma_wait3A_65 : memref<10112x128xf32, #tpu.memory_space<vmem_shared>>)
      %scan3A_66 = arith.constant 0 : i32
      scf.yield %scan3A_66 : i32
    }
    %scan3A_26 = arith.constant 20 : i32
    %barrier3A_27 = arith.constant 0 : index
    tpu.barrier barrier_id(%barrier3A_27)
    %mul3A_28 = arith.constant 632 : i32
    %mul3A_29 = arith.muli %arg1, %mul3A_28 : i32
    %mul3A_30 = arith.constant 632 : i32
    %mul3A_31 = arith.muli %arg1, %mul3A_30 : i32
    "tpu.region"() ({
      %run_scoped3A = tpu.sem_alloc : memref<!tpu.dma_semaphore, #tpu.memory_space<semaphore_mem>>
      %dma_start3A = arith.constant 0 : i32
      %dma_start3A_32 = tpu.memref_slice %arg5[%arg0, %mul3A_31, %dma_start3A] : memref<2x10112x128xf32, #tpu.memory_space<hbm>> -> memref<1x632x128xf32, #tpu.memory_space<hbm>>
      %dma_start3A_33 = tpu.memref_squeeze %dma_start3A_32 : memref<1x632x128xf32, #tpu.memory_space<hbm>> -> memref<632x128xf32, #tpu.memory_space<hbm>>
      %dma_start3A_34 = arith.constant 0 : i32
      %dma_start3A_35 = tpu.memref_slice %arg13[%mul3A_29, %dma_start3A_34] : memref<10112x128xf32, #tpu.memory_space<vmem_shared>> -> memref<632x128xf32, #tpu.memory_space<vmem_shared>>
      tpu.enqueue_dma source(%dma_start3A_35 : memref<632x128xf32, #tpu.memory_space<vmem_shared>>) target(%dma_start3A_33 : memref<632x128xf32, #tpu.memory_space<hbm>>) target_semaphore(%run_scoped3A : memref<!tpu.dma_semaphore, #tpu.memory_space<semaphore_mem>>)
      %dma_wait3A = arith.constant 0 : i32
      %dma_wait3A_36 = tpu.memref_slice %arg5[%arg0, %mul3A_31, %dma_wait3A] : memref<2x10112x128xf32, #tpu.memory_space<hbm>> -> memref<1x632x128xf32, #tpu.memory_space<hbm>>
      %dma_wait3A_37 = tpu.memref_squeeze %dma_wait3A_36 : memref<1x632x128xf32, #tpu.memory_space<hbm>> -> memref<632x128xf32, #tpu.memory_space<hbm>>
      %dma_wait3A_38 = arith.constant 0 : i32
      %dma_wait3A_39 = tpu.memref_slice %arg13[%mul3A_29, %dma_wait3A_38] : memref<10112x128xf32, #tpu.memory_space<vmem_shared>> -> memref<632x128xf32, #tpu.memory_space<vmem_shared>>
      tpu.wait_dma2 semaphore(%run_scoped3A : memref<!tpu.dma_semaphore, #tpu.memory_space<semaphore_mem>>) src(%dma_wait3A_39 : memref<632x128xf32, #tpu.memory_space<vmem_shared>>) dst(%dma_wait3A_37 : memref<632x128xf32, #tpu.memory_space<hbm>>)
      tpu.yield
    }) : () -> ()
    return
  }
}

#map = affine_map<(d0, d1) -> (0, 0)>
#map1 = affine_map<(d0, d1) -> (0)>
#map2 = affine_map<(d0, d1) -> (0, 0, 0)>
module attributes {stable_mosaic.version = 14 : i64} {
  func.func @_seg_body(%arg0: i32, %arg1: i32, %arg2: memref<10112x128xf32, #tpu.memory_space<hbm>>, %arg3: memref<163840xi32, #tpu.memory_space<hbm>>, %arg4: memref<163840xi32, #tpu.memory_space<hbm>>, %arg5: memref<2x10112x128xf32, #tpu.memory_space<hbm>>, %arg6: memref<128xi32, #tpu.memory_space<vmem>>, %arg7: memref<128xi32, #tpu.memory_space<vmem>>, %arg8: memref<128xi32, #tpu.memory_space<vmem>>, %arg9: memref<128xi32, #tpu.memory_space<vmem>>, %arg10: memref<128x128xf32, #tpu.memory_space<vmem>>, %arg11: memref<128x128xf32, #tpu.memory_space<vmem>>, %arg12: memref<64x128xf32, #tpu.memory_space<vmem>>, %arg13: memref<10112x128xf32, #tpu.memory_space<vmem_shared>>, %arg14: memref<!tpu.dma_semaphore, #tpu.memory_space<semaphore_mem>>, %arg15: memref<!tpu.dma_semaphore, #tpu.memory_space<semaphore_mem>>, %arg16: memref<!tpu.dma_semaphore, #tpu.memory_space<semaphore_mem>>, %arg17: memref<!tpu.dma_semaphore, #tpu.memory_space<semaphore_mem>>) attributes {dimension_semantics = [#tpu.dimension_semantics<core_parallel>, #tpu.dimension_semantics<subcore_parallel>], iteration_bounds = array<i64: 2, 16>, scalar_prefetch = 0 : i64, scratch_operands = 12 : i64, tpu.core_type = #tpu.core_type<sc_vector_subcore>, window_params = [{transform_indices = #map}, {transform_indices = #map1}, {transform_indices = #map1}, {transform_indices = #map2}]} {
    %mul3A = arith.constant 2 : i32
    %mul3A_0 = arith.muli %arg1, %mul3A : i32
    %add3A = arith.addi %mul3A_0, %arg0 : i32
    %scan3A = arith.constant 0 : i32
    %scan3A_1 = arith.constant 0 : i32
    %scan3A_2 = arith.constant 64 : i32
    %scan3A_3 = arith.addi %scan3A_1, %scan3A_2 : i32
    %scan3A_4 = arith.constant 1 : i32
    %scan3A_5 = scf.for %scan3A_32 = %scan3A_1 to %scan3A_3 step %scan3A_4 iter_args(%scan3A_33 = %scan3A) -> (i32)  : i32 {
      %broadcast_in_dim3A = arith.constant 0.000000e+00 : f32
      %broadcast_in_dim3A_34 = vector.broadcast %broadcast_in_dim3A : f32 to vector<16xf32>
      %swap3A = arith.index_cast %scan3A_32 : i32 to index
      %swap3A_35 = arith.constant 0 : index
      %swap3A_36 = tpu.vector_load %arg12[%swap3A, %swap3A_35] {strides = array<i32>} : memref<64x128xf32, #tpu.memory_space<vmem>>, vector<1x16xf32>,
      %swap3A_37 = vector.shape_cast %swap3A_36 : vector<1x16xf32> to vector<16xf32>
      %swap3A_38 = vector.shape_cast %broadcast_in_dim3A_34 : vector<16xf32> to vector<1x16xf32>
      tpu.vector_store %arg12[%swap3A, %swap3A_35], %swap3A_38 {strides = array<i32>} : memref<64x128xf32, #tpu.memory_space<vmem>>, vector<1x16xf32>,
      %broadcast_in_dim3A_39 = arith.constant 0.000000e+00 : f32
      %broadcast_in_dim3A_40 = vector.broadcast %broadcast_in_dim3A_39 : f32 to vector<16xf32>
      %swap3A_41 = arith.index_cast %scan3A_32 : i32 to index
      %swap3A_42 = arith.constant 16 : index
      %swap3A_43 = tpu.vector_load %arg12[%swap3A_41, %swap3A_42] {strides = array<i32>} : memref<64x128xf32, #tpu.memory_space<vmem>>, vector<1x16xf32>,
      %swap3A_44 = vector.shape_cast %swap3A_43 : vector<1x16xf32> to vector<16xf32>
      %swap3A_45 = vector.shape_cast %broadcast_in_dim3A_40 : vector<16xf32> to vector<1x16xf32>
      tpu.vector_store %arg12[%swap3A_41, %swap3A_42], %swap3A_45 {strides = array<i32>} : memref<64x128xf32, #tpu.memory_space<vmem>>, vector<1x16xf32>,
      %broadcast_in_dim3A_46 = arith.constant 0.000000e+00 : f32
      %broadcast_in_dim3A_47 = vector.broadcast %broadcast_in_dim3A_46 : f32 to vector<16xf32>
      %swap3A_48 = arith.index_cast %scan3A_32 : i32 to index
      %swap3A_49 = arith.constant 32 : index
      %swap3A_50 = tpu.vector_load %arg12[%swap3A_48, %swap3A_49] {strides = array<i32>} : memref<64x128xf32, #tpu.memory_space<vmem>>, vector<1x16xf32>,
      %swap3A_51 = vector.shape_cast %swap3A_50 : vector<1x16xf32> to vector<16xf32>
      %swap3A_52 = vector.shape_cast %broadcast_in_dim3A_47 : vector<16xf32> to vector<1x16xf32>
      tpu.vector_store %arg12[%swap3A_48, %swap3A_49], %swap3A_52 {strides = array<i32>} : memref<64x128xf32, #tpu.memory_space<vmem>>, vector<1x16xf32>,
      %broadcast_in_dim3A_53 = arith.constant 0.000000e+00 : f32
      %broadcast_in_dim3A_54 = vector.broadcast %broadcast_in_dim3A_53 : f32 to vector<16xf32>
      %swap3A_55 = arith.index_cast %scan3A_32 : i32 to index
      %swap3A_56 = arith.constant 48 : index
      %swap3A_57 = tpu.vector_load %arg12[%swap3A_55, %swap3A_56] {strides = array<i32>} : memref<64x128xf32, #tpu.memory_space<vmem>>, vector<1x16xf32>,
      %swap3A_58 = vector.shape_cast %swap3A_57 : vector<1x16xf32> to vector<16xf32>
      %swap3A_59 = vector.shape_cast %broadcast_in_dim3A_54 : vector<16xf32> to vector<1x16xf32>
      tpu.vector_store %arg12[%swap3A_55, %swap3A_56], %swap3A_59 {strides = array<i32>} : memref<64x128xf32, #tpu.memory_space<vmem>>, vector<1x16xf32>,
      %broadcast_in_dim3A_60 = arith.constant 0.000000e+00 : f32
      %broadcast_in_dim3A_61 = vector.broadcast %broadcast_in_dim3A_60 : f32 to vector<16xf32>
      %swap3A_62 = arith.index_cast %scan3A_32 : i32 to index
      %swap3A_63 = arith.constant 64 : index
      %swap3A_64 = tpu.vector_load %arg12[%swap3A_62, %swap3A_63] {strides = array<i32>} : memref<64x128xf32, #tpu.memory_space<vmem>>, vector<1x16xf32>,
      %swap3A_65 = vector.shape_cast %swap3A_64 : vector<1x16xf32> to vector<16xf32>
      %swap3A_66 = vector.shape_cast %broadcast_in_dim3A_61 : vector<16xf32> to vector<1x16xf32>
      tpu.vector_store %arg12[%swap3A_62, %swap3A_63], %swap3A_66 {strides = array<i32>} : memref<64x128xf32, #tpu.memory_space<vmem>>, vector<1x16xf32>,
      %broadcast_in_dim3A_67 = arith.constant 0.000000e+00 : f32
      %broadcast_in_dim3A_68 = vector.broadcast %broadcast_in_dim3A_67 : f32 to vector<16xf32>
      %swap3A_69 = arith.index_cast %scan3A_32 : i32 to index
      %swap3A_70 = arith.constant 80 : index
      %swap3A_71 = tpu.vector_load %arg12[%swap3A_69, %swap3A_70] {strides = array<i32>} : memref<64x128xf32, #tpu.memory_space<vmem>>, vector<1x16xf32>,
      %swap3A_72 = vector.shape_cast %swap3A_71 : vector<1x16xf32> to vector<16xf32>
      %swap3A_73 = vector.shape_cast %broadcast_in_dim3A_68 : vector<16xf32> to vector<1x16xf32>
      tpu.vector_store %arg12[%swap3A_69, %swap3A_70], %swap3A_73 {strides = array<i32>} : memref<64x128xf32, #tpu.memory_space<vmem>>, vector<1x16xf32>,
      %broadcast_in_dim3A_74 = arith.constant 0.000000e+00 : f32
      %broadcast_in_dim3A_75 = vector.broadcast %broadcast_in_dim3A_74 : f32 to vector<16xf32>
      %swap3A_76 = arith.index_cast %scan3A_32 : i32 to index
      %swap3A_77 = arith.constant 96 : index
      %swap3A_78 = tpu.vector_load %arg12[%swap3A_76, %swap3A_77] {strides = array<i32>} : memref<64x128xf32, #tpu.memory_space<vmem>>, vector<1x16xf32>,
      %swap3A_79 = vector.shape_cast %swap3A_78 : vector<1x16xf32> to vector<16xf32>
      %swap3A_80 = vector.shape_cast %broadcast_in_dim3A_75 : vector<16xf32> to vector<1x16xf32>
      tpu.vector_store %arg12[%swap3A_76, %swap3A_77], %swap3A_80 {strides = array<i32>} : memref<64x128xf32, #tpu.memory_space<vmem>>, vector<1x16xf32>,
      %broadcast_in_dim3A_81 = arith.constant 0.000000e+00 : f32
      %broadcast_in_dim3A_82 = vector.broadcast %broadcast_in_dim3A_81 : f32 to vector<16xf32>
      %swap3A_83 = arith.index_cast %scan3A_32 : i32 to index
      %swap3A_84 = arith.constant 112 : index
      %swap3A_85 = tpu.vector_load %arg12[%swap3A_83, %swap3A_84] {strides = array<i32>} : memref<64x128xf32, #tpu.memory_space<vmem>>, vector<1x16xf32>,
      %swap3A_86 = vector.shape_cast %swap3A_85 : vector<1x16xf32> to vector<16xf32>
      %swap3A_87 = vector.shape_cast %broadcast_in_dim3A_82 : vector<16xf32> to vector<1x16xf32>
      tpu.vector_store %arg12[%swap3A_83, %swap3A_84], %swap3A_87 {strides = array<i32>} : memref<64x128xf32, #tpu.memory_space<vmem>>, vector<1x16xf32>,
      %scan3A_88 = arith.constant 0 : i32
      scf.yield %scan3A_88 : i32
    }
    %scan3A_6 = arith.constant 64 : i32
    %scan3A_7 = arith.constant 0 : i32
    %scan3A_8 = arith.constant 0 : i32
    %scan3A_9 = arith.constant 9 : i32
    %scan3A_10 = arith.addi %scan3A_8, %scan3A_9 : i32
    %scan3A_11 = arith.constant 1 : i32
    %scan3A_12 = scf.for %scan3A_32 = %scan3A_8 to %scan3A_10 step %scan3A_11 iter_args(%scan3A_33 = %scan3A_7) -> (i32)  : i32 {
      %mul3A_34 = arith.constant 632 : i32
      %mul3A_35 = arith.muli %arg1, %mul3A_34 : i32
      %mul3A_36 = arith.constant 64 : i32
      %mul3A_37 = arith.muli %scan3A_32, %mul3A_36 : i32
      %add3A_38 = arith.addi %mul3A_35, %mul3A_37 : i32
      %multiple_of3A_39 = tpu.assume_multiple %add3A_38, 8 : i32
      "tpu.region"() ({
        %run_scoped3A = tpu.sem_alloc : memref<!tpu.dma_semaphore, #tpu.memory_space<semaphore_mem>>
        %dma_start3A = arith.constant 0 : i32
        %dma_start3A_41 = tpu.memref_slice %arg13[%multiple_of3A_39, %dma_start3A] : memref<10112x128xf32, #tpu.memory_space<vmem_shared>> -> memref<64x128xf32, #tpu.memory_space<vmem_shared>>
        %dma_start3A_42 = arith.constant 0 : i32
        %dma_start3A_43 = tpu.memref_slice %arg13[%multiple_of3A_39, %dma_start3A_42] : memref<10112x128xf32, #tpu.memory_space<vmem_shared>> -> memref<64x128xf32, #tpu.memory_space<vmem_shared>>
        tpu.enqueue_dma source(%arg12 : memref<64x128xf32, #tpu.memory_space<vmem>>) target(%dma_start3A_43 : memref<64x128xf32, #tpu.memory_space<vmem_shared>>) target_semaphore(%run_scoped3A : memref<!tpu.dma_semaphore, #tpu.memory_space<semaphore_mem>>)
        %dma_wait3A = arith.constant 0 : i32
        %dma_wait3A_44 = tpu.memref_slice %arg13[%multiple_of3A_39, %dma_wait3A] : memref<10112x128xf32, #tpu.memory_space<vmem_shared>> -> memref<64x128xf32, #tpu.memory_space<vmem_shared>>
        %dma_wait3A_45 = arith.constant 0 : i32
        %dma_wait3A_46 = tpu.memref_slice %arg13[%multiple_of3A_39, %dma_wait3A_45] : memref<10112x128xf32, #tpu.memory_space<vmem_shared>> -> memref<64x128xf32, #tpu.memory_space<vmem_shared>>
        tpu.wait_dma2 semaphore(%run_scoped3A : memref<!tpu.dma_semaphore, #tpu.memory_space<semaphore_mem>>) src(%arg12 : memref<64x128xf32, #tpu.memory_space<vmem>>) dst(%dma_wait3A_46 : memref<64x128xf32, #tpu.memory_space<vmem_shared>>)
        tpu.yield
      }) : () -> ()
      %scan3A_40 = arith.constant 0 : i32
      scf.yield %scan3A_40 : i32
    }
    %scan3A_13 = arith.constant 9 : i32
    %mul3A_14 = arith.constant 632 : i32
    %mul3A_15 = arith.muli %arg1, %mul3A_14 : i32
    %add3A_16 = arith.constant 576 : i32
    %add3A_17 = arith.addi %mul3A_15, %add3A_16 : i32
    %multiple_of3A = tpu.assume_multiple %add3A_17, 8 : i32
    "tpu.region"() ({
      %run_scoped3A = tpu.sem_alloc : memref<!tpu.dma_semaphore, #tpu.memory_space<semaphore_mem>>
      %dma_start3A = arith.constant 0 : i32
      %dma_start3A_32 = arith.constant 0 : i32
      %dma_start3A_33 = tpu.memref_slice %arg12[%dma_start3A, %dma_start3A_32] : memref<64x128xf32, #tpu.memory_space<vmem>> -> memref<56x128xf32, #tpu.memory_space<vmem>>
      %dma_start3A_34 = arith.constant 0 : i32
      %dma_start3A_35 = tpu.memref_slice %arg13[%multiple_of3A, %dma_start3A_34] : memref<10112x128xf32, #tpu.memory_space<vmem_shared>> -> memref<56x128xf32, #tpu.memory_space<vmem_shared>>
      %dma_start3A_36 = arith.constant 0 : i32
      %dma_start3A_37 = tpu.memref_slice %arg13[%multiple_of3A, %dma_start3A_36] : memref<10112x128xf32, #tpu.memory_space<vmem_shared>> -> memref<56x128xf32, #tpu.memory_space<vmem_shared>>
      %dma_start3A_38 = arith.constant 0 : i32
      %dma_start3A_39 = arith.constant 0 : i32
      %dma_start3A_40 = tpu.memref_slice %arg12[%dma_start3A_38, %dma_start3A_39] : memref<64x128xf32, #tpu.memory_space<vmem>> -> memref<56x128xf32, #tpu.memory_space<vmem>>
      tpu.enqueue_dma source(%dma_start3A_40 : memref<56x128xf32, #tpu.memory_space<vmem>>) target(%dma_start3A_37 : memref<56x128xf32, #tpu.memory_space<vmem_shared>>) target_semaphore(%run_scoped3A : memref<!tpu.dma_semaphore, #tpu.memory_space<semaphore_mem>>)
      %dma_wait3A = arith.constant 0 : i32
      %dma_wait3A_41 = arith.constant 0 : i32
      %dma_wait3A_42 = tpu.memref_slice %arg12[%dma_wait3A, %dma_wait3A_41] : memref<64x128xf32, #tpu.memory_space<vmem>> -> memref<56x128xf32, #tpu.memory_space<vmem>>
      %dma_wait3A_43 = arith.constant 0 : i32
      %dma_wait3A_44 = tpu.memref_slice %arg13[%multiple_of3A, %dma_wait3A_43] : memref<10112x128xf32, #tpu.memory_space<vmem_shared>> -> memref<56x128xf32, #tpu.memory_space<vmem_shared>>
      %dma_wait3A_45 = arith.constant 0 : i32
      %dma_wait3A_46 = tpu.memref_slice %arg13[%multiple_of3A, %dma_wait3A_45] : memref<10112x128xf32, #tpu.memory_space<vmem_shared>> -> memref<56x128xf32, #tpu.memory_space<vmem_shared>>
      %dma_wait3A_47 = arith.constant 0 : i32
      %dma_wait3A_48 = arith.constant 0 : i32
      %dma_wait3A_49 = tpu.memref_slice %arg12[%dma_wait3A_47, %dma_wait3A_48] : memref<64x128xf32, #tpu.memory_space<vmem>> -> memref<56x128xf32, #tpu.memory_space<vmem>>
      tpu.wait_dma2 semaphore(%run_scoped3A : memref<!tpu.dma_semaphore, #tpu.memory_space<semaphore_mem>>) src(%dma_wait3A_49 : memref<56x128xf32, #tpu.memory_space<vmem>>) dst(%dma_wait3A_46 : memref<56x128xf32, #tpu.memory_space<vmem_shared>>)
      tpu.yield
    }) : () -> ()
    %mul3A_18 = arith.constant 5120 : i32
    %mul3A_19 = arith.muli %add3A, %mul3A_18 : i32
    %barrier3A = arith.constant 0 : index
    tpu.barrier barrier_id(%barrier3A)
    %scan3A_20 = arith.constant 0 : i32
    %scan3A_21 = arith.constant 0 : i32
    %scan3A_22 = arith.constant 20 : i32
    %scan3A_23 = arith.addi %scan3A_21, %scan3A_22 : i32
    %scan3A_24 = arith.constant 1 : i32
    %scan3A_25 = scf.for %scan3A_32 = %scan3A_21 to %scan3A_23 step %scan3A_24 iter_args(%scan3A_33 = %scan3A_20) -> (i32)  : i32 {
      %mul3A_34 = arith.constant 2 : i32
      %mul3A_35 = arith.muli %mul3A_34, %scan3A_32 : i32
      %mul3A_36 = arith.constant 128 : i32
      %mul3A_37 = arith.muli %mul3A_35, %mul3A_36 : i32
      %add3A_38 = arith.addi %mul3A_19, %mul3A_37 : i32
      %multiple_of3A_39 = tpu.assume_multiple %add3A_38, 128 : i32
      "tpu.region"() ({
        %run_scoped3A = tpu.sem_alloc : memref<!tpu.dma_semaphore, #tpu.memory_space<semaphore_mem>>
        %dma_start3A_67 = tpu.memref_slice %arg3[%multiple_of3A_39] : memref<163840xi32, #tpu.memory_space<hbm>> -> memref<128xi32, #tpu.memory_space<hbm>>
        %dma_start3A_68 = tpu.memref_slice %arg3[%multiple_of3A_39] : memref<163840xi32, #tpu.memory_space<hbm>> -> memref<128xi32, #tpu.memory_space<hbm>>
        tpu.enqueue_dma source(%dma_start3A_68 : memref<128xi32, #tpu.memory_space<hbm>>) target(%arg6 : memref<128xi32, #tpu.memory_space<vmem>>) target_semaphore(%run_scoped3A : memref<!tpu.dma_semaphore, #tpu.memory_space<semaphore_mem>>)
        %dma_wait3A_69 = tpu.memref_slice %arg3[%multiple_of3A_39] : memref<163840xi32, #tpu.memory_space<hbm>> -> memref<128xi32, #tpu.memory_space<hbm>>
        %dma_wait3A_70 = tpu.memref_slice %arg3[%multiple_of3A_39] : memref<163840xi32, #tpu.memory_space<hbm>> -> memref<128xi32, #tpu.memory_space<hbm>>
        tpu.wait_dma2 semaphore(%run_scoped3A : memref<!tpu.dma_semaphore, #tpu.memory_space<semaphore_mem>>) src(%dma_wait3A_70 : memref<128xi32, #tpu.memory_space<hbm>>) dst(%arg6 : memref<128xi32, #tpu.memory_space<vmem>>)
        tpu.yield
      }) : () -> ()
      %add3A_40 = arith.constant 128 : i32
      %add3A_41 = arith.addi %multiple_of3A_39, %add3A_40 : i32
      "tpu.region"() ({
        %run_scoped3A = tpu.sem_alloc : memref<!tpu.dma_semaphore, #tpu.memory_space<semaphore_mem>>
        %dma_start3A_67 = tpu.memref_slice %arg3[%add3A_41] : memref<163840xi32, #tpu.memory_space<hbm>> -> memref<128xi32, #tpu.memory_space<hbm>>
        %dma_start3A_68 = tpu.memref_slice %arg3[%add3A_41] : memref<163840xi32, #tpu.memory_space<hbm>> -> memref<128xi32, #tpu.memory_space<hbm>>
        tpu.enqueue_dma source(%dma_start3A_68 : memref<128xi32, #tpu.memory_space<hbm>>) target(%arg7 : memref<128xi32, #tpu.memory_space<vmem>>) target_semaphore(%run_scoped3A : memref<!tpu.dma_semaphore, #tpu.memory_space<semaphore_mem>>)
        %dma_wait3A_69 = tpu.memref_slice %arg3[%add3A_41] : memref<163840xi32, #tpu.memory_space<hbm>> -> memref<128xi32, #tpu.memory_space<hbm>>
        %dma_wait3A_70 = tpu.memref_slice %arg3[%add3A_41] : memref<163840xi32, #tpu.memory_space<hbm>> -> memref<128xi32, #tpu.memory_space<hbm>>
        tpu.wait_dma2 semaphore(%run_scoped3A : memref<!tpu.dma_semaphore, #tpu.memory_space<semaphore_mem>>) src(%dma_wait3A_70 : memref<128xi32, #tpu.memory_space<hbm>>) dst(%arg7 : memref<128xi32, #tpu.memory_space<vmem>>)
        tpu.yield
      }) : () -> ()
      %dma_start3A = arith.constant 0 : i32
      %dma_start3A_42 = arith.constant 0 : i32
      %dma_start3A_43 = tpu.memref_slice %arg2[%dma_start3A, %dma_start3A_42] : memref<10112x128xf32, #tpu.memory_space<hbm>> -> memref<10112x128xf32, #tpu.memory_space<hbm>>
      tpu.enqueue_indirect_dma source(%dma_start3A_43 : memref<10112x128xf32, #tpu.memory_space<hbm>>) target(%arg10 : memref<128x128xf32, #tpu.memory_space<vmem>>) offsets(%arg6 : memref<128xi32, #tpu.memory_space<vmem>>) semaphore(%arg14 : memref<!tpu.dma_semaphore, #tpu.memory_space<semaphore_mem>>)
      %dma_start3A_44 = arith.constant 0 : i32
      %dma_start3A_45 = arith.constant 0 : i32
      %dma_start3A_46 = tpu.memref_slice %arg2[%dma_start3A_44, %dma_start3A_45] : memref<10112x128xf32, #tpu.memory_space<hbm>> -> memref<10112x128xf32, #tpu.memory_space<hbm>>
      tpu.enqueue_indirect_dma source(%dma_start3A_46 : memref<10112x128xf32, #tpu.memory_space<hbm>>) target(%arg11 : memref<128x128xf32, #tpu.memory_space<vmem>>) offsets(%arg7 : memref<128xi32, #tpu.memory_space<vmem>>) semaphore(%arg15 : memref<!tpu.dma_semaphore, #tpu.memory_space<semaphore_mem>>)
      "tpu.region"() ({
        %run_scoped3A = tpu.sem_alloc : memref<!tpu.dma_semaphore, #tpu.memory_space<semaphore_mem>>
        %dma_start3A_67 = tpu.memref_slice %arg4[%multiple_of3A_39] : memref<163840xi32, #tpu.memory_space<hbm>> -> memref<128xi32, #tpu.memory_space<hbm>>
        %dma_start3A_68 = tpu.memref_slice %arg4[%multiple_of3A_39] : memref<163840xi32, #tpu.memory_space<hbm>> -> memref<128xi32, #tpu.memory_space<hbm>>
        tpu.enqueue_dma source(%dma_start3A_68 : memref<128xi32, #tpu.memory_space<hbm>>) target(%arg8 : memref<128xi32, #tpu.memory_space<vmem>>) target_semaphore(%run_scoped3A : memref<!tpu.dma_semaphore, #tpu.memory_space<semaphore_mem>>)
        %dma_wait3A_69 = tpu.memref_slice %arg4[%multiple_of3A_39] : memref<163840xi32, #tpu.memory_space<hbm>> -> memref<128xi32, #tpu.memory_space<hbm>>
        %dma_wait3A_70 = tpu.memref_slice %arg4[%multiple_of3A_39] : memref<163840xi32, #tpu.memory_space<hbm>> -> memref<128xi32, #tpu.memory_space<hbm>>
        tpu.wait_dma2 semaphore(%run_scoped3A : memref<!tpu.dma_semaphore, #tpu.memory_space<semaphore_mem>>) src(%dma_wait3A_70 : memref<128xi32, #tpu.memory_space<hbm>>) dst(%arg8 : memref<128xi32, #tpu.memory_space<vmem>>)
        tpu.yield
      }) : () -> ()
      %add3A_47 = arith.constant 128 : i32
      %add3A_48 = arith.addi %multiple_of3A_39, %add3A_47 : i32
      "tpu.region"() ({
        %run_scoped3A = tpu.sem_alloc : memref<!tpu.dma_semaphore, #tpu.memory_space<semaphore_mem>>
        %dma_start3A_67 = tpu.memref_slice %arg4[%add3A_48] : memref<163840xi32, #tpu.memory_space<hbm>> -> memref<128xi32, #tpu.memory_space<hbm>>
        %dma_start3A_68 = tpu.memref_slice %arg4[%add3A_48] : memref<163840xi32, #tpu.memory_space<hbm>> -> memref<128xi32, #tpu.memory_space<hbm>>
        tpu.enqueue_dma source(%dma_start3A_68 : memref<128xi32, #tpu.memory_space<hbm>>) target(%arg9 : memref<128xi32, #tpu.memory_space<vmem>>) target_semaphore(%run_scoped3A : memref<!tpu.dma_semaphore, #tpu.memory_space<semaphore_mem>>)
        %dma_wait3A_69 = tpu.memref_slice %arg4[%add3A_48] : memref<163840xi32, #tpu.memory_space<hbm>> -> memref<128xi32, #tpu.memory_space<hbm>>
        %dma_wait3A_70 = tpu.memref_slice %arg4[%add3A_48] : memref<163840xi32, #tpu.memory_space<hbm>> -> memref<128xi32, #tpu.memory_space<hbm>>
        tpu.wait_dma2 semaphore(%run_scoped3A : memref<!tpu.dma_semaphore, #tpu.memory_space<semaphore_mem>>) src(%dma_wait3A_70 : memref<128xi32, #tpu.memory_space<hbm>>) dst(%arg9 : memref<128xi32, #tpu.memory_space<vmem>>)
        tpu.yield
      }) : () -> ()
      %dma_wait3A = arith.constant 0 : i32
      %dma_wait3A_49 = arith.constant 0 : i32
      %dma_wait3A_50 = tpu.memref_slice %arg2[%dma_wait3A, %dma_wait3A_49] : memref<10112x128xf32, #tpu.memory_space<hbm>> -> memref<10112x128xf32, #tpu.memory_space<hbm>>
      tpu.wait_indirect_dma semaphore(%arg14 : memref<!tpu.dma_semaphore, #tpu.memory_space<semaphore_mem>>) src(%dma_wait3A_50 : memref<10112x128xf32, #tpu.memory_space<hbm>>) dst(%arg10 : memref<128x128xf32, #tpu.memory_space<vmem>>)
      %dma_start3A_51 = arith.constant 0 : i32
      %dma_start3A_52 = arith.constant 0 : i32
      %dma_start3A_53 = tpu.memref_slice %arg13[%dma_start3A_51, %dma_start3A_52] : memref<10112x128xf32, #tpu.memory_space<vmem_shared>> -> memref<10112x128xf32, #tpu.memory_space<vmem_shared>>
      tpu.enqueue_indirect_dma source(%arg10 : memref<128x128xf32, #tpu.memory_space<vmem>>) target(%dma_start3A_53 : memref<10112x128xf32, #tpu.memory_space<vmem_shared>>) offsets(%arg8 : memref<128xi32, #tpu.memory_space<vmem>>) semaphore(%arg16 : memref<!tpu.dma_semaphore, #tpu.memory_space<semaphore_mem>>) {add = true}
      %dma_wait3A_54 = arith.constant 0 : i32
      %dma_wait3A_55 = arith.constant 0 : i32
      %dma_wait3A_56 = tpu.memref_slice %arg2[%dma_wait3A_54, %dma_wait3A_55] : memref<10112x128xf32, #tpu.memory_space<hbm>> -> memref<10112x128xf32, #tpu.memory_space<hbm>>
      tpu.wait_indirect_dma semaphore(%arg15 : memref<!tpu.dma_semaphore, #tpu.memory_space<semaphore_mem>>) src(%dma_wait3A_56 : memref<10112x128xf32, #tpu.memory_space<hbm>>) dst(%arg11 : memref<128x128xf32, #tpu.memory_space<vmem>>)
      %dma_start3A_57 = arith.constant 0 : i32
      %dma_start3A_58 = arith.constant 0 : i32
      %dma_start3A_59 = tpu.memref_slice %arg13[%dma_start3A_57, %dma_start3A_58] : memref<10112x128xf32, #tpu.memory_space<vmem_shared>> -> memref<10112x128xf32, #tpu.memory_space<vmem_shared>>
      tpu.enqueue_indirect_dma source(%arg11 : memref<128x128xf32, #tpu.memory_space<vmem>>) target(%dma_start3A_59 : memref<10112x128xf32, #tpu.memory_space<vmem_shared>>) offsets(%arg9 : memref<128xi32, #tpu.memory_space<vmem>>) semaphore(%arg17 : memref<!tpu.dma_semaphore, #tpu.memory_space<semaphore_mem>>) {add = true}
      %dma_wait3A_60 = arith.constant 0 : i32
      %dma_wait3A_61 = arith.constant 0 : i32
      %dma_wait3A_62 = tpu.memref_slice %arg13[%dma_wait3A_60, %dma_wait3A_61] : memref<10112x128xf32, #tpu.memory_space<vmem_shared>> -> memref<10112x128xf32, #tpu.memory_space<vmem_shared>>
      tpu.wait_indirect_dma semaphore(%arg16 : memref<!tpu.dma_semaphore, #tpu.memory_space<semaphore_mem>>) src(%arg10 : memref<128x128xf32, #tpu.memory_space<vmem>>) dst(%dma_wait3A_62 : memref<10112x128xf32, #tpu.memory_space<vmem_shared>>)
      %dma_wait3A_63 = arith.constant 0 : i32
      %dma_wait3A_64 = arith.constant 0 : i32
      %dma_wait3A_65 = tpu.memref_slice %arg13[%dma_wait3A_63, %dma_wait3A_64] : memref<10112x128xf32, #tpu.memory_space<vmem_shared>> -> memref<10112x128xf32, #tpu.memory_space<vmem_shared>>
      tpu.wait_indirect_dma semaphore(%arg17 : memref<!tpu.dma_semaphore, #tpu.memory_space<semaphore_mem>>) src(%arg11 : memref<128x128xf32, #tpu.memory_space<vmem>>) dst(%dma_wait3A_65 : memref<10112x128xf32, #tpu.memory_space<vmem_shared>>)
      %scan3A_66 = arith.constant 0 : i32
      scf.yield %scan3A_66 : i32
    }
    %scan3A_26 = arith.constant 20 : i32
    %barrier3A_27 = arith.constant 0 : index
    tpu.barrier barrier_id(%barrier3A_27)
    %mul3A_28 = arith.constant 632 : i32
    %mul3A_29 = arith.muli %arg1, %mul3A_28 : i32
    %mul3A_30 = arith.constant 632 : i32
    %mul3A_31 = arith.muli %arg1, %mul3A_30 : i32
    "tpu.region"() ({
      %run_scoped3A = tpu.sem_alloc : memref<!tpu.dma_semaphore, #tpu.memory_space<semaphore_mem>>
      %dma_start3A = arith.constant 0 : i32
      %dma_start3A_32 = tpu.memref_slice %arg5[%arg0, %mul3A_31, %dma_start3A] : memref<2x10112x128xf32, #tpu.memory_space<hbm>> -> memref<1x632x128xf32, #tpu.memory_space<hbm>>
      %dma_start3A_33 = tpu.memref_squeeze %dma_start3A_32 : memref<1x632x128xf32, #tpu.memory_space<hbm>> -> memref<632x128xf32, #tpu.memory_space<hbm>>
      %dma_start3A_34 = arith.constant 0 : i32
      %dma_start3A_35 = tpu.memref_slice %arg13[%mul3A_29, %dma_start3A_34] : memref<10112x128xf32, #tpu.memory_space<vmem_shared>> -> memref<632x128xf32, #tpu.memory_space<vmem_shared>>
      tpu.enqueue_dma source(%dma_start3A_35 : memref<632x128xf32, #tpu.memory_space<vmem_shared>>) target(%dma_start3A_33 : memref<632x128xf32, #tpu.memory_space<hbm>>) target_semaphore(%run_scoped3A : memref<!tpu.dma_semaphore, #tpu.memory_space<semaphore_mem>>)
      %dma_wait3A = arith.constant 0 : i32
      %dma_wait3A_36 = tpu.memref_slice %arg5[%arg0, %mul3A_31, %dma_wait3A] : memref<2x10112x128xf32, #tpu.memory_space<hbm>> -> memref<1x632x128xf32, #tpu.memory_space<hbm>>
      %dma_wait3A_37 = tpu.memref_squeeze %dma_wait3A_36 : memref<1x632x128xf32, #tpu.memory_space<hbm>> -> memref<632x128xf32, #tpu.memory_space<hbm>>
      %dma_wait3A_38 = arith.constant 0 : i32
      %dma_wait3A_39 = tpu.memref_slice %arg13[%mul3A_29, %dma_wait3A_38] : memref<10112x128xf32, #tpu.memory_space<vmem_shared>> -> memref<632x128xf32, #tpu.memory_space<vmem_shared>>
      tpu.wait_dma2 semaphore(%run_scoped3A : memref<!tpu.dma_semaphore, #tpu.memory_space<semaphore_mem>>) src(%dma_wait3A_39 : memref<632x128xf32, #tpu.memory_space<vmem_shared>>) dst(%dma_wait3A_37 : memref<632x128xf32, #tpu.memory_space<hbm>>)
      tpu.yield
    }) : () -> ()
    return
  }
}

module attributes {stable_mosaic.version = 14 : i64} {
  func.func @_emlp_body(%arg0: i32, %arg1: memref<2048x4xf32, #tpu.memory_space<vmem>>, %arg2: memref<4x20xf32, #tpu.memory_space<vmem>>, %arg3: memref<1x20xf32, #tpu.memory_space<vmem>>, %arg4: memref<20x32xf32, #tpu.memory_space<vmem>>, %arg5: memref<1x32xf32, #tpu.memory_space<vmem>>, %arg6: memref<2048x32xf32, #tpu.memory_space<vmem>>) attributes {dimension_semantics = [#tpu.dimension_semantics<arbitrary>], iteration_bounds = array<i64: 80>, scalar_prefetch = 0 : i64, scratch_operands = 0 : i64, tpu.core_type = #tpu.core_type<tc>, window_params = [{transform_indices = @transform_0, window_bounds = array<i64: 2048, 4>}, {pipeline_mode = #tpu.pipeline_mode<synchronous>, transform_indices = @transform_1, window_bounds = array<i64: 4, 20>}, {pipeline_mode = #tpu.pipeline_mode<synchronous>, transform_indices = @transform_2, window_bounds = array<i64: 1, 20>}, {pipeline_mode = #tpu.pipeline_mode<synchronous>, transform_indices = @transform_3, window_bounds = array<i64: 20, 32>}, {pipeline_mode = #tpu.pipeline_mode<synchronous>, transform_indices = @transform_4, window_bounds = array<i64: 1, 32>}, {transform_indices = @transform_5, window_bounds = array<i64: 2048, 32>}]} {
    %get3A = arith.constant 0 : index
    %get3A_0 = arith.constant 0 : index
    %get3A_1 = vector.load %arg1[%get3A, %get3A_0] : memref<2048x4xf32, #tpu.memory_space<vmem>>, vector<2048x4xf32>
    %get3A_2 = arith.constant 0 : index
    %get3A_3 = arith.constant 0 : index
    %get3A_4 = vector.load %arg2[%get3A_2, %get3A_3] : memref<4x20xf32, #tpu.memory_space<vmem>>, vector<4x20xf32>
    %dot_general3A = arith.constant dense<0.000000e+00> : vector<2048x20xf32>
    %dot_general3A_5 = tpu.matmul %get3A_1, %get3A_4, %dot_general3A {dimension_numbers = #tpu.dot_dimension_numbers<[1], [0], [0], [1], [0, 0, 1, 1], [], []>, transpose_lhs_hint = false} : vector<2048x4xf32>, vector<4x20xf32>, vector<2048x20xf32> -> vector<2048x20xf32>
    %get3A_6 = arith.constant 0 : index
    %get3A_7 = arith.constant 0 : index
    %get3A_8 = vector.load %arg3[%get3A_6, %get3A_7] : memref<1x20xf32, #tpu.memory_space<vmem>>, vector<1x20xf32>
    %add3A = vector.broadcast %get3A_8 : vector<1x20xf32> to vector<2048x20xf32>
    %add3A_9 = arith.addf %dot_general3A_5, %add3A : vector<2048x20xf32>
    %max3A = arith.constant 0.000000e+00 : f32
    %max3A_10 = vector.broadcast %max3A : f32 to vector<2048x20xf32>
    %max3A_11 = arith.maximumf %add3A_9, %max3A_10 : vector<2048x20xf32>
    %get3A_12 = arith.constant 0 : index
    %get3A_13 = arith.constant 0 : index
    %get3A_14 = vector.load %arg4[%get3A_12, %get3A_13] : memref<20x32xf32, #tpu.memory_space<vmem>>, vector<20x32xf32>
    %dot_general3A_15 = arith.constant dense<0.000000e+00> : vector<2048x32xf32>
    %dot_general3A_16 = tpu.matmul %max3A_11, %get3A_14, %dot_general3A_15 {dimension_numbers = #tpu.dot_dimension_numbers<[1], [0], [0], [1], [0, 0, 1, 1], [], []>, transpose_lhs_hint = false} : vector<2048x20xf32>, vector<20x32xf32>, vector<2048x32xf32> -> vector<2048x32xf32>
    %get3A_17 = arith.constant 0 : index
    %get3A_18 = arith.constant 0 : index
    %get3A_19 = vector.load %arg5[%get3A_17, %get3A_18] : memref<1x32xf32, #tpu.memory_space<vmem>>, vector<1x32xf32>
    %add3A_20 = vector.broadcast %get3A_19 : vector<1x32xf32> to vector<2048x32xf32>
    %add3A_21 = arith.addf %dot_general3A_16, %add3A_20 : vector<2048x32xf32>
    %max3A_22 = arith.constant 0.000000e+00 : f32
    %max3A_23 = vector.broadcast %max3A_22 : f32 to vector<2048x32xf32>
    %max3A_24 = arith.maximumf %add3A_21, %max3A_23 : vector<2048x32xf32>
    %swap3A = arith.constant 0 : index
    %swap3A_25 = arith.constant 0 : index
    %swap3A_26 = vector.load %arg6[%swap3A, %swap3A_25] : memref<2048x32xf32, #tpu.memory_space<vmem>>, vector<2048x32xf32>
    tpu.vector_store %arg6[%swap3A, %swap3A_25], %max3A_24 {strides = array<i32>} : memref<2048x32xf32, #tpu.memory_space<vmem>>, vector<2048x32xf32>,
    return
  }
  func.func @transform_0(%arg0: i32) -> (i32, i32) {
    %c0_i32 = arith.constant 0 : i32
    %c0_i32_0 = arith.constant 0 : i32
    return %arg0, %c0_i32 : i32, i32
  }
  func.func @transform_1(%arg0: i32) -> (i32, i32) {
    %c0_i32 = arith.constant 0 : i32
    %c0_i32_0 = arith.constant 0 : i32
    %c0_i32_1 = arith.constant 0 : i32
    return %c0_i32, %c0_i32_0 : i32, i32
  }
  func.func @transform_2(%arg0: i32) -> (i32, i32) {
    %c0_i32 = arith.constant 0 : i32
    %c0_i32_0 = arith.constant 0 : i32
    %c0_i32_1 = arith.constant 0 : i32
    return %c0_i32, %c0_i32_0 : i32, i32
  }
  func.func @transform_3(%arg0: i32) -> (i32, i32) {
    %c0_i32 = arith.constant 0 : i32
    %c0_i32_0 = arith.constant 0 : i32
    %c0_i32_1 = arith.constant 0 : i32
    return %c0_i32, %c0_i32_0 : i32, i32
  }
  func.func @transform_4(%arg0: i32) -> (i32, i32) {
    %c0_i32 = arith.constant 0 : i32
    %c0_i32_0 = arith.constant 0 : i32
    %c0_i32_1 = arith.constant 0 : i32
    return %c0_i32, %c0_i32_0 : i32, i32
  }
  func.func @transform_5(%arg0: i32) -> (i32, i32) {
    %c0_i32 = arith.constant 0 : i32
    %c0_i32_0 = arith.constant 0 : i32
    return %arg0, %c0_i32 : i32, i32
  }
}

module attributes {stable_mosaic.version = 14 : i64} {
  func.func @_mm_body(%arg0: i32, %arg1: memref<2528x128xf32, #tpu.memory_space<vmem>>, %arg2: memref<128x384xf32, #tpu.memory_space<vmem>>, %arg3: memref<2528x384xf32, #tpu.memory_space<vmem>>) attributes {dimension_semantics = [#tpu.dimension_semantics<arbitrary>], iteration_bounds = array<i64: 4>, scalar_prefetch = 0 : i64, scratch_operands = 0 : i64, tpu.core_type = #tpu.core_type<tc>, window_params = [{transform_indices = @transform_0, window_bounds = array<i64: 2528, 128>}, {pipeline_mode = #tpu.pipeline_mode<synchronous>, transform_indices = @transform_1, window_bounds = array<i64: 128, 384>}, {transform_indices = @transform_2, window_bounds = array<i64: 2528, 384>}]} {
    %get3A = arith.constant 0 : index
    %get3A_0 = arith.constant 0 : index
    %get3A_1 = vector.load %arg1[%get3A, %get3A_0] : memref<2528x128xf32, #tpu.memory_space<vmem>>, vector<2528x128xf32>
    %get3A_2 = arith.constant 0 : index
    %get3A_3 = arith.constant 0 : index
    %get3A_4 = vector.load %arg2[%get3A_2, %get3A_3] : memref<128x384xf32, #tpu.memory_space<vmem>>, vector<128x384xf32>
    %dot_general3A = arith.constant dense<0.000000e+00> : vector<2528x384xf32>
    %dot_general3A_5 = tpu.matmul %get3A_1, %get3A_4, %dot_general3A {dimension_numbers = #tpu.dot_dimension_numbers<[1], [0], [0], [1], [0, 0, 1, 1], [], []>, transpose_lhs_hint = false} : vector<2528x128xf32>, vector<128x384xf32>, vector<2528x384xf32> -> vector<2528x384xf32>
    %swap3A = arith.constant 0 : index
    %swap3A_6 = arith.constant 0 : index
    %swap3A_7 = vector.load %arg3[%swap3A, %swap3A_6] : memref<2528x384xf32, #tpu.memory_space<vmem>>, vector<2528x384xf32>
    tpu.vector_store %arg3[%swap3A, %swap3A_6], %dot_general3A_5 {strides = array<i32>} : memref<2528x384xf32, #tpu.memory_space<vmem>>, vector<2528x384xf32>,
    return
  }
  func.func @transform_0(%arg0: i32) -> (i32, i32) {
    %c0_i32 = arith.constant 0 : i32
    %c0_i32_0 = arith.constant 0 : i32
    return %arg0, %c0_i32 : i32, i32
  }
  func.func @transform_1(%arg0: i32) -> (i32, i32) {
    %c0_i32 = arith.constant 0 : i32
    %c0_i32_0 = arith.constant 0 : i32
    %c0_i32_1 = arith.constant 0 : i32
    return %c0_i32, %c0_i32_0 : i32, i32
  }
  func.func @transform_2(%arg0: i32) -> (i32, i32) {
    %c0_i32 = arith.constant 0 : i32
    %c0_i32_0 = arith.constant 0 : i32
    return %arg0, %c0_i32 : i32, i32
  }
}

module attributes {stable_mosaic.version = 14 : i64} {
  func.func @_node1_body(%arg0: i32, %arg1: memref<2528x32xf32, #tpu.memory_space<vmem>>, %arg2: memref<2528x32xf32, #tpu.memory_space<vmem>>, %arg3: memref<2528x128xf32, #tpu.memory_space<vmem>>, %arg4: memref<128x16xf32, #tpu.memory_space<vmem>>, %arg5: memref<1x16xf32, #tpu.memory_space<vmem>>, %arg6: memref<2528x128xf32, #tpu.memory_space<vmem>>, %arg7: memref<2528x32xf32, #tpu.memory_space<vmem>>) attributes {dimension_semantics = [#tpu.dimension_semantics<arbitrary>], iteration_bounds = array<i64: 4>, scalar_prefetch = 0 : i64, scratch_operands = 0 : i64, tpu.core_type = #tpu.core_type<tc>, window_params = [{transform_indices = @transform_0, window_bounds = array<i64: 2528, 32>}, {transform_indices = @transform_1, window_bounds = array<i64: 2528, 32>}, {transform_indices = @transform_2, window_bounds = array<i64: 2528, 128>}, {pipeline_mode = #tpu.pipeline_mode<synchronous>, transform_indices = @transform_3, window_bounds = array<i64: 128, 16>}, {pipeline_mode = #tpu.pipeline_mode<synchronous>, transform_indices = @transform_4, window_bounds = array<i64: 1, 16>}, {transform_indices = @transform_5, window_bounds = array<i64: 2528, 128>}, {transform_indices = @transform_6, window_bounds = array<i64: 2528, 32>}]} {
    %get3A = arith.constant 0 : index
    %get3A_0 = arith.constant 0 : index
    %get3A_1 = vector.load %arg1[%get3A, %get3A_0] : memref<2528x32xf32, #tpu.memory_space<vmem>>, vector<2528x32xf32>
    %get3A_2 = arith.constant 0 : index
    %get3A_3 = arith.constant 0 : index
    %get3A_4 = vector.load %arg2[%get3A_2, %get3A_3] : memref<2528x32xf32, #tpu.memory_space<vmem>>, vector<2528x32xf32>
    %slice3A = vector.extract_strided_slice %get3A_1 {offsets = [0, 0], sizes = [2528, 16], strides = [1, 1]} : vector<2528x32xf32> to vector<2528x16xf32>
    %slice3A_5 = vector.extract_strided_slice %get3A_4 {offsets = [0, 0], sizes = [2528, 16], strides = [1, 1]} : vector<2528x32xf32> to vector<2528x16xf32>
    %add3A = arith.addf %slice3A, %slice3A_5 : vector<2528x16xf32>
    %slice3A_6 = vector.extract_strided_slice %get3A_1 {offsets = [0, 16], sizes = [2528, 1], strides = [1, 1]} : vector<2528x32xf32> to vector<2528x1xf32>
    %slice3A_7 = vector.extract_strided_slice %get3A_4 {offsets = [0, 16], sizes = [2528, 1], strides = [1, 1]} : vector<2528x32xf32> to vector<2528x1xf32>
    %add3A_8 = arith.addf %slice3A_6, %slice3A_7 : vector<2528x1xf32>
    %add3A_9 = arith.constant 1.000000e+00 : f32
    %add3A_10 = vector.broadcast %add3A_9 : f32 to vector<2528x1xf32>
    %add3A_11 = arith.addf %add3A_8, %add3A_10 : vector<2528x1xf32>
    %get3A_12 = arith.constant 0 : index
    %get3A_13 = arith.constant 0 : index
    %get3A_14 = vector.load %arg3[%get3A_12, %get3A_13] : memref<2528x128xf32, #tpu.memory_space<vmem>>, vector<2528x128xf32>
    %get3A_15 = arith.constant 0 : index
    %get3A_16 = arith.constant 0 : index
    %get3A_17 = vector.load %arg4[%get3A_15, %get3A_16] : memref<128x16xf32, #tpu.memory_space<vmem>>, vector<128x16xf32>
    %dot_general3A = arith.constant dense<0.000000e+00> : vector<2528x16xf32>
    %dot_general3A_18 = tpu.matmul %get3A_14, %get3A_17, %dot_general3A {dimension_numbers = #tpu.dot_dimension_numbers<[1], [0], [0], [1], [0, 0, 1, 1], [], []>, transpose_lhs_hint = false} : vector<2528x128xf32>, vector<128x16xf32>, vector<2528x16xf32> -> vector<2528x16xf32>
    %add3A_19 = arith.addf %add3A, %dot_general3A_18 : vector<2528x16xf32>
    %get3A_20 = arith.constant 0 : index
    %get3A_21 = arith.constant 0 : index
    %get3A_22 = vector.load %arg5[%get3A_20, %get3A_21] : memref<1x16xf32, #tpu.memory_space<vmem>>, vector<1x16xf32>
    %add3A_23 = vector.broadcast %get3A_22 : vector<1x16xf32> to vector<2528x16xf32>
    %add3A_24 = arith.addf %add3A_19, %add3A_23 : vector<2528x16xf32>
    %max3A = arith.constant 0.000000e+00 : f32
    %max3A_25 = vector.broadcast %max3A : f32 to vector<2528x16xf32>
    %max3A_26 = arith.maximumf %add3A_24, %max3A_25 : vector<2528x16xf32>
    %rsqrt3A = math.rsqrt %add3A_11 : vector<2528x1xf32>
    %mul3A = vector.broadcast %rsqrt3A : vector<2528x1xf32> to vector<2528x16xf32>
    %mul3A_27 = arith.mulf %max3A_26, %mul3A : vector<2528x16xf32>
    %concatenate3A = tpu.concatenate %mul3A_27, %mul3A_27, %mul3A_27, %mul3A_27, %mul3A_27, %mul3A_27, %mul3A_27, %mul3A_27 in 1 : vector<2528x16xf32>, vector<2528x16xf32>, vector<2528x16xf32>, vector<2528x16xf32>, vector<2528x16xf32>, vector<2528x16xf32>, vector<2528x16xf32>, vector<2528x16xf32> -> vector<2528x128xf32>
    %swap3A = arith.constant 0 : index
    %swap3A_28 = arith.constant 0 : index
    %swap3A_29 = vector.load %arg6[%swap3A, %swap3A_28] : memref<2528x128xf32, #tpu.memory_space<vmem>>, vector<2528x128xf32>
    tpu.vector_store %arg6[%swap3A, %swap3A_28], %concatenate3A {strides = array<i32>} : memref<2528x128xf32, #tpu.memory_space<vmem>>, vector<2528x128xf32>,
    %broadcast_in_dim3A = vector.shape_cast %rsqrt3A : vector<2528x1xf32> to vector<2528x1xf32>
    %broadcast_in_dim3A_30 = vector.broadcast %broadcast_in_dim3A : vector<2528x1xf32> to vector<2528x32xf32>
    %swap3A_31 = arith.constant 0 : index
    %swap3A_32 = arith.constant 0 : index
    %swap3A_33 = vector.load %arg7[%swap3A_31, %swap3A_32] : memref<2528x32xf32, #tpu.memory_space<vmem>>, vector<2528x32xf32>
    tpu.vector_store %arg7[%swap3A_31, %swap3A_32], %broadcast_in_dim3A_30 {strides = array<i32>} : memref<2528x32xf32, #tpu.memory_space<vmem>>, vector<2528x32xf32>,
    return
  }
  func.func @transform_0(%arg0: i32) -> (i32, i32) {
    %c0_i32 = arith.constant 0 : i32
    %c0_i32_0 = arith.constant 0 : i32
    return %arg0, %c0_i32 : i32, i32
  }
  func.func @transform_1(%arg0: i32) -> (i32, i32) {
    %c0_i32 = arith.constant 0 : i32
    %c0_i32_0 = arith.constant 0 : i32
    return %arg0, %c0_i32 : i32, i32
  }
  func.func @transform_2(%arg0: i32) -> (i32, i32) {
    %c0_i32 = arith.constant 0 : i32
    %c0_i32_0 = arith.constant 0 : i32
    return %arg0, %c0_i32 : i32, i32
  }
  func.func @transform_3(%arg0: i32) -> (i32, i32) {
    %c0_i32 = arith.constant 0 : i32
    %c0_i32_0 = arith.constant 0 : i32
    %c0_i32_1 = arith.constant 0 : i32
    return %c0_i32, %c0_i32_0 : i32, i32
  }
  func.func @transform_4(%arg0: i32) -> (i32, i32) {
    %c0_i32 = arith.constant 0 : i32
    %c0_i32_0 = arith.constant 0 : i32
    %c0_i32_1 = arith.constant 0 : i32
    return %c0_i32, %c0_i32_0 : i32, i32
  }
  func.func @transform_5(%arg0: i32) -> (i32, i32) {
    %c0_i32 = arith.constant 0 : i32
    %c0_i32_0 = arith.constant 0 : i32
    return %arg0, %c0_i32 : i32, i32
  }
  func.func @transform_6(%arg0: i32) -> (i32, i32) {
    %c0_i32 = arith.constant 0 : i32
    %c0_i32_0 = arith.constant 0 : i32
    return %arg0, %c0_i32 : i32, i32
  }
}

module attributes {stable_mosaic.version = 14 : i64} {
  func.func @_node2_body(%arg0: i32, %arg1: memref<2528x128xf32, #tpu.memory_space<vmem>>, %arg2: memref<2528x128xf32, #tpu.memory_space<vmem>>, %arg3: memref<2528x128xf32, #tpu.memory_space<vmem>>, %arg4: memref<2528x32xf32, #tpu.memory_space<vmem>>, %arg5: memref<16x32xf32, #tpu.memory_space<vmem>>, %arg6: memref<1x32xf32, #tpu.memory_space<vmem>>, %arg7: memref<2528x128xf32, #tpu.memory_space<vmem>>) attributes {dimension_semantics = [#tpu.dimension_semantics<arbitrary>], iteration_bounds = array<i64: 4>, scalar_prefetch = 0 : i64, scratch_operands = 0 : i64, tpu.core_type = #tpu.core_type<tc>, window_params = [{transform_indices = @transform_0, window_bounds = array<i64: 2528, 128>}, {transform_indices = @transform_1, window_bounds = array<i64: 2528, 128>}, {transform_indices = @transform_2, window_bounds = array<i64: 2528, 128>}, {transform_indices = @transform_3, window_bounds = array<i64: 2528, 32>}, {pipeline_mode = #tpu.pipeline_mode<synchronous>, transform_indices = @transform_4, window_bounds = array<i64: 16, 32>}, {pipeline_mode = #tpu.pipeline_mode<synchronous>, transform_indices = @transform_5, window_bounds = array<i64: 1, 32>}, {transform_indices = @transform_6, window_bounds = array<i64: 2528, 128>}]} {
    %get3A = arith.constant 0 : index
    %get3A_0 = arith.constant 0 : index
    %get3A_1 = vector.load %arg4[%get3A, %get3A_0] : memref<2528x32xf32, #tpu.memory_space<vmem>>, vector<2528x32xf32>
    %slice3A = vector.extract_strided_slice %get3A_1 {offsets = [0, 0], sizes = [2528, 16], strides = [1, 1]} : vector<2528x32xf32> to vector<2528x16xf32>
    %get3A_2 = arith.constant 0 : index
    %get3A_3 = arith.constant 0 : index
    %get3A_4 = vector.load %arg1[%get3A_2, %get3A_3] : memref<2528x128xf32, #tpu.memory_space<vmem>>, vector<2528x16xf32>
    %get3A_5 = arith.constant 0 : index
    %get3A_6 = arith.constant 0 : index
    %get3A_7 = vector.load %arg2[%get3A_5, %get3A_6] : memref<2528x128xf32, #tpu.memory_space<vmem>>, vector<2528x16xf32>
    %add3A = arith.addf %get3A_4, %get3A_7 : vector<2528x16xf32>
    %get3A_8 = arith.constant 0 : index
    %get3A_9 = arith.constant 0 : index
    %get3A_10 = vector.load %arg3[%get3A_8, %get3A_9] : memref<2528x128xf32, #tpu.memory_space<vmem>>, vector<2528x16xf32>
    %add3A_11 = arith.addf %add3A, %get3A_10 : vector<2528x16xf32>
    %mul3A = arith.mulf %slice3A, %add3A_11 : vector<2528x16xf32>
    %get3A_12 = arith.constant 0 : index
    %get3A_13 = arith.constant 0 : index
    %get3A_14 = vector.load %arg5[%get3A_12, %get3A_13] : memref<16x32xf32, #tpu.memory_space<vmem>>, vector<16x32xf32>
    %dot_general3A = arith.constant dense<0.000000e+00> : vector<2528x32xf32>
    %dot_general3A_15 = tpu.matmul %mul3A, %get3A_14, %dot_general3A {dimension_numbers = #tpu.dot_dimension_numbers<[1], [0], [0], [1], [0, 0, 1, 1], [], []>, transpose_lhs_hint = false} : vector<2528x16xf32>, vector<16x32xf32>, vector<2528x32xf32> -> vector<2528x32xf32>
    %get3A_16 = arith.constant 0 : index
    %get3A_17 = arith.constant 0 : index
    %get3A_18 = vector.load %arg6[%get3A_16, %get3A_17] : memref<1x32xf32, #tpu.memory_space<vmem>>, vector<1x32xf32>
    %add3A_19 = vector.broadcast %get3A_18 : vector<1x32xf32> to vector<2528x32xf32>
    %add3A_20 = arith.addf %dot_general3A_15, %add3A_19 : vector<2528x32xf32>
    %max3A = arith.constant 0.000000e+00 : f32
    %max3A_21 = vector.broadcast %max3A : f32 to vector<2528x32xf32>
    %max3A_22 = arith.maximumf %add3A_20, %max3A_21 : vector<2528x32xf32>
    %mul3A_23 = arith.mulf %max3A_22, %get3A_1 : vector<2528x32xf32>
    %concatenate3A = tpu.concatenate %mul3A_23, %mul3A_23, %mul3A_23, %mul3A_23 in 1 : vector<2528x32xf32>, vector<2528x32xf32>, vector<2528x32xf32>, vector<2528x32xf32> -> vector<2528x128xf32>
    %swap3A = arith.constant 0 : index
    %swap3A_24 = arith.constant 0 : index
    %swap3A_25 = vector.load %arg7[%swap3A, %swap3A_24] : memref<2528x128xf32, #tpu.memory_space<vmem>>, vector<2528x128xf32>
    tpu.vector_store %arg7[%swap3A, %swap3A_24], %concatenate3A {strides = array<i32>} : memref<2528x128xf32, #tpu.memory_space<vmem>>, vector<2528x128xf32>,
    return
  }
  func.func @transform_0(%arg0: i32) -> (i32, i32) {
    %c0_i32 = arith.constant 0 : i32
    %c0_i32_0 = arith.constant 0 : i32
    return %arg0, %c0_i32 : i32, i32
  }
  func.func @transform_1(%arg0: i32) -> (i32, i32) {
    %c0_i32 = arith.constant 0 : i32
    %c0_i32_0 = arith.constant 0 : i32
    return %arg0, %c0_i32 : i32, i32
  }
  func.func @transform_2(%arg0: i32) -> (i32, i32) {
    %c0_i32 = arith.constant 0 : i32
    %c0_i32_0 = arith.constant 0 : i32
    return %arg0, %c0_i32 : i32, i32
  }
  func.func @transform_3(%arg0: i32) -> (i32, i32) {
    %c0_i32 = arith.constant 0 : i32
    %c0_i32_0 = arith.constant 0 : i32
    return %arg0, %c0_i32 : i32, i32
  }
  func.func @transform_4(%arg0: i32) -> (i32, i32) {
    %c0_i32 = arith.constant 0 : i32
    %c0_i32_0 = arith.constant 0 : i32
    %c0_i32_1 = arith.constant 0 : i32
    return %c0_i32, %c0_i32_0 : i32, i32
  }
  func.func @transform_5(%arg0: i32) -> (i32, i32) {
    %c0_i32 = arith.constant 0 : i32
    %c0_i32_0 = arith.constant 0 : i32
    %c0_i32_1 = arith.constant 0 : i32
    return %c0_i32, %c0_i32_0 : i32, i32
  }
  func.func @transform_6(%arg0: i32) -> (i32, i32) {
    %c0_i32 = arith.constant 0 : i32
    %c0_i32_0 = arith.constant 0 : i32
    return %arg0, %c0_i32 : i32, i32
  }
}

module attributes {stable_mosaic.version = 14 : i64} {
  func.func @_final_body(%arg0: i32, %arg1: memref<2528x128xf32, #tpu.memory_space<vmem>>, %arg2: memref<2528x128xf32, #tpu.memory_space<vmem>>, %arg3: memref<2528x128xf32, #tpu.memory_space<vmem>>, %arg4: memref<2528x32xf32, #tpu.memory_space<vmem>>, %arg5: memref<1x1x2528xf32, #tpu.memory_space<vmem>>, %arg6: memref<32x32xf32, #tpu.memory_space<vmem>>, %arg7: memref<1x32xf32, #tpu.memory_space<vmem>>, %arg8: memref<32x16xf32, #tpu.memory_space<vmem>>, %arg9: memref<1x16xf32, #tpu.memory_space<vmem>>, %arg10: memref<16x1xf32, #tpu.memory_space<vmem>>, %arg11: memref<1x1xf32, #tpu.memory_space<vmem>>, %arg12: memref<64x1xf32, #tpu.memory_space<vmem>>, %arg13: memref<64x32xf32, #tpu.memory_space<vmem>>) attributes {dimension_semantics = [#tpu.dimension_semantics<arbitrary>], iteration_bounds = array<i64: 4>, scalar_prefetch = 0 : i64, scratch_operands = 1 : i64, tpu.core_type = #tpu.core_type<tc>, window_params = [{transform_indices = @transform_0, window_bounds = array<i64: 2528, 128>}, {transform_indices = @transform_1, window_bounds = array<i64: 2528, 128>}, {transform_indices = @transform_2, window_bounds = array<i64: 2528, 128>}, {transform_indices = @transform_3, window_bounds = array<i64: 2528, 32>}, {transform_indices = @transform_4, window_bounds = array<i64: 1, 1, 2528>}, {pipeline_mode = #tpu.pipeline_mode<synchronous>, transform_indices = @transform_5, window_bounds = array<i64: 32, 32>}, {pipeline_mode = #tpu.pipeline_mode<synchronous>, transform_indices = @transform_6, window_bounds = array<i64: 1, 32>}, {pipeline_mode = #tpu.pipeline_mode<synchronous>, transform_indices = @transform_7, window_bounds = array<i64: 32, 16>}, {pipeline_mode = #tpu.pipeline_mode<synchronous>, transform_indices = @transform_8, window_bounds = array<i64: 1, 16>}, {pipeline_mode = #tpu.pipeline_mode<synchronous>, transform_indices = @transform_9, window_bounds = array<i64: 16, 1>}, {pipeline_mode = #tpu.pipeline_mode<synchronous>, transform_indices = @transform_10, window_bounds = array<i64: 1, 1>}, {pipeline_mode = #tpu.pipeline_mode<synchronous>, transform_indices = @transform_11, window_bounds = array<i64: 64, 1>}]} {
    %get3A = arith.constant 0 : index
    %get3A_0 = arith.constant 0 : index
    %get3A_1 = vector.load %arg4[%get3A, %get3A_0] : memref<2528x32xf32, #tpu.memory_space<vmem>>, vector<2528x32xf32>
    %get3A_2 = arith.constant 0 : index
    %get3A_3 = arith.constant 0 : index
    %get3A_4 = vector.load %arg1[%get3A_2, %get3A_3] : memref<2528x128xf32, #tpu.memory_space<vmem>>, vector<2528x32xf32>
    %get3A_5 = arith.constant 0 : index
    %get3A_6 = arith.constant 0 : index
    %get3A_7 = vector.load %arg2[%get3A_5, %get3A_6] : memref<2528x128xf32, #tpu.memory_space<vmem>>, vector<2528x32xf32>
    %add3A = arith.addf %get3A_4, %get3A_7 : vector<2528x32xf32>
    %get3A_8 = arith.constant 0 : index
    %get3A_9 = arith.constant 0 : index
    %get3A_10 = vector.load %arg3[%get3A_8, %get3A_9] : memref<2528x128xf32, #tpu.memory_space<vmem>>, vector<2528x32xf32>
    %add3A_11 = arith.addf %add3A, %get3A_10 : vector<2528x32xf32>
    %mul3A = arith.mulf %get3A_1, %add3A_11 : vector<2528x32xf32>
    %get3A_12 = arith.constant 0 : index
    %get3A_13 = arith.constant 0 : index
    %get3A_14 = vector.load %arg6[%get3A_12, %get3A_13] : memref<32x32xf32, #tpu.memory_space<vmem>>, vector<32x32xf32>
    %dot_general3A = arith.constant dense<0.000000e+00> : vector<2528x32xf32>
    %dot_general3A_15 = tpu.matmul %mul3A, %get3A_14, %dot_general3A {dimension_numbers = #tpu.dot_dimension_numbers<[1], [0], [0], [1], [0, 0, 1, 1], [], []>, transpose_lhs_hint = false} : vector<2528x32xf32>, vector<32x32xf32>, vector<2528x32xf32> -> vector<2528x32xf32>
    %get3A_16 = arith.constant 0 : index
    %get3A_17 = arith.constant 0 : index
    %get3A_18 = vector.load %arg7[%get3A_16, %get3A_17] : memref<1x32xf32, #tpu.memory_space<vmem>>, vector<1x32xf32>
    %add3A_19 = vector.broadcast %get3A_18 : vector<1x32xf32> to vector<2528x32xf32>
    %add3A_20 = arith.addf %dot_general3A_15, %add3A_19 : vector<2528x32xf32>
    %max3A = arith.constant 0.000000e+00 : f32
    %max3A_21 = vector.broadcast %max3A : f32 to vector<2528x32xf32>
    %max3A_22 = arith.maximumf %add3A_20, %max3A_21 : vector<2528x32xf32>
    %mul3A_23 = arith.constant 2528 : i32
    %mul3A_24 = arith.muli %arg0, %mul3A_23 : i32
    %iota3A = tpu.iota {dimensions = array<i32: 0>} : vector<2528x1xi32>
    %add3A_25 = vector.broadcast %mul3A_24 : i32 to vector<2528x1xi32>
    %add3A_26 = arith.addi %add3A_25, %iota3A : vector<2528x1xi32>
    %lt3A = arith.constant 10000 : i32
    %lt3A_27 = vector.broadcast %lt3A : i32 to vector<2528x1xi32>
    %lt3A_28 = arith.cmpi slt, %add3A_26, %lt3A_27 : vector<2528x1xi32>
    %jit3A = arith.constant 0.000000e+00 : f32
    %broadcast_in_dim3A = vector.shape_cast %lt3A_28 : vector<2528x1xi1> to vector<2528x1xi1>
    %broadcast_in_dim3A_29 = vector.broadcast %broadcast_in_dim3A : vector<2528x1xi1> to vector<2528x32xi1>
    %broadcast_in_dim3A_30 = vector.broadcast %jit3A : f32 to vector<2528x32xf32>
    %select_n3A = arith.select %broadcast_in_dim3A_29, %max3A_22, %broadcast_in_dim3A_30 : vector<2528x32xi1>, vector<2528x32xf32>
    %get3A_31 = arith.constant 0 : index
    %get3A_32 = arith.constant 0 : index
    %get3A_33 = arith.constant 0 : index
    %get3A_34 = vector.load %arg5[%get3A_31, %get3A_32, %get3A_33] : memref<1x1x2528xf32, #tpu.memory_space<vmem>>, vector<1x1x2528xf32>
    %get3A_35 = vector.shape_cast %get3A_34 : vector<1x1x2528xf32> to vector<1x2528xf32>
    %iota3A_36 = tpu.iota {dimensions = array<i32: 0>} : vector<64x2528xi32>
    %convert_element_type3A = arith.sitofp %iota3A_36 : vector<64x2528xi32> to vector<64x2528xf32>
    %eq3A = vector.broadcast %get3A_35 : vector<1x2528xf32> to vector<64x2528xf32>
    %eq3A_37 = arith.cmpf oeq, %convert_element_type3A, %eq3A : vector<64x2528xf32>
    %convert_element_type3A_38 = arith.extui %eq3A_37 : vector<64x2528xi1> to vector<64x2528xi32>
    %convert_element_type3A_39 = arith.sitofp %convert_element_type3A_38 : vector<64x2528xi32> to vector<64x2528xf32>
    %dot_general3A_40 = arith.constant dense<0.000000e+00> : vector<64x32xf32>
    %dot_general3A_41 = tpu.matmul %convert_element_type3A_39, %select_n3A, %dot_general3A_40 {dimension_numbers = #tpu.dot_dimension_numbers<[1], [0], [0], [1], [0, 0, 1, 1], [], []>, transpose_lhs_hint = false} : vector<64x2528xf32>, vector<2528x32xf32>, vector<64x32xf32> -> vector<64x32xf32>
    %eq3A_42 = arith.constant 0 : i32
    %eq3A_43 = arith.cmpi eq, %arg0, %eq3A_42 : i32
    %convert_element_type3A_44 = arith.extui %eq3A_43 : i1 to i32
    %cond3A = arith.constant 0 : i32
    %cond3A_45 = arith.cmpi ne, %convert_element_type3A_44, %cond3A : i32
    scf.if %cond3A_45 {
      %broadcast_in_dim3A_57 = arith.constant 0.000000e+00 : f32
      %broadcast_in_dim3A_58 = vector.broadcast %broadcast_in_dim3A_57 : f32 to vector<64x32xf32>
      %swap3A_59 = arith.constant 0 : index
      %swap3A_60 = arith.constant 0 : index
      %swap3A_61 = vector.load %arg13[%swap3A_59, %swap3A_60] : memref<64x32xf32, #tpu.memory_space<vmem>>, vector<64x32xf32>
      tpu.vector_store %arg13[%swap3A_59, %swap3A_60], %broadcast_in_dim3A_58 {strides = array<i32>} : memref<64x32xf32, #tpu.memory_space<vmem>>, vector<64x32xf32>,
    } else {
    }
    %get3A_46 = arith.constant 0 : index
    %get3A_47 = arith.constant 0 : index
    %get3A_48 = vector.load %arg13[%get3A_46, %get3A_47] : memref<64x32xf32, #tpu.memory_space<vmem>>, vector<64x32xf32>
    %add3A_49 = arith.addf %get3A_48, %dot_general3A_41 : vector<64x32xf32>
    %swap3A = arith.constant 0 : index
    %swap3A_50 = arith.constant 0 : index
    %swap3A_51 = vector.load %arg13[%swap3A, %swap3A_50] : memref<64x32xf32, #tpu.memory_space<vmem>>, vector<64x32xf32>
    tpu.vector_store %arg13[%swap3A, %swap3A_50], %add3A_49 {strides = array<i32>} : memref<64x32xf32, #tpu.memory_space<vmem>>, vector<64x32xf32>,
    %eq3A_52 = arith.constant 3 : i32
    %eq3A_53 = arith.cmpi eq, %arg0, %eq3A_52 : i32
    %convert_element_type3A_54 = arith.extui %eq3A_53 : i1 to i32
    %cond3A_55 = arith.constant 0 : i32
    %cond3A_56 = arith.cmpi ne, %convert_element_type3A_54, %cond3A_55 : i32
    scf.if %cond3A_56 {
      %get3A_57 = arith.constant 0 : index
      %get3A_58 = arith.constant 0 : index
      %get3A_59 = vector.load %arg13[%get3A_57, %get3A_58] : memref<64x32xf32, #tpu.memory_space<vmem>>, vector<64x32xf32>
      %get3A_60 = arith.constant 0 : index
      %get3A_61 = arith.constant 0 : index
      %get3A_62 = vector.load %arg8[%get3A_60, %get3A_61] : memref<32x16xf32, #tpu.memory_space<vmem>>, vector<32x16xf32>
      %dot_general3A_63 = arith.constant dense<0.000000e+00> : vector<64x16xf32>
      %dot_general3A_64 = tpu.matmul %get3A_59, %get3A_62, %dot_general3A_63 {dimension_numbers = #tpu.dot_dimension_numbers<[1], [0], [0], [1], [0, 0, 1, 1], [], []>, transpose_lhs_hint = false} : vector<64x32xf32>, vector<32x16xf32>, vector<64x16xf32> -> vector<64x16xf32>
      %get3A_65 = arith.constant 0 : index
      %get3A_66 = arith.constant 0 : index
      %get3A_67 = vector.load %arg9[%get3A_65, %get3A_66] : memref<1x16xf32, #tpu.memory_space<vmem>>, vector<1x16xf32>
      %add3A_68 = vector.broadcast %get3A_67 : vector<1x16xf32> to vector<64x16xf32>
      %add3A_69 = arith.addf %dot_general3A_64, %add3A_68 : vector<64x16xf32>
      %get3A_70 = arith.constant 0 : index
      %get3A_71 = arith.constant 0 : index
      %get3A_72 = vector.load %arg10[%get3A_70, %get3A_71] : memref<16x1xf32, #tpu.memory_space<vmem>>, vector<16x1xf32>
      %dot_general3A_73 = arith.constant dense<0.000000e+00> : vector<64x1xf32>
      %dot_general3A_74 = tpu.matmul %add3A_69, %get3A_72, %dot_general3A_73 {dimension_numbers = #tpu.dot_dimension_numbers<[1], [0], [0], [1], [0, 0, 1, 1], [], []>, transpose_lhs_hint = false} : vector<64x16xf32>, vector<16x1xf32>, vector<64x1xf32> -> vector<64x1xf32>
      %get3A_75 = arith.constant 0 : index
      %get3A_76 = arith.constant 0 : index
      %get3A_77 = vector.load %arg11[%get3A_75, %get3A_76] : memref<1x1xf32, #tpu.memory_space<vmem>>, vector<1x1xf32>
      %add3A_78 = vector.broadcast %get3A_77 : vector<1x1xf32> to vector<64x1xf32>
      %add3A_79 = arith.addf %dot_general3A_74, %add3A_78 : vector<64x1xf32>
      %swap3A_80 = arith.constant 0 : index
      %swap3A_81 = arith.constant 0 : index
      %swap3A_82 = vector.load %arg12[%swap3A_80, %swap3A_81] : memref<64x1xf32, #tpu.memory_space<vmem>>, vector<64x1xf32>
      tpu.vector_store %arg12[%swap3A_80, %swap3A_81], %add3A_79 {strides = array<i32>} : memref<64x1xf32, #tpu.memory_space<vmem>>, vector<64x1xf32>,
    } else {
    }
    return
  }
  func.func @transform_0(%arg0: i32) -> (i32, i32) {
    %c0_i32 = arith.constant 0 : i32
    %c0_i32_0 = arith.constant 0 : i32
    return %arg0, %c0_i32 : i32, i32
  }
  func.func @transform_1(%arg0: i32) -> (i32, i32) {
    %c0_i32 = arith.constant 0 : i32
    %c0_i32_0 = arith.constant 0 : i32
    return %arg0, %c0_i32 : i32, i32
  }
  func.func @transform_2(%arg0: i32) -> (i32, i32) {
    %c0_i32 = arith.constant 0 : i32
    %c0_i32_0 = arith.constant 0 : i32
    return %arg0, %c0_i32 : i32, i32
  }
  func.func @transform_3(%arg0: i32) -> (i32, i32) {
    %c0_i32 = arith.constant 0 : i32
    %c0_i32_0 = arith.constant 0 : i32
    return %arg0, %c0_i32 : i32, i32
  }
  func.func @transform_4(%arg0: i32) -> (i32, i32, i32) {
    %c0_i32 = arith.constant 0 : i32
    %c0_i32_0 = arith.constant 0 : i32
    %c0_i32_1 = arith.constant 0 : i32
    return %arg0, %c0_i32, %c0_i32_0 : i32, i32, i32
  }
  func.func @transform_5(%arg0: i32) -> (i32, i32) {
    %c0_i32 = arith.constant 0 : i32
    %c0_i32_0 = arith.constant 0 : i32
    %c0_i32_1 = arith.constant 0 : i32
    return %c0_i32, %c0_i32_0 : i32, i32
  }
  func.func @transform_6(%arg0: i32) -> (i32, i32) {
    %c0_i32 = arith.constant 0 : i32
    %c0_i32_0 = arith.constant 0 : i32
    %c0_i32_1 = arith.constant 0 : i32
    return %c0_i32, %c0_i32_0 : i32, i32
  }
  func.func @transform_7(%arg0: i32) -> (i32, i32) {
    %c0_i32 = arith.constant 0 : i32
    %c0_i32_0 = arith.constant 0 : i32
    %c0_i32_1 = arith.constant 0 : i32
    return %c0_i32, %c0_i32_0 : i32, i32
  }
  func.func @transform_8(%arg0: i32) -> (i32, i32) {
    %c0_i32 = arith.constant 0 : i32
    %c0_i32_0 = arith.constant 0 : i32
    %c0_i32_1 = arith.constant 0 : i32
    return %c0_i32, %c0_i32_0 : i32, i32
  }
  func.func @transform_9(%arg0: i32) -> (i32, i32) {
    %c0_i32 = arith.constant 0 : i32
    %c0_i32_0 = arith.constant 0 : i32
    %c0_i32_1 = arith.constant 0 : i32
    return %c0_i32, %c0_i32_0 : i32, i32
  }
  func.func @transform_10(%arg0: i32) -> (i32, i32) {
    %c0_i32 = arith.constant 0 : i32
    %c0_i32_0 = arith.constant 0 : i32
    %c0_i32_1 = arith.constant 0 : i32
    return %c0_i32, %c0_i32_0 : i32, i32
  }
  func.func @transform_11(%arg0: i32) -> (i32, i32) {
    %c0_i32 = arith.constant 0 : i32
    %c0_i32_0 = arith.constant 0 : i32
    %c0_i32_1 = arith.constant 0 : i32
    return %c0_i32, %c0_i32_0 : i32, i32
  }
}

</mosaic_0001>

<sc_bundles>
// kernel: kernel.10.cloned.1.call-start
scs
__scs_entry_jumppad:
0x0: {  	(pc) =	sbr.rel $0x88, $3  }
0x1: {  	(tag) =	ssettag $0x0;
	lr =	simm.s32 $0x1  }
0x2: {  	[smem:$0x3F8D] =	sst lr;
	_ =	strace $0xD0000000  }
0x3: {  	_ = 	snop  }
0x4: {  	_ = 	snop  }
0x5: {  	_ = 	snop  }
0x6: {  	_ = 	snop  }
0x7: {  	_ = 	snop  }
__scs_overlays_trampoline_lowered:
0x8: {  	[smem:$0x3F9C] =	sst s0  }
0x9: {  	[smem:$0x3F9D] =	sst s1  }
0xa: {  	[smem:$0x3F9E] =	sst s2  }
0xb: {  	[smem:$0x3F9F] =	sst s3  }
0xc: {  	[smem:$0x3FA0] =	sst s4  }
0xd: {  	[smem:$0x3FA1] =	sst s5  }
0xe: {  	[smem:$0x3FA2] =	sst s6  }
0xf: {  	[smem:$0x3FA3] =	sst s7  }
0x10: {  	[smem:$0x3FA4] =	sst s8  }
0x11: {  	[smem:$0x3FA5] =	sst s9;
	s0 =	simm.s32 @!p0 $0x0  }
0x12: {  	s1 =	sld [smem:$0x3F8B];
	s0 =	simm.s32 @p0 $0x1  }
0x13: {  	[smem:$0x3FA6] =	sst s0;
	s0 =	simm.s32 @!p1 $0x0  }
0x14: {  	s2 =	sld [smem:$0x3F8A];
	s0 =	simm.s32 @p1 $0x1  }
0x15: {  	[smem:$0x3FA7] =	sst s0;
	s0 =	simm.s32 @!p2 $0x0  }
0x16: {  	s3 =	sld [smem:$0x3FDB];
	s0 =	simm.s32 @p2 $0x1  }
0x17: {  	s4 =	simm.s32 $0x1BF5;
	[smem:$0x3FA9] =	sst s0  }
0x18: {  	s0 =	sld [smem:$0x3F8C];
	_ =	swait.ge [sflag:s4], $0x0  }
0x19: {  	s7 =	sld [smem:$0x3F8D]  }
0x1a: {  	s8 =	sadd.s32 $0xFFFFE003, lr  }
0x1b: {  	s9 =	sadd.s32 $0xFFFFFEF7, lr;
	s5 =	simm.s32 $0xFFFFFFFF;
	p2 =	slt.u32 s8, $0xFFFFF086  }
0x1c: {  	p1 =	slt.u32 s9, $0xF7A;
	s5 =	simm.s32 @!p2 $0x0  }
0x1d: {  	s5 =	simm.s32 @p1 $0x1;
	p0 =	seq.s32 s7, s2  }
0x1e: {  	s7 =	smul.u32 @!p0 $0xF7A, s2;
	p2 =	seq.s32 @!p0 s5, $0x0  }
0x1f: {  	s9 =	smul.u32 $0xF7A, s1;
	s8 =	simm.s32 @!p0 $0x1BF5;
	p2 =	por !p2, p0  }
0x20: {  	[sflag:s8] =	ssyncset.s32 @!p0 $0xFFFFF086;
	s6 =	sadd.s32 @!p0 s3, s7;
	s7 =	simm.s32 @!p0 $0x108  }
0x21: {  	s3 =	sadd.s32 s3, s9;
	s6 =	sadd.s32 @!p0 $0x88, s6;
	s7 =	simm.s32 @p2 $0x1082  }
0x22: {  	[simem:s7], [sflag:s8] =	dma.local @!p0 [hbm:s6], $0xF7A  }
0x23: {  	s9 =	sor.u32 $0xD0000000, s2;
	s6 =	simm.s32 $0x108;
	_ =	swait.ge @!p0 [sflag:s8], $0x0  }
0x24: {  	s3 =	sadd.s32 $0x88, s3;
	s6 =	simm.s32 @!p1 $0x1082;
	[sflag:s4] =	ssyncset.s32 $0xFFFFF086  }
0x25: {  	[simem:s6], [sflag:s4] =	dma.local [hbm:s3], $0xF7A  }
0x26: {  	[smem:$0x3F8D] =	sst s1;
	(tag) =	ssettag s2;
	_ =	strace s9  }
0x27: {  	s1 =	sld [smem:$0x3F9D]  }
0x28: {  	s2 =	sld [smem:$0x3F9E]  }
0x29: {  	s4 =	sld [smem:$0x3FA0]  }
0x2a: {  	p0 =	seq.s32 s5, $0x0;
	s5 =	sld [smem:$0x3FA1]  }
0x2b: {  	s6 =	sld [smem:$0x3FA2]  }
0x2c: {  	s7 =	sld [smem:$0x3FA3]  }
0x2d: {  	s3 =	simm.s32 $0x108;
	s8 =	sld [smem:$0x3FA4]  }
0x2e: {  	s3 =	simm.s32 @!p0 $0x1082;
	s9 =	sld [smem:$0x3FA5]  }
0x2f: {  	lr =	sadd.s32 s0, s3;
	s0 =	sld [smem:$0x3F9C]  }
0x30: {  	s3 =	sld [smem:$0x3F9F]  }
0x31: {  	[smem:$0x3FA8] =	sst s10  }
0x32: {  	s10 =	sld [smem:$0x3FA6];
	_ =	sdelay $0x3  }
0x33: {  	p0 =	seq.s32 s10, $0x1;
	s10 =	sld [smem:$0x3FA8];
	_ =	sdelay $0x3  }
0x34: {  	[smem:$0x3FA8] =	sst s10  }
0x35: {  	s10 =	sld [smem:$0x3FA7];
	_ =	sdelay $0x3  }
0x36: {  	p1 =	seq.s32 s10, $0x1;
	s10 =	sld [smem:$0x3FA8];
	_ =	sdelay $0x3  }
0x37: {  	[smem:$0x3FA8] =	sst s10  }
0x38: {  	s10 =	sld [smem:$0x3FA9]  }
0x39: {  	_ = 	snop;
	(pc) =	sbr.ind lr, $3  }
0x3a: {  	_ = 	snop  }
0x3b: {  	_ = 	snop  }
0x3c: {  	p2 =	seq.s32 s10, $0x1;
	s10 =	sld [smem:$0x3FA8]  }
0x3d: {  	_ =	shalt  }
0x3e: {  	_ =	shalt  }
0x3f: {  	_ =	shalt  }
0x40: {  	_ =	shalt  }
0x41: {  	_ =	shalt  }
0x42: {  	_ =	shalt  }
0x43: {  	_ =	shalt  }
0x44: {  	_ =	shalt  }
0x45: {  	_ =	shalt  }
0x46: {  	_ =	shalt  }
0x47: {  	_ =	shalt  }
0x48: {  	_ =	shalt  }
0x49: {  	_ =	shalt  }
0x4a: {  	_ =	shalt  }
0x4b: {  	_ =	shalt  }
0x4c: {  	_ =	shalt  }
0x4d: {  	_ =	shalt  }
0x4e: {  	_ =	shalt  }
0x4f: {  	_ =	shalt  }
0x50: {  	_ =	shalt  }
0x51: {  	_ =	shalt  }
0x52: {  	_ =	shalt  }
0x53: {  	_ =	shalt  }
0x54: {  	_ =	shalt  }
0x55: {  	_ =	shalt  }
0x56: {  	_ =	shalt  }
0x57: {  	_ =	shalt  }
0x58: {  	_ =	shalt  }
0x59: {  	_ =	shalt  }
0x5a: {  	_ =	shalt  }
0x5b: {  	_ =	shalt  }
0x5c: {  	_ =	shalt  }
0x5d: {  	_ =	shalt  }
0x5e: {  	_ =	shalt  }
0x5f: {  	_ =	shalt  }
0x60: {  	_ =	shalt  }
0x61: {  	_ =	shalt  }
0x62: {  	_ =	shalt  }
0x63: {  	_ =	shalt  }
0x64: {  	_ =	shalt  }
0x65: {  	_ =	shalt  }
0x66: {  	_ =	shalt  }
0x67: {  	_ =	shalt  }
0x68: {  	_ =	shalt  }
0x69: {  	_ =	shalt  }
0x6a: {  	_ =	shalt  }
0x6b: {  	_ =	shalt  }
0x6c: {  	_ =	shalt  }
0x6d: {  	_ =	shalt  }
0x6e: {  	_ =	shalt  }
0x6f: {  	_ =	shalt  }
0x70: {  	_ =	shalt  }
0x71: {  	_ =	shalt  }
0x72: {  	_ =	shalt  }
0x73: {  	_ =	shalt  }
0x74: {  	_ =	shalt  }
0x75: {  	_ =	shalt  }
0x76: {  	_ =	shalt  }
0x77: {  	_ =	shalt  }
0x78: {  	_ =	shalt  }
0x79: {  	_ =	shalt  }
0x7a: {  	_ =	shalt  }
0x7b: {  	_ =	shalt  }
0x7c: {  	_ =	shalt  }
0x7d: {  	_ =	shalt  }
0x7e: {  	_ =	shalt  }
0x7f: {  	_ =	shalt  }
0x80: {  	_ =	shalt  }
0x81: {  	_ =	shalt  }
0x82: {  	_ =	shalt  }
0x83: {  	_ =	shalt  }
0x84: {  	_ =	shalt  }
0x85: {  	_ =	shalt  }
0x86: {  	_ =	shalt  }
0x87: {  	_ =	shalt  }
.Lfunc_end0:
.L_simem_size_0:
called_computation_lowered:
.L_overlay_start_0:
0x88: {  	s2 =	sld [smem:$0x3FD9]  }
0x89: {  	s3 =	sld [smem:$0x3FFE];
	_ =	sdelay $0x1  }
0x8a: {  	s1 =	srdreg.scid  }
0x8b: {  	s0 =	sand.u32 $0x1, s1  }
0x8c: {  	s16 =	sshll.u32 s0, $0xA;
	s2 =	sadd.s32 s3, s2  }
0x8d: {  	s2 =	sadd.s32 s2, s16  }
0x8e: {  	[smem:$0x3FB4] =	sst s2  }
0x8f: {  	_ = 	snop  }
0x90: {  	(tm) =	ssettm $0x1  }
0x91: {  	s17 =	sld [smem:$0x3FFB];
	_ =	sdelay $0x3  }
0x92: {  	_ =	strace s17  }
0x93: {  	s2 =	sld [smem:$0x3FFC];
	_ =	sdelay $0x3  }
0x94: {  	_ =	strace s2  }
0x95: {  	s2 =	sld [smem:$0x3FFD];
	_ =	sdelay $0x3  }
0x96: {  	_ =	strace s2  }
0x97: {  	_ =	strace $0x8FFFFFFF  }
0x98: {  	s18 =	sld [smem:$0x3FDB];
	_ =	sdelay $0x1  }
0x99: {  	s19 =	simm.s32 $_scs_section_size  }
0x9a: {  	s4 =	simm.s32 $_size__tile_overlayer_lowered;
	s5 =	simm.s32 $_tile_overlayer_lowered  }
0x9b: {  	s22 =	simm.s32 $0x1BFF;
	s21 =	sshll.u32 s5, $0x1;
	s2 =	sadd.s32 s19, s18  }
0x9c: {  	s6 =	simm.s32 $0x0;
	s20 =	sshll.u32 s4, $0x1;
	s4 =	sadd.s32 s21, s2  }
0x9d: {  	[timem:s6], [sflag:s22] =	dma.local [hbm:s4], s20  }
0x9e: {  	_ =	swait.ge [sflag:s22], s20  }
0x9f: {  	s3 =	ssub.s32 $0x0, s20;
	[sflag:s22] =	ssyncset.done $0x0  }
0xa0: {  	[sflag:s22] =	ssyncadd.s32 s3;
	_ =	sdelay $0x1  }
0xa1: {  	s23 =	simm.s32 $0x1B8B  }
0xa2: {  	_ =	swait.ge [sflag:s23], $0x1  }
0xa3: {  	[sflag:s23] =	ssyncset.done $0x0  }
0xa4: {  	s25 =	simm.s32 $0x1B8E;
	s24 =	sld [smem:$0x3FFE];
	[sflag:s23] =	ssyncadd.s32 $0xFFFFFFFF  }
0xa5: {  	s26 =	simm.s32 $execute0_lowered;
	[smem:$0x3FD2] =	sst s25  }
0xa6: {  	s4 =	sshll.u32 s26, $0x1;
	_ =	strace $0x80000046;
	[dreg:$0x1] =	wrdreg $0xFFFFFFFF  }
0xa7: {  	s28 =	simm.s32 $_size_execute0_lowered;
	s2 =	sadd.s32 s2, s4;
	[dreg:$0x0] =	wrdreg $0x0  }
0xa8: {  	s4 =	sshll.u32 s28, $0x1;
	[dreg:$0x2] =	wrdreg s2  }
0xa9: {  	[dreg:$0x3] =	wrdreg s4  }
0xaa: {  	[dreg:$0x4] =	wrdreg $0xC0  }
0xab: {  	_ =	task [dreg:s6], $0x5FFFF  }
0xac: {  	[dreg:$0x1] =	wrdreg $0xFFFFFFFF  }
0xad: {  	[dreg:$0x0] =	wrdreg $0x60  }
0xae: {  	[dreg:$0x2] =	wrdreg s24  }
0xaf: {  	[dreg:$0x3] =	wrdreg $0xA9000  }
0xb0: {  	[dreg:$0x4] =	wrdreg $0x9  }
0xb1: {  	_ =	task.clear_ibuf [dreg:s6], $0x5FFFF;
	_ =	strace $0x90000046  }
0xb2: {  	s29 =	simm.s32 $0x9;
	_ =	strace $0x80000048  }
0xb3: {  	_ =	swait.ge [sflag:s29], $0x1  }
0xb4: {  	[sflag:s29] =	ssyncadd.s32 $0xFFFFFFFF  }
0xb5: {  	_ =	strace $0x90000048  }
0xb6: {  	_ =	sfence  }
0xb7: {  	s30 =	sld [smem:$0x0];
	_ =	sdelay $0x2  }
0xb8: {  	s31 =	sshll.u32 s1, $0xD;
	s1 =	sshrl.u32 s1, $0x2  }
0xb9: {  	s3 =	sand.u32 $0x4000, s31;
	s1 =	sadd.s32 s1, s30  }
0xba: {  	s0 =	sor.u32 s3, s0;
	s1 =	sshll.u32 s1, $0x11  }
0xbb: {  	s0 =	sor.u32 s1, s0  }
0xbc: {  	s0 =	sadd.s32 $0x8F2B, s0  }
0xbd: {  	[sflag:s0] =	ssyncadd.remote.s32 $0x1  }
0xbe: {  	_ =	sfence.sel $0xFFFF  }
0xbf: {  	[dreg:$0x0] =	wrdreg $0xFFFFFFFF;
	(pc) =	sbr.abs _section_cstart, $3  }
0xc0: {  	[dreg:$0x1] =	wrdreg $0xFFFFFFFF  }
0xc1: {  	_ =	task.clear_ibuf [dreg:s6], $0x2FFFF;
	_ =	strace $0x9FFFFFFF  }
0xc2: {  	(tm) =	ssettm $0x7FFFFFFF  }
0xc3: {  	_ =	shalt  }
tec
execute0_lowered:
.L_overlay_start_1:
0x0: {  	(tag) =	ssettag $0x1  }
0x1: {  	s0 =	rddreg [dreg:$0x0]  }
0x2: {  	s11 =	rddreg [dreg:$0x1];
	s1 =	srdreg.scid  }
0x3: {  	s26 =	simm.s32 $0x0;
	s9 =	stileid.u32;
	s13 =	simm.s32 $0x2D00  }
0x4: {  	s14 =	simm.s32 $0x3100;
	s15 =	simm.s32 $0x3900;
	s16 =	simm.s32 $0x3D00  }
0x5: {  	s17 =	simm.s32 $0x4500;
	s1 =	sand.u32 $0x1, s1;
	[smem:$0x7FF] =	sst s26  }
0x6: {  	s3 =	smul.u32 $0x13C00, s9;
	s4 =	sadd.s32 $0xAF600, s0;
	s5 =	sadd.s32 $0xF600, s0  }
0x7: {  	s6 =	sadd.s32 $0x5600, s0;
	s18 =	smul.u32 $0x4F000, s9;
	s8 =	ssub.s32 $0x2, s1  }
0x8: {  	s7 =	sadd.s32 $0xA600, s0;
	s2 =	smul.u32 $0x13C000, s1;
	s10 =	sshrl.u32 s8, $0x1  }
0x9: {  	s9 =	sshll.u32 s9, $0x1;
	s12 =	sadd.s32 $0xAF700, s0;
	s8 =	ssub.s32 s8, s10  }
0xa: {  	s2 =	sadd.s32 s3, s2;
	s3 =	sshrl.u32 s18, $0x2;
	s20 =	smax.u32 s8, $0x1  }
0xb: {  	_ =	strace $0x80000047;
	s28 =	sadd.s32 s3, s11;
	[dreg:$0x7] =	wrdreg s20  }
0xc: {  	s1 =	sor.u32 s1, s9;
	s3 =	sadd.s32 $0x12000, s28;
	[dreg:$0x4] =	wrdreg s28  }
0xd: {  	s9 =	smul.u32 $0x1400, s1;
	s21 =	sadd.s32 $0x2000, s28;
	[dreg:$0x5] =	wrdreg s3  }
0xe: {  	s10 =	simm.s32 $0x2500;
	s22 =	sadd.s32 $0x4000, s28;
	[dreg:$0x8] =	wrdreg s21  }
0xf: {  	s18 =	simm.s32 $0x4900;
	s23 =	sadd.s32 $0x6000, s28;
	[dreg:$0x9] =	wrdreg s22  }
0x10: {  	s2 =	sshrl.u32 s2, $0x3;
	s24 =	sadd.s32 $0x8000, s28;
	[dreg:$0xa] =	wrdreg s23  }
0x11: {  	s11 =	smul.u32 $0x28000, s1;
	s25 =	sadd.s32 $0xA000, s28;
	[dreg:$0xb] =	wrdreg s24  }
0x12: {  	s8 =	simm.s32 $0x40;
	s29 =	sadd.s32 $0xC000, s28;
	[dreg:$0xc] =	wrdreg s25  }
0x13: {  	s2 =	sadd.s32 s2, s0;
	s30 =	sadd.s32 $0xE000, s28;
	[dreg:$0xd] =	wrdreg s29  }
0x14: {  	v4 =	vlaneseq.u32;
	s31 =	sadd.s32 $0x10000, s28;
	s20 =	simm.s32 $0x5500;
	[dreg:$0xe] =	wrdreg s30  }
0x15: {  	v0 =	vimm.f32 $0.0e+00;
	vm0 =	vcmask $0x300;
	vm1 =	vmmov $0xff;
	s19 =	sadd.s32 $0x125E00, s2;
	[dreg:$0xf] =	wrdreg s31;
	s24 =	simm.s32 $0x2  }
0x16: {  	v3 =	vshrl.u32 v4, $0x3;
	v1 =	vsel vm0, $0x3F800000, v0;
	v2 =	vand.u32 $0x7, v4;
	s25 =	simm.s32 $0x80;
	s21 =	simm.s32 $0x5D00;
	s22 =	simm.s32 $0x1  }
0x17: {  	vm0 =	vmmov $0xffff;
	v4 =	vor.u32 $0x8, v4;
	v3 =	vmul.u32 $0x8, v3;
	s23 =	simm.s32 $0x6900;
	[dreg:$0x6] =	wrdreg s19;
	s19 =	simm.s32 $0x5100  }
.LBB2_1:
0x18: {  	s0 =	simm.s32 $0x200;
	s1 =	simm.s32 $0x0  }
.LBB2_2:
0x19: {  	p0 =	sne.s32 s0, $0x7E00;
	[tilespmem:s1+$0x8900] =	vst v0;
	s3 =	smov.u32 s0;
	s0 =	sadd.s32 $0x200, s0  }
.Ltmp0:
0x1a: {  	[tilespmem:s1+$0x8910] =	vst v0;
	(pc) =	sbr.rel @p0 .LBB2_2-.Ltmp0, $2  }
0x1b: {  	_ =	sdelay $0x2  }
0x1c: {  	s1 =	sshra.s32 s3, $0x2  }
0x1d: {  	[tilespmem:s1+$0x8900] =	vst v0  }
0x1e: {  	[dreg:$0x3] =	wrdreg s26;
	[tilespmem:s1+$0x8910] =	vst v0;
	s1 =	simm.s32 $0x8900  }
0x1f: {  	[spmem:s28] =	stream.linear.scatter [tilespmem:s1], [sflag:$0x2], $0x2000, $0x38;
	[tilespmem:$0xF800] =	vst v63  }
0x20: {  	_ =	swait.ge [sflag:s24], $0x2000  }
0x21: {  	[sflag:s24] =	ssyncset.done $0x0  }
0x22: {  	s0 =	rddreg [dreg:$0x8];
	[sflag:s24] =	ssyncadd.s32 $0xFFFFE000  }
0x23: {  	[spmem:s0] =	stream.linear.scatter [tilespmem:s1], [sflag:$0x2], $0x2000, $0x38;
	[tilespmem:$0xF800] =	vst v63  }
0x24: {  	_ =	swait.ge [sflag:s24], $0x2000  }
0x25: {  	[sflag:s24] =	ssyncset.done $0x0  }
0x26: {  	s31 =	rddreg [dreg:$0x9];
	[sflag:s24] =	ssyncadd.s32 $0xFFFFE000  }
0x27: {  	[spmem:s31] =	stream.linear.scatter [tilespmem:s1], [sflag:$0x2], $0x2000, $0x38;
	[tilespmem:$0xF800] =	vst v63  }
0x28: {  	_ =	swait.ge [sflag:s24], $0x2000  }
0x29: {  	[sflag:s24] =	ssyncset.done $0x0  }
0x2a: {  	s2 =	rddreg [dreg:$0xa];
	[sflag:s24] =	ssyncadd.s32 $0xFFFFE000  }
0x2b: {  	[spmem:s2] =	stream.linear.scatter [tilespmem:s1], [sflag:$0x2], $0x2000, $0x38;
	[tilespmem:$0xF800] =	vst v63  }
0x2c: {  	_ =	swait.ge [sflag:s24], $0x2000  }
0x2d: {  	[sflag:s24] =	ssyncset.done $0x0  }
0x2e: {  	s3 =	rddreg [dreg:$0xb];
	[sflag:s24] =	ssyncadd.s32 $0xFFFFE000  }
0x2f: {  	[spmem:s3] =	stream.linear.scatter [tilespmem:s1], [sflag:$0x2], $0x2000, $0x38;
	[tilespmem:$0xF800] =	vst v63  }
0x30: {  	_ =	swait.ge [sflag:s24], $0x2000  }
0x31: {  	[sflag:s24] =	ssyncset.done $0x0  }
0x32: {  	s26 =	rddreg [dreg:$0xc];
	[sflag:s24] =	ssyncadd.s32 $0xFFFFE000  }
0x33: {  	[spmem:s26] =	stream.linear.scatter [tilespmem:s1], [sflag:$0x2], $0x2000, $0x38;
	[tilespmem:$0xF800] =	vst v63  }
0x34: {  	_ =	swait.ge [sflag:s24], $0x2000  }
0x35: {  	[sflag:s24] =	ssyncset.done $0x0  }
0x36: {  	s28 =	rddreg [dreg:$0xd];
	[sflag:s24] =	ssyncadd.s32 $0xFFFFE000  }
0x37: {  	[spmem:s28] =	stream.linear.scatter [tilespmem:s1], [sflag:$0x2], $0x2000, $0x38;
	[tilespmem:$0xF800] =	vst v63  }
0x38: {  	_ =	swait.ge [sflag:s24], $0x2000  }
0x39: {  	[sflag:s24] =	ssyncset.done $0x0  }
0x3a: {  	s29 =	rddreg [dreg:$0xe];
	[sflag:s24] =	ssyncadd.s32 $0xFFFFE000  }
0x3b: {  	[spmem:s29] =	stream.linear.scatter [tilespmem:s1], [sflag:$0x2], $0x2000, $0x38;
	[tilespmem:$0xF800] =	vst v63  }
0x3c: {  	_ =	swait.ge [sflag:s24], $0x2000  }
0x3d: {  	[sflag:s24] =	ssyncset.done $0x0  }
0x3e: {  	s30 =	rddreg [dreg:$0xf];
	[sflag:s24] =	ssyncadd.s32 $0xFFFFE000  }
0x3f: {  	[spmem:s30] =	stream.linear.scatter [tilespmem:s1], [sflag:$0x2], $0x2000, $0x38;
	[tilespmem:$0xF800] =	vst v63  }
0x40: {  	_ =	swait.ge [sflag:s24], $0x2000  }
0x41: {  	[sflag:s24] =	ssyncset.done $0x0  }
0x42: {  	s31 =	rddreg [dreg:$0x5];
	[sflag:s24] =	ssyncadd.s32 $0xFFFFE000  }
0x43: {  	[spmem:s31] =	stream.linear.scatter [tilespmem:s1], [sflag:$0x2], $0x1C00, $0x38;
	[tilespmem:$0xF800] =	vst v63  }
0x44: {  	_ =	swait.ge [sflag:s24], $0x1C00  }
0x45: {  	[sflag:s24] =	ssyncset.done $0x0  }
0x46: {  	s0 =	simm.s32 $0x200;
	s1 =	simm.s32 $0x0;
	[sflag:s24] =	ssyncadd.s32 $0xFFFFE400  }
.LBB2_4:
0x47: {  	p0 =	sne.s32 s0, $0x7E00;
	[tilespmem:s1+$0x6910] =	vst v1;
	s1 =	smov.u32 s0;
	s0 =	sadd.s32 $0x200, s0  }
.Ltmp1:
0x48: {  	(pc) =	sbr.rel @p0 .LBB2_4-.Ltmp1, $2  }
0x49: {  	_ =	sdelay $0x2  }
0x4a: {  	s1 =	sshra.s32 s1, $0x2  }
0x4b: {  	[tilespmem:s1+$0x6910] =	vst v1  }
0x4c: {  	s3 =	simm.s32 $0x0;
	s1 =	simm.s32 $0x0;
	[bflag:$0x0] =	sbarrier.arrive $0xFFFF  }
.LBB2_6:
0x4d: {  	s0 =	sshll.u32 s1, $0x6  }
0x4e: {  	s0 =	sadd.s32 s9, s0  }
0x4f: {  	s0 =	sshrl.u32 s0, $0x3  }
0x50: {  	s26 =	sadd.s32 s6, s0  }
0x51: {  	[tilespmem:s3], [sflag:$0x2] =	stream.linear.gather [hbm4b:s26+s3], $0x40, $0x38;
	[tilespmem:$0xF800] =	vst v63  }
0x52: {  	_ =	swait.ge [sflag:s24], $0x40  }
0x53: {  	[sflag:s24] =	ssyncset.done $0x0  }
0x54: {  	s2 =	sshll.u32 s1, $0xB;
	s0 =	sadd.s32 s7, s0;
	[sflag:s24] =	ssyncadd.s32 $0xFFFFFFC0  }
0x55: {  	[tilespmem:s25], [sflag:$0x2] =	stream.linear.gather [hbm4b:s0+s3], $0x40, $0x38;
	[tilespmem:$0xF800] =	vst v63  }
0x56: {  	s0 =	sadd.s32 s11, s2;
	_ =	swait.ge [sflag:s24], $0x40  }
0x57: {  	s0 =	sshrl.u32 s0, $0x3;
	[sflag:s24] =	ssyncset.done $0x0  }
0x58: {  	s2 =	simm.s32 $0x6100;
	s0 =	sadd.s32 s5, s0;
	[sflag:s24] =	ssyncadd.s32 $0xFFFFFFC0  }
0x59: {  	[tilespmem:s2], [sflag:$0x2] =	stream.linear.gather [hbm4b:s0+s3], $0x800, $0x38;
	[tilespmem:$0xF800] =	vst v63  }
0x5a: {  	_ =	swait.ge [sflag:s24], $0x800  }
0x5b: {  	[sflag:s24] =	ssyncset.done $0x0  }
0x5c: {  	[sflag:s24] =	ssyncadd.s32 $0xFFFFF800  }
0x5d: {  	v5 =	vld [tilespmem:$0x0];
	_ =	sdelay $0x4  }
0x5e: {  	v6 =	vshrl.u32 v5, $0x3  }
0x5f: {  	v6 =	vmul.u32 $0x18, v6  }
0x60: {  	v5 =	vand.u32 $0x7, v5  }
0x61: {  	v5 =	vor.u32 v5, v6  }
0x62: {  	v6 =	vperm.xlane v5, v2;
	_ =	sdelay $0x1  }
0x63: {  	v6 =	vadd.s32 v3, v6;
	_ =	sdelay $0x1  }
0x64: {  	v5 =	vperm.xlane v5, v4;
	_ =	sdelay $0x1  }
0x65: {  	s26 =	simm.s32 $0x100;
	v5 =	vadd.s32 v3, v5  }
0x66: {  	[tilespmem:s26], [sflag:$0x1] =	stream.indirect_vreg.gather [hbm4b:s4+s3], $0x80, v6, vm0, $0xb8;
	[tilespmem:$0xF800] =	vst v63  }
0x67: {  	s31 =	simm.s32 $0x900  }
0x68: {  	[tilespmem:s31], [sflag:$0x1] =	stream.indirect_vreg.gather [hbm4b:s12+s3], $0x80, v6, vm1, $0xb8;
	[tilespmem:$0xF800] =	vst v63  }
0x69: {  	s2 =	simm.s32 $0xD00  }
0x6a: {  	[tilespmem:s2], [sflag:$0x1] =	stream.indirect_vreg.gather [hbm4b:s4+s3], $0x80, v5, vm0, $0xb8;
	[tilespmem:$0xF800] =	vst v63  }
0x6b: {  	s26 =	simm.s32 $0x1500  }
0x6c: {  	[tilespmem:s26], [sflag:$0x1] =	stream.indirect_vreg.gather [hbm4b:s12+s3], $0x80, v5, vm1, $0xb8;
	[tilespmem:$0xF800] =	vst v63  }
0x6d: {  	v5 =	vld [tilespmem:$0x10];
	_ =	sdelay $0x4  }
0x6e: {  	v6 =	vshrl.u32 v5, $0x3  }
0x6f: {  	v6 =	vmul.u32 $0x18, v6  }
0x70: {  	v5 =	vand.u32 $0x7, v5  }
0x71: {  	v5 =	vor.u32 v5, v6  }
0x72: {  	v6 =	vperm.xlane v5, v2;
	_ =	sdelay $0x1  }
0x73: {  	v6 =	vadd.s32 v3, v6;
	_ =	sdelay $0x1  }
0x74: {  	v5 =	vperm.xlane v5, v4;
	_ =	sdelay $0x1  }
0x75: {  	s31 =	simm.s32 $0x1900;
	v5 =	vadd.s32 v3, v5  }
0x76: {  	[tilespmem:s31], [sflag:$0x1] =	stream.indirect_vreg.gather [hbm4b:s4+s3], $0x80, v6, vm0, $0xb8;
	[tilespmem:$0xF800] =	vst v63  }
0x77: {  	s2 =	simm.s32 $0x2100  }
0x78: {  	[tilespmem:s2], [sflag:$0x1] =	stream.indirect_vreg.gather [hbm4b:s12+s3], $0x80, v6, vm1, $0xb8;
	[tilespmem:$0xF800] =	vst v63  }
0x79: {  	_ = 	snop  }
0x7a: {  	[tilespmem:s10], [sflag:$0x1] =	stream.indirect_vreg.gather [hbm4b:s4+s3], $0x80, v5, vm0, $0xb8;
	[tilespmem:$0xF800] =	vst v63  }
0x7b: {  	_ = 	snop  }
0x7c: {  	[tilespmem:s13], [sflag:$0x1] =	stream.indirect_vreg.gather [hbm4b:s12+s3], $0x80, v5, vm1, $0xb8;
	[tilespmem:$0xF800] =	vst v63  }
0x7d: {  	v5 =	vld [tilespmem:$0x20];
	_ =	sdelay $0x4  }
0x7e: {  	v6 =	vshrl.u32 v5, $0x3  }
0x7f: {  	v6 =	vmul.u32 $0x18, v6  }
0x80: {  	v5 =	vand.u32 $0x7, v5  }
0x81: {  	v5 =	vor.u32 v5, v6  }
0x82: {  	v6 =	vperm.xlane v5, v2;
	_ =	sdelay $0x1  }
0x83: {  	v6 =	vadd.s32 v3, v6;
	_ =	sdelay $0x1  }
0x84: {  	v5 =	vperm.xlane v5, v4;
	_ =	sdelay $0x1  }
0x85: {  	v5 =	vadd.s32 v3, v5  }
0x86: {  	[tilespmem:s14], [sflag:$0x1] =	stream.indirect_vreg.gather [hbm4b:s4+s3], $0x80, v6, vm0, $0xb8;
	[tilespmem:$0xF800] =	vst v63  }
0x87: {  	_ = 	snop  }
0x88: {  	[tilespmem:s15], [sflag:$0x1] =	stream.indirect_vreg.gather [hbm4b:s12+s3], $0x80, v6, vm1, $0xb8;
	[tilespmem:$0xF800] =	vst v63  }
0x89: {  	_ = 	snop  }
0x8a: {  	[tilespmem:s16], [sflag:$0x1] =	stream.indirect_vreg.gather [hbm4b:s4+s3], $0x80, v5, vm0, $0xb8;
	[tilespmem:$0xF800] =	vst v63  }
0x8b: {  	_ = 	snop  }
0x8c: {  	[tilespmem:s17], [sflag:$0x1] =	stream.indirect_vreg.gather [hbm4b:s12+s3], $0x80, v5, vm1, $0xb8;
	[tilespmem:$0xF800] =	vst v63  }
0x8d: {  	v5 =	vld [tilespmem:$0x30];
	_ =	sdelay $0x4  }
0x8e: {  	v6 =	vshrl.u32 v5, $0x3  }
0x8f: {  	v6 =	vmul.u32 $0x18, v6  }
0x90: {  	v5 =	vand.u32 $0x7, v5  }
0x91: {  	v5 =	vor.u32 v5, v6  }
0x92: {  	v6 =	vperm.xlane v5, v2;
	_ =	sdelay $0x1  }
0x93: {  	v6 =	vadd.s32 v3, v6;
	_ =	sdelay $0x1  }
0x94: {  	v5 =	vperm.xlane v5, v4;
	_ =	sdelay $0x1  }
0x95: {  	v5 =	vadd.s32 v3, v5  }
0x96: {  	[tilespmem:s18], [sflag:$0x1] =	stream.indirect_vreg.gather [hbm4b:s4+s3], $0x80, v6, vm0, $0xb8;
	[tilespmem:$0xF800] =	vst v63  }
0x97: {  	_ = 	snop  }
0x98: {  	[tilespmem:s19], [sflag:$0x1] =	stream.indirect_vreg.gather [hbm4b:s12+s3], $0x80, v6, vm1, $0xb8;
	[tilespmem:$0xF800] =	vst v63  }
0x99: {  	_ = 	snop  }
0x9a: {  	[tilespmem:s20], [sflag:$0x1] =	stream.indirect_vreg.gather [hbm4b:s4+s3], $0x80, v5, vm0, $0xb8;
	[tilespmem:$0xF800] =	vst v63  }
0x9b: {  	_ = 	snop  }
0x9c: {  	[tilespmem:s21], [sflag:$0x1] =	stream.indirect_vreg.gather [hbm4b:s12+s3], $0x80, v5, vm1, $0xb8;
	[tilespmem:$0xF800] =	vst v63  }
0x9d: {  	s26 =	simm.s32 $0x0;
	_ =	swait.ge [sflag:s22], $0x6000  }
0x9e: {  	s0 =	smul.u32 $0x3000, s26;
	[sflag:s22] =	ssyncset.done $0x0  }
0x9f: {  	s31 =	sand.u32 $0x7FFFFFE0, s3;
	[sflag:s22] =	ssyncadd.s32 $0xFFFFA000  }
0xa0: {  	s28 =	sand.u32 $0x380, s3;
	s0 =	sshra.s32 s0, $0x2;
	v5 =	vld [tilespmem:s31+$0x6100]  }
0xa1: {  	s0 =	sor.u32 s28, s0  }
0xa2: {  	v6 =	vld [tilespmem:s0+$0x100]  }
0xa3: {  	v7 =	vld [tilespmem:s0+$0x940]  }
0xa4: {  	v8 =	vld [tilespmem:s0+$0x110]  }
0xa5: {  	v9 =	vbroadcast v5, $0x0  }
0xa6: {  	v10 =	vld [tilespmem:s0+$0x120]  }
0xa7: {  	v34 =	vbroadcast v5, $0x1;
	v6 =	vmul.f32 v6, v9  }
0xa8: {  	v11 =	vld [tilespmem:s0+$0x130]  }
0xa9: {  	v35 =	vbroadcast v5, $0x2;
	v6 =	vadd.f32 v6, v7;
	v7 =	vmul.f32 v8, v34  }
0xaa: {  	v36 =	vld [tilespmem:s0+$0x140]  }
0xab: {  	v37 =	vbroadcast v5, $0x3;
	v6 =	vadd.f32 v7, v6;
	v7 =	vmul.f32 v10, v35  }
0xac: {  	v38 =	vld [tilespmem:s0+$0x150]  }
0xad: {  	v39 =	vbroadcast v5, $0x4;
	v6 =	vadd.f32 v7, v6;
	v7 =	vmul.f32 v11, v37  }
0xae: {  	v40 =	vld [tilespmem:s0+$0x160]  }
0xaf: {  	v41 =	vbroadcast v5, $0x5;
	v6 =	vadd.f32 v7, v6;
	v7 =	vmul.f32 v36, v39  }
0xb0: {  	v42 =	vld [tilespmem:s0+$0x170]  }
0xb1: {  	v43 =	vbroadcast v5, $0x6;
	v6 =	vadd.f32 v7, v6;
	v7 =	vmul.f32 v38, v41  }
0xb2: {  	v44 =	vld [tilespmem:s0+$0x500]  }
0xb3: {  	v45 =	vbroadcast v5, $0x7;
	v6 =	vadd.f32 v7, v6;
	v7 =	vmul.f32 v40, v43  }
0xb4: {  	v46 =	vld [tilespmem:s0+$0x510]  }
0xb5: {  	v47 =	vbroadcast v5, $0x8;
	v6 =	vadd.f32 v7, v6;
	v7 =	vmul.f32 v42, v45  }
0xb6: {  	v48 =	vld [tilespmem:s0+$0x520]  }
0xb7: {  	v49 =	vbroadcast v5, $0x9;
	v6 =	vadd.f32 v7, v6;
	v7 =	vmul.f32 v44, v47  }
0xb8: {  	v50 =	vld [tilespmem:s0+$0x530]  }
0xb9: {  	v51 =	vbroadcast v5, $0xA;
	v6 =	vadd.f32 v7, v6;
	v7 =	vmul.f32 v46, v49  }
0xba: {  	v52 =	vld [tilespmem:s0+$0x540]  }
0xbb: {  	v53 =	vbroadcast v5, $0xB;
	v6 =	vadd.f32 v7, v6;
	v7 =	vmul.f32 v48, v51  }
0xbc: {  	v54 =	vld [tilespmem:s0+$0x550]  }
0xbd: {  	v55 =	vbroadcast v5, $0xC;
	v6 =	vadd.f32 v7, v6;
	v7 =	vmul.f32 v50, v53  }
0xbe: {  	v56 =	vld [tilespmem:s0+$0x560]  }
0xbf: {  	v58 =	vld [tilespmem:s0+$0x570];
	v57 =	vbroadcast v5, $0xD;
	v6 =	vadd.f32 v7, v6;
	v7 =	vmul.f32 v52, v55  }
0xc0: {  	v12 =	vld [tilespmem:s31+$0x6110]  }
0xc1: {  	v59 =	vbroadcast v5, $0xE;
	v6 =	vadd.f32 v7, v6;
	v7 =	vmul.f32 v54, v57  }
0xc2: {  	v60 =	vld [tilespmem:s0+$0x900]  }
0xc3: {  	v5 =	vbroadcast v5, $0xF;
	v6 =	vadd.f32 v7, v6;
	v7 =	vmul.f32 v56, v59  }
0xc4: {  	v61 =	vld [tilespmem:s0+$0x910]  }
0xc5: {  	v5 =	vmul.f32 v58, v5;
	v6 =	vadd.f32 v7, v6;
	v7 =	vbroadcast v12, $0x0  }
0xc6: {  	v62 =	vld [tilespmem:s0+$0x920]  }
0xc7: {  	v5 =	vadd.f32 v5, v6;
	v6 =	vmul.f32 v60, v7;
	v7 =	vbroadcast v12, $0x1  }
0xc8: {  	v63 =	vld [tilespmem:s0+$0x930]  }
0xc9: {  	v5 =	vadd.f32 v6, v5;
	v6 =	vmul.f32 v61, v7;
	v7 =	vbroadcast v12, $0x2;
	_ =	sdelay $0x1  }
0xca: {  	v5 =	vadd.f32 v6, v5;
	v6 =	vmul.f32 v62, v7;
	v7 =	vbroadcast v12, $0x3;
	_ =	sdelay $0x1  }
0xcb: {  	v5 =	vadd.f32 v6, v5;
	v6 =	vmul.f32 v63, v7  }
0xcc: {  	s30 =	simm.s32 $0x2;
	s29 =	simm.s32 $0x0  }
0xcd: {  	s26 =	simm.s32 $0x6900;
	s28 =	simm.s32 $0x0;
	s0 =	simm.s32 $0x0;
	v5 =	vadd.f32 v6, v5  }
.LBB2_7:
0xce: {  	p0 =	sne.s32 s30, $0x3F;
	s31 =	smul.u32 $0x3000, s0;
	s29 =	sadd.s32 $0x20, s29  }
0xcf: {  	s28 =	sadd.s32 $0x80, s28;
	s0 =	sand.u32 $0x7FFFFFE0, s29;
	[tilespmem:s26+$0x0] =	vst v5  }
0xd0: {  	s2 =	sand.u32 $0x380, s28;
	v5 =	vld [tilespmem:s0+$0x6100];
	s31 =	sshra.s32 s31, $0x2  }
0xd1: {  	s31 =	sor.u32 s2, s31  }
0xd2: {  	v6 =	vld [tilespmem:s31+$0x100]  }
0xd3: {  	v7 =	vld [tilespmem:s31+$0x940]  }
0xd4: {  	v8 =	vld [tilespmem:s31+$0x110]  }
0xd5: {  	v9 =	vbroadcast v5, $0x0  }
0xd6: {  	v10 =	vld [tilespmem:s31+$0x120]  }
0xd7: {  	v6 =	vmul.f32 v6, v9;
	v9 =	vbroadcast v5, $0x1  }
0xd8: {  	v11 =	vld [tilespmem:s31+$0x130]  }
0xd9: {  	v6 =	vadd.f32 v6, v7;
	v7 =	vmul.f32 v8, v9;
	v8 =	vbroadcast v5, $0x2  }
0xda: {  	v9 =	vld [tilespmem:s31+$0x140]  }
0xdb: {  	v6 =	vadd.f32 v7, v6;
	v7 =	vmul.f32 v10, v8;
	v8 =	vbroadcast v5, $0x3  }
0xdc: {  	v10 =	vld [tilespmem:s31+$0x150]  }
0xdd: {  	v6 =	vadd.f32 v7, v6;
	v7 =	vmul.f32 v11, v8;
	v8 =	vbroadcast v5, $0x4  }
0xde: {  	v11 =	vld [tilespmem:s31+$0x160]  }
0xdf: {  	v6 =	vadd.f32 v7, v6;
	v7 =	vmul.f32 v9, v8;
	v8 =	vbroadcast v5, $0x5  }
0xe0: {  	v9 =	vld [tilespmem:s31+$0x170]  }
0xe1: {  	v6 =	vadd.f32 v7, v6;
	v7 =	vmul.f32 v10, v8;
	v8 =	vbroadcast v5, $0x6  }
0xe2: {  	v10 =	vld [tilespmem:s31+$0x500]  }
0xe3: {  	v6 =	vadd.f32 v7, v6;
	v7 =	vmul.f32 v11, v8;
	v8 =	vbroadcast v5, $0x7  }
0xe4: {  	v11 =	vld [tilespmem:s31+$0x510]  }
0xe5: {  	v6 =	vadd.f32 v7, v6;
	v7 =	vmul.f32 v9, v8;
	v8 =	vbroadcast v5, $0x8  }
0xe6: {  	v9 =	vld [tilespmem:s31+$0x520]  }
0xe7: {  	v6 =	vadd.f32 v7, v6;
	v7 =	vmul.f32 v10, v8;
	v8 =	vbroadcast v5, $0x9  }
0xe8: {  	v10 =	vld [tilespmem:s31+$0x530]  }
0xe9: {  	v6 =	vadd.f32 v7, v6;
	v7 =	vmul.f32 v11, v8;
	v8 =	vbroadcast v5, $0xA  }
0xea: {  	v11 =	vld [tilespmem:s31+$0x540]  }
0xeb: {  	v6 =	vadd.f32 v7, v6;
	v7 =	vmul.f32 v9, v8;
	v8 =	vbroadcast v5, $0xB  }
0xec: {  	v9 =	vld [tilespmem:s31+$0x550]  }
0xed: {  	v6 =	vadd.f32 v7, v6;
	v7 =	vmul.f32 v10, v8;
	v8 =	vbroadcast v5, $0xC  }
0xee: {  	v10 =	vld [tilespmem:s31+$0x560]  }
0xef: {  	v6 =	vadd.f32 v7, v6;
	v7 =	vmul.f32 v11, v8;
	v8 =	vbroadcast v5, $0xD;
	v11 =	vld [tilespmem:s31+$0x570]  }
0xf0: {  	v12 =	vld [tilespmem:s0+$0x6110]  }
0xf1: {  	v6 =	vadd.f32 v7, v6;
	v7 =	vmul.f32 v9, v8;
	v8 =	vbroadcast v5, $0xE  }
0xf2: {  	v9 =	vld [tilespmem:s31+$0x900]  }
0xf3: {  	v5 =	vbroadcast v5, $0xF;
	v6 =	vadd.f32 v7, v6;
	v7 =	vmul.f32 v10, v8  }
0xf4: {  	v8 =	vld [tilespmem:s31+$0x910]  }
0xf5: {  	v5 =	vmul.f32 v11, v5;
	v6 =	vadd.f32 v7, v6;
	v7 =	vbroadcast v12, $0x0  }
0xf6: {  	v10 =	vld [tilespmem:s31+$0x920]  }
0xf7: {  	v5 =	vadd.f32 v5, v6;
	v6 =	vmul.f32 v9, v7;
	v7 =	vbroadcast v12, $0x1  }
0xf8: {  	v9 =	vld [tilespmem:s31+$0x930]  }
0xf9: {  	v5 =	vadd.f32 v6, v5;
	v6 =	vmul.f32 v8, v7;
	v7 =	vbroadcast v12, $0x2;
	_ =	sdelay $0x1  }
.Ltmp2:
0xfa: {  	v5 =	vadd.f32 v6, v5;
	v6 =	vmul.f32 v10, v7;
	v7 =	vbroadcast v12, $0x3;
	(pc) =	sbr.rel @p0 .LBB2_7-.Ltmp2, $3  }
0xfb: {  	_ = 	snop  }
0xfc: {  	v5 =	vadd.f32 v6, v5;
	v6 =	vmul.f32 v9, v7;
	_ =	sdelay $0x1  }
0xfd: {  	s26 =	sadd.s32 $0x80, s26;
	s0 =	sshrl.u32 s30, $0x3;
	s30 =	sadd.s32 $0x1, s30;
	v5 =	vadd.f32 v6, v5  }
0xfe: {  	s0 =	smul.u32 $0x3000, s0;
	s2 =	sadd.s32 $0x20, s29  }
0xff: {  	s28 =	sadd.s32 $0x80, s28;
	s29 =	sand.u32 $0x7FFFFFE0, s2;
	[tilespmem:s26+$0x0] =	vst v5  }
0x100: {  	s2 =	sand.u32 $0x380, s28;
	v5 =	vld [tilespmem:s29+$0x6100];
	s0 =	sshra.s32 s0, $0x2  }
0x101: {  	s0 =	sor.u32 s2, s0  }
0x102: {  	v6 =	vld [tilespmem:s0+$0x100]  }
0x103: {  	v7 =	vld [tilespmem:s0+$0x940]  }
0x104: {  	v8 =	vld [tilespmem:s0+$0x110]  }
0x105: {  	v9 =	vbroadcast v5, $0x0  }
0x106: {  	v10 =	vld [tilespmem:s0+$0x120]  }
0x107: {  	v34 =	vbroadcast v5, $0x1;
	v6 =	vmul.f32 v6, v9  }
0x108: {  	v11 =	vld [tilespmem:s0+$0x130]  }
0x109: {  	v35 =	vbroadcast v5, $0x2;
	v6 =	vadd.f32 v6, v7;
	v7 =	vmul.f32 v8, v34  }
0x10a: {  	v36 =	vld [tilespmem:s0+$0x140]  }
0x10b: {  	v37 =	vbroadcast v5, $0x3;
	v6 =	vadd.f32 v7, v6;
	v7 =	vmul.f32 v10, v35  }
0x10c: {  	v38 =	vld [tilespmem:s0+$0x150]  }
0x10d: {  	v39 =	vbroadcast v5, $0x4;
	v6 =	vadd.f32 v7, v6;
	v7 =	vmul.f32 v11, v37  }
0x10e: {  	v40 =	vld [tilespmem:s0+$0x160]  }
0x10f: {  	v41 =	vbroadcast v5, $0x5;
	v6 =	vadd.f32 v7, v6;
	v7 =	vmul.f32 v36, v39  }
0x110: {  	v42 =	vld [tilespmem:s0+$0x170]  }
0x111: {  	v43 =	vbroadcast v5, $0x6;
	v6 =	vadd.f32 v7, v6;
	v7 =	vmul.f32 v38, v41  }
0x112: {  	v44 =	vld [tilespmem:s0+$0x500]  }
0x113: {  	v45 =	vbroadcast v5, $0x7;
	v6 =	vadd.f32 v7, v6;
	v7 =	vmul.f32 v40, v43  }
0x114: {  	v46 =	vld [tilespmem:s0+$0x510]  }
0x115: {  	v47 =	vbroadcast v5, $0x8;
	v6 =	vadd.f32 v7, v6;
	v7 =	vmul.f32 v42, v45  }
0x116: {  	v48 =	vld [tilespmem:s0+$0x520]  }
0x117: {  	v49 =	vbroadcast v5, $0x9;
	v6 =	vadd.f32 v7, v6;
	v7 =	vmul.f32 v44, v47  }
0x118: {  	v50 =	vld [tilespmem:s0+$0x530]  }
0x119: {  	v51 =	vbroadcast v5, $0xA;
	v6 =	vadd.f32 v7, v6;
	v7 =	vmul.f32 v46, v49  }
0x11a: {  	v52 =	vld [tilespmem:s0+$0x540]  }
0x11b: {  	v53 =	vbroadcast v5, $0xB;
	v6 =	vadd.f32 v7, v6;
	v7 =	vmul.f32 v48, v51  }
0x11c: {  	v54 =	vld [tilespmem:s0+$0x550]  }
0x11d: {  	v55 =	vbroadcast v5, $0xC;
	v6 =	vadd.f32 v7, v6;
	v7 =	vmul.f32 v50, v53  }
0x11e: {  	v56 =	vld [tilespmem:s0+$0x560]  }
0x11f: {  	v12 =	vld [tilespmem:s29+$0x6110];
	v57 =	vbroadcast v5, $0xD;
	v6 =	vadd.f32 v7, v6;
	v7 =	vmul.f32 v52, v55  }
0x120: {  	v58 =	vld [tilespmem:s0+$0x570]  }
0x121: {  	v59 =	vbroadcast v5, $0xE;
	v6 =	vadd.f32 v7, v6;
	v7 =	vmul.f32 v54, v57  }
0x122: {  	v60 =	vld [tilespmem:s0+$0x900]  }
0x123: {  	v5 =	vbroadcast v5, $0xF;
	v6 =	vadd.f32 v7, v6;
	v7 =	vmul.f32 v56, v59  }
0x124: {  	v61 =	vld [tilespmem:s0+$0x910]  }
0x125: {  	v5 =	vmul.f32 v58, v5;
	v6 =	vadd.f32 v7, v6;
	v7 =	vbroadcast v12, $0x0  }
0x126: {  	v62 =	vld [tilespmem:s0+$0x920]  }
0x127: {  	v5 =	vadd.f32 v5, v6;
	v6 =	vmul.f32 v60, v7;
	v7 =	vbroadcast v12, $0x1  }
0x128: {  	v63 =	vld [tilespmem:s0+$0x930]  }
0x129: {  	v5 =	vadd.f32 v6, v5;
	v6 =	vmul.f32 v61, v7;
	v7 =	vbroadcast v12, $0x2;
	_ =	sdelay $0x1  }
0x12a: {  	v5 =	vadd.f32 v6, v5;
	v6 =	vmul.f32 v62, v7;
	v7 =	vbroadcast v12, $0x3;
	_ =	sdelay $0x1  }
0x12b: {  	v5 =	vadd.f32 v6, v5;
	v6 =	vmul.f32 v63, v7;
	_ =	sdelay $0x1  }
0x12c: {  	s1 =	sadd.s32 $0x1, s1;
	v5 =	vadd.f32 v6, v5  }
0x12d: {  	s30 =	sadd.s32 $0x80, s26;
	p0 =	sne.s32 s1, $0x50  }
.Ltmp3:
0x12e: {  	s31 =	rddreg [dreg:$0x1];
	[tilespmem:s30+$0x0] =	vst v5;
	(pc) =	sbr.rel @p0 .LBB2_6-.Ltmp3, $4  }
0x12f: {  	[spmem:s31] =	stream.indirect.scatter.add.f32 [tilespmem:s23], [sflag:$0x2], $0x20, s25, s8, $0xb8;
	[tilespmem:$0xF800] =	vst v63  }
0x130: {  	_ =	swait.ge [sflag:s24], $0x800  }
0x131: {  	[sflag:s24] =	ssyncset.done $0x0  }
0x132: {  	[sflag:s24] =	ssyncadd.s32 $0xFFFFF800  }
0x133: {  	s0 =	stileid.u32;
	[bflag:$0x0] =	sbarrier.arrive $0xFFFF  }
0x134: {  	s0 =	sshll.u32 s0, $0x6;
	s28 =	rddreg [dreg:$0x4]  }
0x135: {  	s2 =	rddreg [dreg:$0x6];
	s0 =	sor.u32 $0x1C02, s0;
	s1 =	sshrl.u32 s28, $0x3  }
0x136: {  	[hbm:s2], [sflag:s0] =	dma.local [spmem:s1], $0x2780  }
0x137: {  	_ =	swait.ge [sflag:s24], $0x2780  }
0x138: {  	s26 =	rddreg [dreg:$0x3]  }
0x139: {  	s31 =	rddreg [dreg:$0x7];
	s26 =	sadd.s32 $0x1, s26  }
0x13a: {  	p0 =	sne.s32 s26, s31  }
.Ltmp4:
0x13b: {  	_ = 	snop;
	(pc) =	sbr.rel @p0 .LBB2_1-.Ltmp4, $3  }
0x13c: {  	_ =	sdelay $0x1  }
0x13d: {  	[sflag:s24] =	ssyncset.done $0x0  }
0x13e: {  	[sflag:s24] =	ssyncadd.s32 $0xFFFFD880  }
0x13f: {  	_ =	sfence.sel $0x180000  }
0x140: {  	[bflag:$0x0] =	sbarrier.arrive $0xFFFF  }
0x141: {  	_ =	strace $0x90000047  }
0x142: {  	s0 =	stileid.u32;
	[bflag:$0x2] =	sbarrier.arrive $0xFFFF  }
0x143: {  	p0 =	sne.s32 s0, $0x0;
	s0 =	rddreg [dreg:$0x2]  }
0x144: {  	s0 =	sadd.s32 @!p0 $0x100000, s0  }
0x145: {  	[sflag:s0] =	ssyncadd.tile.s32 @!p0 $0x1;
	_ =	shalt  }
.Lfunc_end2:
_tile_overlayer_lowered:
.L_overlay_start_2:
0x146: {  	(tag) =	ssettag $0x2  }
0x147: {  	s0 =	rddreg [dreg:$0x0];
	s2 =	stileid.u32  }
0x148: {  	s1 =	rddreg [dreg:$0x1];
	p0 =	sne.s32 s2, $0x0  }
0x149: {  	s3 =	rddreg [dreg:$0x2];
	[bflag:$0x3] =	sbarrier.arrive $0xFFFF;
	s2 =	simm.s32 @!p0 $0x1C02  }
0x14a: {  	[timem:s3], [sflag:s2] =	dma.local @!p0 [hbm:s0], s1  }
0x14b: {  	s0 =	simm.s32 @!p0 $0x2  }
0x14c: {  	_ =	swait.ge @!p0 [sflag:s0], s1  }
0x14d: {  	s1 =	ssub.s32 @!p0 $0x0, s1;
	[sflag:s0] =	ssyncset.done @!p0 $0x0  }
0x14e: {  	[sflag:s0] =	ssyncadd.s32 @!p0 s1  }
0x14f: {  	[bflag:$0x3] =	sbarrier.arrive $0xFFFF  }
0x150: {  	_ =	shalt  }

// kernel: kernel.13.cloned.1.call-start
scs
__scs_entry_jumppad:
0x0: {  	(pc) =	sbr.rel $0x88, $3  }
0x1: {  	(tag) =	ssettag $0x0;
	lr =	simm.s32 $0x1  }
0x2: {  	[smem:$0x3F8D] =	sst lr;
	_ =	strace $0xD0000000  }
0x3: {  	_ = 	snop  }
0x4: {  	_ = 	snop  }
0x5: {  	_ = 	snop  }
0x6: {  	_ = 	snop  }
0x7: {  	_ = 	snop  }
__scs_overlays_trampoline_lowered:
0x8: {  	[smem:$0x3F9C] =	sst s0  }
0x9: {  	[smem:$0x3F9D] =	sst s1  }
0xa: {  	[smem:$0x3F9E] =	sst s2  }
0xb: {  	[smem:$0x3F9F] =	sst s3  }
0xc: {  	[smem:$0x3FA0] =	sst s4  }
0xd: {  	[smem:$0x3FA1] =	sst s5  }
0xe: {  	[smem:$0x3FA2] =	sst s6  }
0xf: {  	[smem:$0x3FA3] =	sst s7  }
0x10: {  	[smem:$0x3FA4] =	sst s8  }
0x11: {  	[smem:$0x3FA5] =	sst s9;
	s0 =	simm.s32 @!p0 $0x0  }
0x12: {  	s1 =	sld [smem:$0x3F8B];
	s0 =	simm.s32 @p0 $0x1  }
0x13: {  	[smem:$0x3FA6] =	sst s0;
	s0 =	simm.s32 @!p1 $0x0  }
0x14: {  	s2 =	sld [smem:$0x3F8A];
	s0 =	simm.s32 @p1 $0x1  }
0x15: {  	[smem:$0x3FA7] =	sst s0;
	s0 =	simm.s32 @!p2 $0x0  }
0x16: {  	s3 =	sld [smem:$0x3FDB];
	s0 =	simm.s32 @p2 $0x1  }
0x17: {  	s4 =	simm.s32 $0x1BF5;
	[smem:$0x3FA9] =	sst s0  }
0x18: {  	s0 =	sld [smem:$0x3F8C];
	_ =	swait.ge [sflag:s4], $0x0  }
0x19: {  	s7 =	sld [smem:$0x3F8D]  }
0x1a: {  	s8 =	sadd.s32 $0xFFFFE003, lr  }
0x1b: {  	s9 =	sadd.s32 $0xFFFFFEF7, lr;
	s5 =	simm.s32 $0xFFFFFFFF;
	p2 =	slt.u32 s8, $0xFFFFF086  }
0x1c: {  	p1 =	slt.u32 s9, $0xF7A;
	s5 =	simm.s32 @!p2 $0x0  }
0x1d: {  	s5 =	simm.s32 @p1 $0x1;
	p0 =	seq.s32 s7, s2  }
0x1e: {  	s7 =	smul.u32 @!p0 $0xF7A, s2;
	p2 =	seq.s32 @!p0 s5, $0x0  }
0x1f: {  	s9 =	smul.u32 $0xF7A, s1;
	s8 =	simm.s32 @!p0 $0x1BF5;
	p2 =	por !p2, p0  }
0x20: {  	[sflag:s8] =	ssyncset.s32 @!p0 $0xFFFFF086;
	s6 =	sadd.s32 @!p0 s3, s7;
	s7 =	simm.s32 @!p0 $0x108  }
0x21: {  	s3 =	sadd.s32 s3, s9;
	s6 =	sadd.s32 @!p0 $0x88, s6;
	s7 =	simm.s32 @p2 $0x1082  }
0x22: {  	[simem:s7], [sflag:s8] =	dma.local @!p0 [hbm:s6], $0xF7A  }
0x23: {  	s9 =	sor.u32 $0xD0000000, s2;
	s6 =	simm.s32 $0x108;
	_ =	swait.ge @!p0 [sflag:s8], $0x0  }
0x24: {  	s3 =	sadd.s32 $0x88, s3;
	s6 =	simm.s32 @!p1 $0x1082;
	[sflag:s4] =	ssyncset.s32 $0xFFFFF086  }
0x25: {  	[simem:s6], [sflag:s4] =	dma.local [hbm:s3], $0xF7A  }
0x26: {  	[smem:$0x3F8D] =	sst s1;
	(tag) =	ssettag s2;
	_ =	strace s9  }
0x27: {  	s1 =	sld [smem:$0x3F9D]  }
0x28: {  	s2 =	sld [smem:$0x3F9E]  }
0x29: {  	s4 =	sld [smem:$0x3FA0]  }
0x2a: {  	p0 =	seq.s32 s5, $0x0;
	s5 =	sld [smem:$0x3FA1]  }
0x2b: {  	s6 =	sld [smem:$0x3FA2]  }
0x2c: {  	s7 =	sld [smem:$0x3FA3]  }
0x2d: {  	s3 =	simm.s32 $0x108;
	s8 =	sld [smem:$0x3FA4]  }
0x2e: {  	s3 =	simm.s32 @!p0 $0x1082;
	s9 =	sld [smem:$0x3FA5]  }
0x2f: {  	lr =	sadd.s32 s0, s3;
	s0 =	sld [smem:$0x3F9C]  }
0x30: {  	s3 =	sld [smem:$0x3F9F]  }
0x31: {  	[smem:$0x3FA8] =	sst s10  }
0x32: {  	s10 =	sld [smem:$0x3FA6];
	_ =	sdelay $0x3  }
0x33: {  	p0 =	seq.s32 s10, $0x1;
	s10 =	sld [smem:$0x3FA8];
	_ =	sdelay $0x3  }
0x34: {  	[smem:$0x3FA8] =	sst s10  }
0x35: {  	s10 =	sld [smem:$0x3FA7];
	_ =	sdelay $0x3  }
0x36: {  	p1 =	seq.s32 s10, $0x1;
	s10 =	sld [smem:$0x3FA8];
	_ =	sdelay $0x3  }
0x37: {  	[smem:$0x3FA8] =	sst s10  }
0x38: {  	s10 =	sld [smem:$0x3FA9]  }
0x39: {  	_ = 	snop;
	(pc) =	sbr.ind lr, $3  }
0x3a: {  	_ = 	snop  }
0x3b: {  	_ = 	snop  }
0x3c: {  	p2 =	seq.s32 s10, $0x1;
	s10 =	sld [smem:$0x3FA8]  }
0x3d: {  	_ =	shalt  }
0x3e: {  	_ =	shalt  }
0x3f: {  	_ =	shalt  }
0x40: {  	_ =	shalt  }
0x41: {  	_ =	shalt  }
0x42: {  	_ =	shalt  }
0x43: {  	_ =	shalt  }
0x44: {  	_ =	shalt  }
0x45: {  	_ =	shalt  }
0x46: {  	_ =	shalt  }
0x47: {  	_ =	shalt  }
0x48: {  	_ =	shalt  }
0x49: {  	_ =	shalt  }
0x4a: {  	_ =	shalt  }
0x4b: {  	_ =	shalt  }
0x4c: {  	_ =	shalt  }
0x4d: {  	_ =	shalt  }
0x4e: {  	_ =	shalt  }
0x4f: {  	_ =	shalt  }
0x50: {  	_ =	shalt  }
0x51: {  	_ =	shalt  }
0x52: {  	_ =	shalt  }
0x53: {  	_ =	shalt  }
0x54: {  	_ =	shalt  }
0x55: {  	_ =	shalt  }
0x56: {  	_ =	shalt  }
0x57: {  	_ =	shalt  }
0x58: {  	_ =	shalt  }
0x59: {  	_ =	shalt  }
0x5a: {  	_ =	shalt  }
0x5b: {  	_ =	shalt  }
0x5c: {  	_ =	shalt  }
0x5d: {  	_ =	shalt  }
0x5e: {  	_ =	shalt  }
0x5f: {  	_ =	shalt  }
0x60: {  	_ =	shalt  }
0x61: {  	_ =	shalt  }
0x62: {  	_ =	shalt  }
0x63: {  	_ =	shalt  }
0x64: {  	_ =	shalt  }
0x65: {  	_ =	shalt  }
0x66: {  	_ =	shalt  }
0x67: {  	_ =	shalt  }
0x68: {  	_ =	shalt  }
0x69: {  	_ =	shalt  }
0x6a: {  	_ =	shalt  }
0x6b: {  	_ =	shalt  }
0x6c: {  	_ =	shalt  }
0x6d: {  	_ =	shalt  }
0x6e: {  	_ =	shalt  }
0x6f: {  	_ =	shalt  }
0x70: {  	_ =	shalt  }
0x71: {  	_ =	shalt  }
0x72: {  	_ =	shalt  }
0x73: {  	_ =	shalt  }
0x74: {  	_ =	shalt  }
0x75: {  	_ =	shalt  }
0x76: {  	_ =	shalt  }
0x77: {  	_ =	shalt  }
0x78: {  	_ =	shalt  }
0x79: {  	_ =	shalt  }
0x7a: {  	_ =	shalt  }
0x7b: {  	_ =	shalt  }
0x7c: {  	_ =	shalt  }
0x7d: {  	_ =	shalt  }
0x7e: {  	_ =	shalt  }
0x7f: {  	_ =	shalt  }
0x80: {  	_ =	shalt  }
0x81: {  	_ =	shalt  }
0x82: {  	_ =	shalt  }
0x83: {  	_ =	shalt  }
0x84: {  	_ =	shalt  }
0x85: {  	_ =	shalt  }
0x86: {  	_ =	shalt  }
0x87: {  	_ =	shalt  }
.Lfunc_end0:
.L_simem_size_0:
called_computation.1_lowered:
.L_overlay_start_0:
0x88: {  	s2 =	sld [smem:$0x3FD9]  }
0x89: {  	s3 =	sld [smem:$0x3FFE];
	_ =	sdelay $0x1  }
0x8a: {  	s1 =	srdreg.scid  }
0x8b: {  	s0 =	sand.u32 $0x1, s1  }
0x8c: {  	s16 =	sshll.u32 s0, $0xA;
	s2 =	sadd.s32 s3, s2  }
0x8d: {  	s2 =	sadd.s32 s2, s16  }
0x8e: {  	[smem:$0x3FB4] =	sst s2  }
0x8f: {  	_ = 	snop  }
0x90: {  	(tm) =	ssettm $0x1  }
0x91: {  	s17 =	sld [smem:$0x3FFB];
	_ =	sdelay $0x3  }
0x92: {  	_ =	strace s17  }
0x93: {  	s2 =	sld [smem:$0x3FFC];
	_ =	sdelay $0x3  }
0x94: {  	_ =	strace s2  }
0x95: {  	s2 =	sld [smem:$0x3FFD];
	_ =	sdelay $0x3  }
0x96: {  	_ =	strace s2  }
0x97: {  	_ =	strace $0x8FFFFFFF  }
0x98: {  	s18 =	sld [smem:$0x3FDB];
	_ =	sdelay $0x1  }
0x99: {  	s19 =	simm.s32 $_scs_section_size  }
0x9a: {  	s4 =	simm.s32 $_size__tile_overlayer_lowered;
	s5 =	simm.s32 $_tile_overlayer_lowered  }
0x9b: {  	s22 =	simm.s32 $0x1BFF;
	s21 =	sshll.u32 s5, $0x1;
	s2 =	sadd.s32 s19, s18  }
0x9c: {  	s6 =	simm.s32 $0x0;
	s20 =	sshll.u32 s4, $0x1;
	s4 =	sadd.s32 s21, s2  }
0x9d: {  	[timem:s6], [sflag:s22] =	dma.local [hbm:s4], s20  }
0x9e: {  	_ =	swait.ge [sflag:s22], s20  }
0x9f: {  	s3 =	ssub.s32 $0x0, s20;
	[sflag:s22] =	ssyncset.done $0x0  }
0xa0: {  	[sflag:s22] =	ssyncadd.s32 s3;
	_ =	sdelay $0x1  }
0xa1: {  	s23 =	simm.s32 $0x1B8B  }
0xa2: {  	_ =	swait.ge [sflag:s23], $0x1  }
0xa3: {  	[sflag:s23] =	ssyncset.done $0x0  }
0xa4: {  	s25 =	simm.s32 $0x1B8E;
	s24 =	sld [smem:$0x3FFE];
	[sflag:s23] =	ssyncadd.s32 $0xFFFFFFFF  }
0xa5: {  	s26 =	simm.s32 $execute0_lowered;
	[smem:$0x3FD2] =	sst s25  }
0xa6: {  	s4 =	sshll.u32 s26, $0x1;
	_ =	strace $0x80000049;
	[dreg:$0x1] =	wrdreg $0xFFFFFFFF  }
0xa7: {  	s28 =	simm.s32 $_size_execute0_lowered;
	s2 =	sadd.s32 s2, s4;
	[dreg:$0x0] =	wrdreg $0x0  }
0xa8: {  	s4 =	sshll.u32 s28, $0x1;
	[dreg:$0x2] =	wrdreg s2  }
0xa9: {  	[dreg:$0x3] =	wrdreg s4  }
0xaa: {  	[dreg:$0x4] =	wrdreg $0xC0  }
0xab: {  	_ =	task [dreg:s6], $0x5FFFF  }
0xac: {  	[dreg:$0x1] =	wrdreg $0xFFFFFFFF  }
0xad: {  	[dreg:$0x0] =	wrdreg $0x60  }
0xae: {  	[dreg:$0x2] =	wrdreg s24  }
0xaf: {  	[dreg:$0x3] =	wrdreg $0xA2000  }
0xb0: {  	[dreg:$0x4] =	wrdreg $0x9  }
0xb1: {  	_ =	task.clear_ibuf [dreg:s6], $0x5FFFF;
	_ =	strace $0x90000049  }
0xb2: {  	s29 =	simm.s32 $0x9;
	_ =	strace $0x8000004B  }
0xb3: {  	_ =	swait.ge [sflag:s29], $0x1  }
0xb4: {  	[sflag:s29] =	ssyncadd.s32 $0xFFFFFFFF  }
0xb5: {  	_ =	strace $0x9000004B  }
0xb6: {  	_ =	sfence  }
0xb7: {  	s30 =	sld [smem:$0x0];
	_ =	sdelay $0x2  }
0xb8: {  	s31 =	sshll.u32 s1, $0xD;
	s1 =	sshrl.u32 s1, $0x2  }
0xb9: {  	s3 =	sand.u32 $0x4000, s31;
	s1 =	sadd.s32 s1, s30  }
0xba: {  	s0 =	sor.u32 s3, s0;
	s1 =	sshll.u32 s1, $0x11  }
0xbb: {  	s0 =	sor.u32 s1, s0  }
0xbc: {  	s0 =	sadd.s32 $0x8F2B, s0  }
0xbd: {  	[sflag:s0] =	ssyncadd.remote.s32 $0x1  }
0xbe: {  	_ =	sfence.sel $0xFFFF  }
0xbf: {  	[dreg:$0x0] =	wrdreg $0xFFFFFFFF;
	(pc) =	sbr.abs _section_cstart, $3  }
0xc0: {  	[dreg:$0x1] =	wrdreg $0xFFFFFFFF  }
0xc1: {  	_ =	task.clear_ibuf [dreg:s6], $0x2FFFF;
	_ =	strace $0x9FFFFFFF  }
0xc2: {  	(tm) =	ssettm $0x7FFFFFFF  }
0xc3: {  	_ =	shalt  }
tec
execute0_lowered:
.L_overlay_start_1:
0x0: {  	(tag) =	ssettag $0x1  }
0x1: {  	s0 =	srdreg.scid;
	s1 =	rddreg [dreg:$0x0]  }
0x2: {  	s8 =	stileid.u32;
	s2 =	rddreg [dreg:$0x1];
	s3 =	simm.s32 $0x0  }
0x3: {  	s19 =	simm.s32 $0x8200;
	s20 =	simm.s32 $0x5;
	s4 =	smul.u32 $0x2800, s8  }
0x4: {  	s21 =	simm.s32 $0x80;
	s22 =	simm.s32 $0x200;
	s23 =	smul.u32 $0x13C00, s8  }
0x5: {  	s28 =	simm.s32 $0x2;
	s0 =	sand.u32 $0x1, s0;
	s8 =	smul.u32 $0x4F000, s8  }
0x6: {  	s29 =	simm.s32 $0x3;
	s30 =	simm.s32 $0x4;
	s5 =	smul.u32 $0x1400, s0  }
0x7: {  	s31 =	simm.s32 $0x0;
	[smem:$0x7FF] =	sst s3;
	s6 =	smul.u32 $0x13C000, s0  }
0x8: {  	_ =	strace $0x8000004A;
	s0 =	ssub.s32 $0x2, s0;
	s24 =	sshrl.u32 s8, $0x2  }
0x9: {  	s26 =	sshrl.u32 s0, $0x1;
	s4 =	sadd.s32 s5, s4;
	s5 =	sadd.s32 s23, s6  }
0xa: {  	s0 =	ssub.s32 s0, s26;
	s23 =	simm.s32 $0x4200;
	s26 =	simm.s32 $0x1  }
0xb: {  	s7 =	sshrl.u32 s4, $0x3;
	s4 =	sadd.s32 $0xF600, s1;
	s25 =	sshrl.u32 s5, $0x3  }
0xc: {  	s5 =	sadd.s32 s24, s2;
	s0 =	smax.u32 s0, $0x1;
	s24 =	simm.s32 $0x100  }
0xd: {  	s18 =	sadd.s32 s7, s1;
	s1 =	sadd.s32 s25, s1;
	s6 =	sadd.s32 $0x12000, s5  }
0xe: {  	[dreg:$0x5] =	wrdreg s0;
	s9 =	sadd.s32 $0x2000, s5;
	s10 =	sadd.s32 $0x4000, s5  }
0xf: {  	s11 =	sadd.s32 $0x6000, s5;
	s12 =	sadd.s32 $0x8000, s5;
	s13 =	sadd.s32 $0xA000, s5  }
0x10: {  	s14 =	sadd.s32 $0xC000, s5;
	s15 =	sadd.s32 $0xE000, s5;
	s16 =	sadd.s32 $0x10000, s5  }
0x11: {  	s25 =	simm.s32 $0x180;
	[dreg:$0x3] =	wrdreg s6;
	s1 =	sadd.s32 $0x5E600, s1  }
0x12: {  	v0 =	vimm.f32 $0.0e+00;
	s17 =	sadd.s32 $0x5600, s18;
	s18 =	sadd.s32 $0xA600, s18;
	[dreg:$0x4] =	wrdreg s1  }
.LBB2_1:
0x13: {  	s0 =	simm.s32 $0x0;
	s1 =	simm.s32 $0x200  }
.LBB2_2:
0x14: {  	p0 =	sne.s32 s1, $0x7E00;
	[tilespmem:s0+$0x8270] =	vst v0  }
0x15: {  	[tilespmem:s0+$0x8200] =	vst v0  }
0x16: {  	[tilespmem:s0+$0x8210] =	vst v0  }
.Ltmp0:
0x17: {  	[tilespmem:s0+$0x8220] =	vst v0;
	(pc) =	sbr.rel @p0 .LBB2_2-.Ltmp0, $4  }
0x18: {  	[tilespmem:s0+$0x8230] =	vst v0  }
0x19: {  	[tilespmem:s0+$0x8240] =	vst v0  }
0x1a: {  	[tilespmem:s0+$0x8250] =	vst v0  }
0x1b: {  	[tilespmem:s0+$0x8260] =	vst v0;
	s0 =	sshra.s32 s1, $0x2;
	s1 =	sadd.s32 $0x200, s1  }
0x1c: {  	[tilespmem:s0+$0x8270] =	vst v0  }
0x1d: {  	[tilespmem:s0+$0x8200] =	vst v0  }
0x1e: {  	[tilespmem:s0+$0x8210] =	vst v0  }
0x1f: {  	[tilespmem:s0+$0x8220] =	vst v0  }
0x20: {  	[tilespmem:s0+$0x8230] =	vst v0  }
0x21: {  	[tilespmem:s0+$0x8240] =	vst v0  }
0x22: {  	[tilespmem:s0+$0x8250] =	vst v0  }
0x23: {  	[tilespmem:s0+$0x8260] =	vst v0  }
0x24: {  	[spmem:s5] =	stream.linear.scatter [tilespmem:s19], [sflag:$0x5], $0x2000, $0x38;
	[tilespmem:$0x1DE00] =	vst v63  }
0x25: {  	_ =	swait.ge [sflag:s20], $0x2000  }
0x26: {  	[sflag:s20] =	ssyncset.done $0x0  }
0x27: {  	[sflag:s20] =	ssyncadd.s32 $0xFFFFE000  }
0x28: {  	[spmem:s9] =	stream.linear.scatter [tilespmem:s19], [sflag:$0x5], $0x2000, $0x38;
	[tilespmem:$0x1DE00] =	vst v63  }
0x29: {  	_ =	swait.ge [sflag:s20], $0x2000  }
0x2a: {  	[sflag:s20] =	ssyncset.done $0x0  }
0x2b: {  	[sflag:s20] =	ssyncadd.s32 $0xFFFFE000  }
0x2c: {  	[spmem:s10] =	stream.linear.scatter [tilespmem:s19], [sflag:$0x5], $0x2000, $0x38;
	[tilespmem:$0x1DE00] =	vst v63  }
0x2d: {  	_ =	swait.ge [sflag:s20], $0x2000  }
0x2e: {  	[sflag:s20] =	ssyncset.done $0x0  }
0x2f: {  	[sflag:s20] =	ssyncadd.s32 $0xFFFFE000  }
0x30: {  	[spmem:s11] =	stream.linear.scatter [tilespmem:s19], [sflag:$0x5], $0x2000, $0x38;
	[tilespmem:$0x1DE00] =	vst v63  }
0x31: {  	_ =	swait.ge [sflag:s20], $0x2000  }
0x32: {  	[sflag:s20] =	ssyncset.done $0x0  }
0x33: {  	[sflag:s20] =	ssyncadd.s32 $0xFFFFE000  }
0x34: {  	[spmem:s12] =	stream.linear.scatter [tilespmem:s19], [sflag:$0x5], $0x2000, $0x38;
	[tilespmem:$0x1DE00] =	vst v63  }
0x35: {  	_ =	swait.ge [sflag:s20], $0x2000  }
0x36: {  	[sflag:s20] =	ssyncset.done $0x0  }
0x37: {  	[sflag:s20] =	ssyncadd.s32 $0xFFFFE000  }
0x38: {  	[spmem:s13] =	stream.linear.scatter [tilespmem:s19], [sflag:$0x5], $0x2000, $0x38;
	[tilespmem:$0x1DE00] =	vst v63  }
0x39: {  	_ =	swait.ge [sflag:s20], $0x2000  }
0x3a: {  	[sflag:s20] =	ssyncset.done $0x0  }
0x3b: {  	[sflag:s20] =	ssyncadd.s32 $0xFFFFE000  }
0x3c: {  	[spmem:s14] =	stream.linear.scatter [tilespmem:s19], [sflag:$0x5], $0x2000, $0x38;
	[tilespmem:$0x1DE00] =	vst v63  }
0x3d: {  	_ =	swait.ge [sflag:s20], $0x2000  }
0x3e: {  	[sflag:s20] =	ssyncset.done $0x0  }
0x3f: {  	[sflag:s20] =	ssyncadd.s32 $0xFFFFE000  }
0x40: {  	[spmem:s15] =	stream.linear.scatter [tilespmem:s19], [sflag:$0x5], $0x2000, $0x38;
	[tilespmem:$0x1DE00] =	vst v63  }
0x41: {  	_ =	swait.ge [sflag:s20], $0x2000  }
0x42: {  	[sflag:s20] =	ssyncset.done $0x0  }
0x43: {  	[sflag:s20] =	ssyncadd.s32 $0xFFFFE000  }
0x44: {  	[spmem:s16] =	stream.linear.scatter [tilespmem:s19], [sflag:$0x5], $0x2000, $0x38;
	[tilespmem:$0x1DE00] =	vst v63  }
0x45: {  	_ =	swait.ge [sflag:s20], $0x2000  }
0x46: {  	[sflag:s20] =	ssyncset.done $0x0  }
0x47: {  	s6 =	rddreg [dreg:$0x3];
	[sflag:s20] =	ssyncadd.s32 $0xFFFFE000  }
0x48: {  	[spmem:s6] =	stream.linear.scatter [tilespmem:s19], [sflag:$0x5], $0x1C00, $0x38;
	[tilespmem:$0x1DE00] =	vst v63  }
0x49: {  	_ =	swait.ge [sflag:s20], $0x1C00  }
0x4a: {  	[sflag:s20] =	ssyncset.done $0x0  }
0x4b: {  	[sflag:s20] =	ssyncadd.s32 $0xFFFFE400  }
0x4c: {  	s7 =	sadd.s32 $0x0, s17;
	[bflag:$0x0] =	sbarrier.arrive $0xFFFF  }
0x4d: {  	[tilespmem:s3], [sflag:$0x5] =	stream.linear.gather [hbm4b:s7+s3], $0x80, $0x38;
	[tilespmem:$0x1DE00] =	vst v63  }
0x4e: {  	_ =	swait.ge [sflag:s20], $0x80  }
0x4f: {  	[sflag:s20] =	ssyncset.done $0x0  }
0x50: {  	s0 =	sadd.s32 $0x10, s7;
	[sflag:s20] =	ssyncadd.s32 $0xFFFFFF80  }
0x51: {  	[tilespmem:s21], [sflag:$0x5] =	stream.linear.gather [hbm4b:s0+s3], $0x80, $0x38;
	[tilespmem:$0x1DE00] =	vst v63  }
0x52: {  	_ =	swait.ge [sflag:s20], $0x80  }
0x53: {  	[sflag:s20] =	ssyncset.done $0x0  }
0x54: {  	[sflag:s20] =	ssyncadd.s32 $0xFFFFFF80  }
0x55: {  	[tilespmem:s22], [sflag:$0x1] =	stream.indirect.gather [hbm4b:s4+s21], $0x80, s3, s21, $0xb8;
	[tilespmem:$0x1DE00] =	vst v63  }
0x56: {  	_ = 	snop  }
0x57: {  	[tilespmem:s23], [sflag:$0x2] =	stream.indirect.gather [hbm4b:s4+s21], $0x80, s21, s21, $0xb8;
	[tilespmem:$0x1DE00] =	vst v63  }
0x58: {  	s8 =	sadd.s32 $0x0, s18  }
0x59: {  	[tilespmem:s24], [sflag:$0x5] =	stream.linear.gather [hbm4b:s8+s3], $0x80, $0x38;
	[tilespmem:$0x1DE00] =	vst v63  }
0x5a: {  	_ =	swait.ge [sflag:s20], $0x80  }
0x5b: {  	[sflag:s20] =	ssyncset.done $0x0  }
0x5c: {  	s0 =	sadd.s32 $0x10, s8;
	[sflag:s20] =	ssyncadd.s32 $0xFFFFFF80  }
0x5d: {  	[tilespmem:s25], [sflag:$0x5] =	stream.linear.gather [hbm4b:s0+s3], $0x80, $0x38;
	[tilespmem:$0x1DE00] =	vst v63  }
0x5e: {  	_ =	swait.ge [sflag:s20], $0x80  }
0x5f: {  	[sflag:s20] =	ssyncset.done $0x0  }
0x60: {  	[sflag:s20] =	ssyncadd.s32 $0xFFFFFF80  }
0x61: {  	_ =	swait.ge [sflag:s26], $0x4000  }
0x62: {  	[sflag:s26] =	ssyncset.done $0x0  }
0x63: {  	[sflag:s26] =	ssyncadd.s32 $0xFFFFC000  }
0x64: {  	[spmem:s2] =	stream.indirect.scatter.add.f32 [tilespmem:s22], [sflag:$0x3], $0x80, s24, s21, $0xb8;
	[tilespmem:$0x1DE00] =	vst v63  }
0x65: {  	_ =	swait.ge [sflag:s28], $0x4000  }
0x66: {  	[sflag:s28] =	ssyncset.done $0x0  }
0x67: {  	[sflag:s28] =	ssyncadd.s32 $0xFFFFC000  }
0x68: {  	[spmem:s2] =	stream.indirect.scatter.add.f32 [tilespmem:s23], [sflag:$0x4], $0x80, s25, s21, $0xb8;
	[tilespmem:$0x1DE00] =	vst v63  }
0x69: {  	_ =	swait.ge [sflag:s29], $0x4000  }
0x6a: {  	[sflag:s29] =	ssyncset.done $0x0  }
0x6b: {  	[sflag:s29] =	ssyncadd.s32 $0xFFFFC000  }
0x6c: {  	_ =	swait.ge [sflag:s30], $0x4000  }
0x6d: {  	s1 =	simm.s32 $0x20;
	s0 =	simm.s32 $0x40;
	[sflag:s30] =	ssyncset.done $0x0  }
.LBB2_4:
0x6e: {  	s7 =	sadd.s32 s1, s17  }
0x6f: {  	[sflag:s30] =	ssyncadd.s32 $0xFFFFC000;
	s8 =	smov.u32 s0;
	s6 =	sadd.s32 $0x20, s0  }
0x70: {  	[tilespmem:s3], [sflag:$0x5] =	stream.linear.gather [hbm4b:s7+s3], $0x80, $0x38;
	[tilespmem:$0x1DE00] =	vst v63  }
0x71: {  	p0 =	sne.s32 s0, $0x260;
	_ =	swait.ge [sflag:s20], $0x80  }
0x72: {  	[sflag:s20] =	ssyncset.done $0x0  }
0x73: {  	s0 =	sadd.s32 $0x10, s7;
	[sflag:s20] =	ssyncadd.s32 $0xFFFFFF80  }
0x74: {  	[tilespmem:s21], [sflag:$0x5] =	stream.linear.gather [hbm4b:s0+s3], $0x80, $0x38;
	[tilespmem:$0x1DE00] =	vst v63  }
0x75: {  	_ =	swait.ge [sflag:s20], $0x80  }
0x76: {  	[sflag:s20] =	ssyncset.done $0x0  }
0x77: {  	[sflag:s20] =	ssyncadd.s32 $0xFFFFFF80  }
0x78: {  	[tilespmem:s22], [sflag:$0x1] =	stream.indirect.gather [hbm4b:s4+s21], $0x80, s3, s21, $0xb8;
	[tilespmem:$0x1DE00] =	vst v63  }
0x79: {  	_ = 	snop  }
0x7a: {  	[tilespmem:s23], [sflag:$0x2] =	stream.indirect.gather [hbm4b:s4+s21], $0x80, s21, s21, $0xb8;
	[tilespmem:$0x1DE00] =	vst v63  }
0x7b: {  	s0 =	sadd.s32 s1, s18;
	s1 =	smov.u32 s8  }
0x7c: {  	[tilespmem:s24], [sflag:$0x5] =	stream.linear.gather [hbm4b:s0+s3], $0x80, $0x38;
	[tilespmem:$0x1DE00] =	vst v63  }
0x7d: {  	_ =	swait.ge [sflag:s20], $0x80  }
0x7e: {  	[sflag:s20] =	ssyncset.done $0x0  }
0x7f: {  	s0 =	sadd.s32 $0x10, s0;
	[sflag:s20] =	ssyncadd.s32 $0xFFFFFF80  }
0x80: {  	[tilespmem:s25], [sflag:$0x5] =	stream.linear.gather [hbm4b:s0+s3], $0x80, $0x38;
	[tilespmem:$0x1DE00] =	vst v63  }
0x81: {  	_ =	swait.ge [sflag:s20], $0x80  }
0x82: {  	[sflag:s20] =	ssyncset.done $0x0  }
0x83: {  	[sflag:s20] =	ssyncadd.s32 $0xFFFFFF80  }
0x84: {  	_ =	swait.ge [sflag:s26], $0x4000  }
0x85: {  	[sflag:s26] =	ssyncset.done $0x0  }
0x86: {  	[sflag:s26] =	ssyncadd.s32 $0xFFFFC000  }
0x87: {  	[spmem:s2] =	stream.indirect.scatter.add.f32 [tilespmem:s22], [sflag:$0x3], $0x80, s24, s21, $0xb8;
	[tilespmem:$0x1DE00] =	vst v63  }
0x88: {  	_ =	swait.ge [sflag:s28], $0x4000  }
0x89: {  	[sflag:s28] =	ssyncset.done $0x0  }
0x8a: {  	[sflag:s28] =	ssyncadd.s32 $0xFFFFC000  }
0x8b: {  	[spmem:s2] =	stream.indirect.scatter.add.f32 [tilespmem:s23], [sflag:$0x4], $0x80, s25, s21, $0xb8;
	[tilespmem:$0x1DE00] =	vst v63  }
.Ltmp1:
0x8c: {  	_ =	swait.ge [sflag:s29], $0x4000;
	(pc) =	sbr.rel @p0 .LBB2_4-.Ltmp1, $4  }
0x8d: {  	[sflag:s29] =	ssyncset.done $0x0  }
0x8e: {  	[sflag:s29] =	ssyncadd.s32 $0xFFFFC000  }
0x8f: {  	_ =	swait.ge [sflag:s30], $0x4000  }
0x90: {  	s0 =	smov.u32 s6;
	[sflag:s30] =	ssyncset.done $0x0  }
0x91: {  	s0 =	sadd.s32 s1, s17;
	[sflag:s30] =	ssyncadd.s32 $0xFFFFC000  }
0x92: {  	[tilespmem:s3], [sflag:$0x5] =	stream.linear.gather [hbm4b:s0+s3], $0x80, $0x38;
	[tilespmem:$0x1DE00] =	vst v63  }
0x93: {  	_ =	swait.ge [sflag:s20], $0x80  }
0x94: {  	[sflag:s20] =	ssyncset.done $0x0  }
0x95: {  	s0 =	sadd.s32 $0x10, s0;
	[sflag:s20] =	ssyncadd.s32 $0xFFFFFF80  }
0x96: {  	[tilespmem:s21], [sflag:$0x5] =	stream.linear.gather [hbm4b:s0+s3], $0x80, $0x38;
	[tilespmem:$0x1DE00] =	vst v63  }
0x97: {  	_ =	swait.ge [sflag:s20], $0x80  }
0x98: {  	[sflag:s20] =	ssyncset.done $0x0  }
0x99: {  	[sflag:s20] =	ssyncadd.s32 $0xFFFFFF80  }
0x9a: {  	[tilespmem:s22], [sflag:$0x1] =	stream.indirect.gather [hbm4b:s4+s21], $0x80, s3, s21, $0xb8;
	[tilespmem:$0x1DE00] =	vst v63  }
0x9b: {  	_ = 	snop  }
0x9c: {  	[tilespmem:s23], [sflag:$0x2] =	stream.indirect.gather [hbm4b:s4+s21], $0x80, s21, s21, $0xb8;
	[tilespmem:$0x1DE00] =	vst v63  }
0x9d: {  	s1 =	sadd.s32 s1, s18  }
0x9e: {  	[tilespmem:s24], [sflag:$0x5] =	stream.linear.gather [hbm4b:s1+s3], $0x80, $0x38;
	[tilespmem:$0x1DE00] =	vst v63  }
0x9f: {  	_ =	swait.ge [sflag:s20], $0x80  }
0xa0: {  	[sflag:s20] =	ssyncset.done $0x0  }
0xa1: {  	s0 =	sadd.s32 $0x10, s1;
	[sflag:s20] =	ssyncadd.s32 $0xFFFFFF80  }
0xa2: {  	[tilespmem:s25], [sflag:$0x5] =	stream.linear.gather [hbm4b:s0+s3], $0x80, $0x38;
	[tilespmem:$0x1DE00] =	vst v63  }
0xa3: {  	_ =	swait.ge [sflag:s20], $0x80  }
0xa4: {  	[sflag:s20] =	ssyncset.done $0x0  }
0xa5: {  	[sflag:s20] =	ssyncadd.s32 $0xFFFFFF80  }
0xa6: {  	_ =	swait.ge [sflag:s26], $0x4000  }
0xa7: {  	[sflag:s26] =	ssyncset.done $0x0  }
0xa8: {  	[sflag:s26] =	ssyncadd.s32 $0xFFFFC000  }
0xa9: {  	[spmem:s2] =	stream.indirect.scatter.add.f32 [tilespmem:s22], [sflag:$0x3], $0x80, s24, s21, $0xb8;
	[tilespmem:$0x1DE00] =	vst v63  }
0xaa: {  	_ =	swait.ge [sflag:s28], $0x4000  }
0xab: {  	[sflag:s28] =	ssyncset.done $0x0  }
0xac: {  	[sflag:s28] =	ssyncadd.s32 $0xFFFFC000  }
0xad: {  	[spmem:s2] =	stream.indirect.scatter.add.f32 [tilespmem:s23], [sflag:$0x4], $0x80, s25, s21, $0xb8;
	[tilespmem:$0x1DE00] =	vst v63  }
0xae: {  	_ =	swait.ge [sflag:s29], $0x4000  }
0xaf: {  	[sflag:s29] =	ssyncset.done $0x0  }
0xb0: {  	[sflag:s29] =	ssyncadd.s32 $0xFFFFC000  }
0xb1: {  	_ =	swait.ge [sflag:s30], $0x4000  }
0xb2: {  	[sflag:s30] =	ssyncset.done $0x0  }
0xb3: {  	s6 =	stileid.u32;
	[sflag:s30] =	ssyncadd.s32 $0xFFFFC000  }
0xb4: {  	s0 =	sshll.u32 s6, $0x6;
	[bflag:$0x0] =	sbarrier.arrive $0xFFFF  }
0xb5: {  	s7 =	sshrl.u32 s5, $0x3;
	s0 =	sor.u32 $0x1C05, s0;
	s6 =	rddreg [dreg:$0x4]  }
0xb6: {  	[hbm:s6], [sflag:s0] =	dma.local [spmem:s7], $0x2780  }
0xb7: {  	_ =	swait.ge [sflag:s20], $0x2780  }
0xb8: {  	s31 =	sadd.s32 $0x1, s31;
	s8 =	rddreg [dreg:$0x5]  }
0xb9: {  	p0 =	sne.s32 s31, s8  }
.Ltmp2:
0xba: {  	_ = 	snop;
	(pc) =	sbr.rel @p0 .LBB2_1-.Ltmp2, $3  }
0xbb: {  	_ =	sdelay $0x1  }
0xbc: {  	[sflag:s20] =	ssyncset.done $0x0  }
0xbd: {  	[sflag:s20] =	ssyncadd.s32 $0xFFFFD880  }
0xbe: {  	_ =	sfence.sel $0x180000  }
0xbf: {  	[bflag:$0x0] =	sbarrier.arrive $0xFFFF  }
0xc0: {  	_ =	strace $0x9000004A  }
0xc1: {  	s0 =	stileid.u32;
	[bflag:$0x2] =	sbarrier.arrive $0xFFFF  }
0xc2: {  	p0 =	sne.s32 s0, $0x0;
	s0 =	rddreg [dreg:$0x2]  }
0xc3: {  	s0 =	sadd.s32 @!p0 $0x100000, s0  }
0xc4: {  	[sflag:s0] =	ssyncadd.tile.s32 @!p0 $0x1;
	_ =	shalt  }
.Lfunc_end2:
_tile_overlayer_lowered:
.L_overlay_start_2:
0xc5: {  	(tag) =	ssettag $0x2  }
0xc6: {  	s0 =	rddreg [dreg:$0x0];
	s2 =	stileid.u32  }
0xc7: {  	s1 =	rddreg [dreg:$0x1];
	p0 =	sne.s32 s2, $0x0  }
0xc8: {  	s3 =	rddreg [dreg:$0x2];
	[bflag:$0x3] =	sbarrier.arrive $0xFFFF;
	s2 =	simm.s32 @!p0 $0x1C05  }
0xc9: {  	[timem:s3], [sflag:s2] =	dma.local @!p0 [hbm:s0], s1  }
0xca: {  	s0 =	simm.s32 @!p0 $0x5  }
0xcb: {  	_ =	swait.ge @!p0 [sflag:s0], s1  }
0xcc: {  	s1 =	ssub.s32 @!p0 $0x0, s1;
	[sflag:s0] =	ssyncset.done @!p0 $0x0  }
0xcd: {  	[sflag:s0] =	ssyncadd.s32 @!p0 s1  }
0xce: {  	[bflag:$0x3] =	sbarrier.arrive $0xFFFF  }
0xcf: {  	_ =	shalt  }

// kernel: kernel.16.cloned.1.call-start
scs
__scs_entry_jumppad:
0x0: {  	(pc) =	sbr.rel $0x88, $3  }
0x1: {  	(tag) =	ssettag $0x0;
	lr =	simm.s32 $0x1  }
0x2: {  	[smem:$0x3F8D] =	sst lr;
	_ =	strace $0xD0000000  }
0x3: {  	_ = 	snop  }
0x4: {  	_ = 	snop  }
0x5: {  	_ = 	snop  }
0x6: {  	_ = 	snop  }
0x7: {  	_ = 	snop  }
__scs_overlays_trampoline_lowered:
0x8: {  	[smem:$0x3F9C] =	sst s0  }
0x9: {  	[smem:$0x3F9D] =	sst s1  }
0xa: {  	[smem:$0x3F9E] =	sst s2  }
0xb: {  	[smem:$0x3F9F] =	sst s3  }
0xc: {  	[smem:$0x3FA0] =	sst s4  }
0xd: {  	[smem:$0x3FA1] =	sst s5  }
0xe: {  	[smem:$0x3FA2] =	sst s6  }
0xf: {  	[smem:$0x3FA3] =	sst s7  }
0x10: {  	[smem:$0x3FA4] =	sst s8  }
0x11: {  	[smem:$0x3FA5] =	sst s9;
	s0 =	simm.s32 @!p0 $0x0  }
0x12: {  	s1 =	sld [smem:$0x3F8B];
	s0 =	simm.s32 @p0 $0x1  }
0x13: {  	[smem:$0x3FA6] =	sst s0;
	s0 =	simm.s32 @!p1 $0x0  }
0x14: {  	s2 =	sld [smem:$0x3F8A];
	s0 =	simm.s32 @p1 $0x1  }
0x15: {  	[smem:$0x3FA7] =	sst s0;
	s0 =	simm.s32 @!p2 $0x0  }
0x16: {  	s3 =	sld [smem:$0x3FDB];
	s0 =	simm.s32 @p2 $0x1  }
0x17: {  	s4 =	simm.s32 $0x1BF5;
	[smem:$0x3FA9] =	sst s0  }
0x18: {  	s0 =	sld [smem:$0x3F8C];
	_ =	swait.ge [sflag:s4], $0x0  }
0x19: {  	s7 =	sld [smem:$0x3F8D]  }
0x1a: {  	s8 =	sadd.s32 $0xFFFFE003, lr  }
0x1b: {  	s9 =	sadd.s32 $0xFFFFFEF7, lr;
	s5 =	simm.s32 $0xFFFFFFFF;
	p2 =	slt.u32 s8, $0xFFFFF086  }
0x1c: {  	p1 =	slt.u32 s9, $0xF7A;
	s5 =	simm.s32 @!p2 $0x0  }
0x1d: {  	s5 =	simm.s32 @p1 $0x1;
	p0 =	seq.s32 s7, s2  }
0x1e: {  	s7 =	smul.u32 @!p0 $0xF7A, s2;
	p2 =	seq.s32 @!p0 s5, $0x0  }
0x1f: {  	s9 =	smul.u32 $0xF7A, s1;
	s8 =	simm.s32 @!p0 $0x1BF5;
	p2 =	por !p2, p0  }
0x20: {  	[sflag:s8] =	ssyncset.s32 @!p0 $0xFFFFF086;
	s6 =	sadd.s32 @!p0 s3, s7;
	s7 =	simm.s32 @!p0 $0x108  }
0x21: {  	s3 =	sadd.s32 s3, s9;
	s6 =	sadd.s32 @!p0 $0x88, s6;
	s7 =	simm.s32 @p2 $0x1082  }
0x22: {  	[simem:s7], [sflag:s8] =	dma.local @!p0 [hbm:s6], $0xF7A  }
0x23: {  	s9 =	sor.u32 $0xD0000000, s2;
	s6 =	simm.s32 $0x108;
	_ =	swait.ge @!p0 [sflag:s8], $0x0  }
0x24: {  	s3 =	sadd.s32 $0x88, s3;
	s6 =	simm.s32 @!p1 $0x1082;
	[sflag:s4] =	ssyncset.s32 $0xFFFFF086  }
0x25: {  	[simem:s6], [sflag:s4] =	dma.local [hbm:s3], $0xF7A  }
0x26: {  	[smem:$0x3F8D] =	sst s1;
	(tag) =	ssettag s2;
	_ =	strace s9  }
0x27: {  	s1 =	sld [smem:$0x3F9D]  }
0x28: {  	s2 =	sld [smem:$0x3F9E]  }
0x29: {  	s4 =	sld [smem:$0x3FA0]  }
0x2a: {  	p0 =	seq.s32 s5, $0x0;
	s5 =	sld [smem:$0x3FA1]  }
0x2b: {  	s6 =	sld [smem:$0x3FA2]  }
0x2c: {  	s7 =	sld [smem:$0x3FA3]  }
0x2d: {  	s3 =	simm.s32 $0x108;
	s8 =	sld [smem:$0x3FA4]  }
0x2e: {  	s3 =	simm.s32 @!p0 $0x1082;
	s9 =	sld [smem:$0x3FA5]  }
0x2f: {  	lr =	sadd.s32 s0, s3;
	s0 =	sld [smem:$0x3F9C]  }
0x30: {  	s3 =	sld [smem:$0x3F9F]  }
0x31: {  	[smem:$0x3FA8] =	sst s10  }
0x32: {  	s10 =	sld [smem:$0x3FA6];
	_ =	sdelay $0x3  }
0x33: {  	p0 =	seq.s32 s10, $0x1;
	s10 =	sld [smem:$0x3FA8];
	_ =	sdelay $0x3  }
0x34: {  	[smem:$0x3FA8] =	sst s10  }
0x35: {  	s10 =	sld [smem:$0x3FA7];
	_ =	sdelay $0x3  }
0x36: {  	p1 =	seq.s32 s10, $0x1;
	s10 =	sld [smem:$0x3FA8];
	_ =	sdelay $0x3  }
0x37: {  	[smem:$0x3FA8] =	sst s10  }
0x38: {  	s10 =	sld [smem:$0x3FA9]  }
0x39: {  	_ = 	snop;
	(pc) =	sbr.ind lr, $3  }
0x3a: {  	_ = 	snop  }
0x3b: {  	_ = 	snop  }
0x3c: {  	p2 =	seq.s32 s10, $0x1;
	s10 =	sld [smem:$0x3FA8]  }
0x3d: {  	_ =	shalt  }
0x3e: {  	_ =	shalt  }
0x3f: {  	_ =	shalt  }
0x40: {  	_ =	shalt  }
0x41: {  	_ =	shalt  }
0x42: {  	_ =	shalt  }
0x43: {  	_ =	shalt  }
0x44: {  	_ =	shalt  }
0x45: {  	_ =	shalt  }
0x46: {  	_ =	shalt  }
0x47: {  	_ =	shalt  }
0x48: {  	_ =	shalt  }
0x49: {  	_ =	shalt  }
0x4a: {  	_ =	shalt  }
0x4b: {  	_ =	shalt  }
0x4c: {  	_ =	shalt  }
0x4d: {  	_ =	shalt  }
0x4e: {  	_ =	shalt  }
0x4f: {  	_ =	shalt  }
0x50: {  	_ =	shalt  }
0x51: {  	_ =	shalt  }
0x52: {  	_ =	shalt  }
0x53: {  	_ =	shalt  }
0x54: {  	_ =	shalt  }
0x55: {  	_ =	shalt  }
0x56: {  	_ =	shalt  }
0x57: {  	_ =	shalt  }
0x58: {  	_ =	shalt  }
0x59: {  	_ =	shalt  }
0x5a: {  	_ =	shalt  }
0x5b: {  	_ =	shalt  }
0x5c: {  	_ =	shalt  }
0x5d: {  	_ =	shalt  }
0x5e: {  	_ =	shalt  }
0x5f: {  	_ =	shalt  }
0x60: {  	_ =	shalt  }
0x61: {  	_ =	shalt  }
0x62: {  	_ =	shalt  }
0x63: {  	_ =	shalt  }
0x64: {  	_ =	shalt  }
0x65: {  	_ =	shalt  }
0x66: {  	_ =	shalt  }
0x67: {  	_ =	shalt  }
0x68: {  	_ =	shalt  }
0x69: {  	_ =	shalt  }
0x6a: {  	_ =	shalt  }
0x6b: {  	_ =	shalt  }
0x6c: {  	_ =	shalt  }
0x6d: {  	_ =	shalt  }
0x6e: {  	_ =	shalt  }
0x6f: {  	_ =	shalt  }
0x70: {  	_ =	shalt  }
0x71: {  	_ =	shalt  }
0x72: {  	_ =	shalt  }
0x73: {  	_ =	shalt  }
0x74: {  	_ =	shalt  }
0x75: {  	_ =	shalt  }
0x76: {  	_ =	shalt  }
0x77: {  	_ =	shalt  }
0x78: {  	_ =	shalt  }
0x79: {  	_ =	shalt  }
0x7a: {  	_ =	shalt  }
0x7b: {  	_ =	shalt  }
0x7c: {  	_ =	shalt  }
0x7d: {  	_ =	shalt  }
0x7e: {  	_ =	shalt  }
0x7f: {  	_ =	shalt  }
0x80: {  	_ =	shalt  }
0x81: {  	_ =	shalt  }
0x82: {  	_ =	shalt  }
0x83: {  	_ =	shalt  }
0x84: {  	_ =	shalt  }
0x85: {  	_ =	shalt  }
0x86: {  	_ =	shalt  }
0x87: {  	_ =	shalt  }
.Lfunc_end0:
.L_simem_size_0:
called_computation.2_lowered:
.L_overlay_start_0:
0x88: {  	s2 =	sld [smem:$0x3FD9]  }
0x89: {  	s3 =	sld [smem:$0x3FFE];
	_ =	sdelay $0x1  }
0x8a: {  	s1 =	srdreg.scid  }
0x8b: {  	s0 =	sand.u32 $0x1, s1  }
0x8c: {  	s16 =	sshll.u32 s0, $0xA;
	s2 =	sadd.s32 s3, s2  }
0x8d: {  	s2 =	sadd.s32 s2, s16  }
0x8e: {  	[smem:$0x3FB4] =	sst s2  }
0x8f: {  	_ = 	snop  }
0x90: {  	(tm) =	ssettm $0x1  }
0x91: {  	s17 =	sld [smem:$0x3FFB];
	_ =	sdelay $0x3  }
0x92: {  	_ =	strace s17  }
0x93: {  	s2 =	sld [smem:$0x3FFC];
	_ =	sdelay $0x3  }
0x94: {  	_ =	strace s2  }
0x95: {  	s2 =	sld [smem:$0x3FFD];
	_ =	sdelay $0x3  }
0x96: {  	_ =	strace s2  }
0x97: {  	_ =	strace $0x8FFFFFFF  }
0x98: {  	s18 =	sld [smem:$0x3FDB];
	_ =	sdelay $0x1  }
0x99: {  	s19 =	simm.s32 $_scs_section_size  }
0x9a: {  	s4 =	simm.s32 $_size__tile_overlayer_lowered;
	s5 =	simm.s32 $_tile_overlayer_lowered  }
0x9b: {  	s22 =	simm.s32 $0x1BFF;
	s21 =	sshll.u32 s5, $0x1;
	s2 =	sadd.s32 s19, s18  }
0x9c: {  	s6 =	simm.s32 $0x0;
	s20 =	sshll.u32 s4, $0x1;
	s4 =	sadd.s32 s21, s2  }
0x9d: {  	[timem:s6], [sflag:s22] =	dma.local [hbm:s4], s20  }
0x9e: {  	_ =	swait.ge [sflag:s22], s20  }
0x9f: {  	s3 =	ssub.s32 $0x0, s20;
	[sflag:s22] =	ssyncset.done $0x0  }
0xa0: {  	[sflag:s22] =	ssyncadd.s32 s3;
	_ =	sdelay $0x1  }
0xa1: {  	s23 =	simm.s32 $0x1B8B  }
0xa2: {  	_ =	swait.ge [sflag:s23], $0x1  }
0xa3: {  	[sflag:s23] =	ssyncset.done $0x0  }
0xa4: {  	s25 =	simm.s32 $0x1B8E;
	s24 =	sld [smem:$0x3FFE];
	[sflag:s23] =	ssyncadd.s32 $0xFFFFFFFF  }
0xa5: {  	s26 =	simm.s32 $execute0_lowered;
	[smem:$0x3FD2] =	sst s25  }
0xa6: {  	s4 =	sshll.u32 s26, $0x1;
	_ =	strace $0x8000004C;
	[dreg:$0x1] =	wrdreg $0xFFFFFFFF  }
0xa7: {  	s28 =	simm.s32 $_size_execute0_lowered;
	s2 =	sadd.s32 s2, s4;
	[dreg:$0x0] =	wrdreg $0x0  }
0xa8: {  	s4 =	sshll.u32 s28, $0x1;
	[dreg:$0x2] =	wrdreg s2  }
0xa9: {  	[dreg:$0x3] =	wrdreg s4  }
0xaa: {  	[dreg:$0x4] =	wrdreg $0xC0  }
0xab: {  	_ =	task [dreg:s6], $0x5FFFF  }
0xac: {  	[dreg:$0x1] =	wrdreg $0xFFFFFFFF  }
0xad: {  	[dreg:$0x0] =	wrdreg $0x60  }
0xae: {  	[dreg:$0x2] =	wrdreg s24  }
0xaf: {  	[dreg:$0x3] =	wrdreg $0xA2000  }
0xb0: {  	[dreg:$0x4] =	wrdreg $0x9  }
0xb1: {  	_ =	task.clear_ibuf [dreg:s6], $0x5FFFF;
	_ =	strace $0x9000004C  }
0xb2: {  	s29 =	simm.s32 $0x9;
	_ =	strace $0x8000004E  }
0xb3: {  	_ =	swait.ge [sflag:s29], $0x1  }
0xb4: {  	[sflag:s29] =	ssyncadd.s32 $0xFFFFFFFF  }
0xb5: {  	_ =	strace $0x9000004E  }
0xb6: {  	_ =	sfence  }
0xb7: {  	s30 =	sld [smem:$0x0];
	_ =	sdelay $0x2  }
0xb8: {  	s31 =	sshll.u32 s1, $0xD;
	s1 =	sshrl.u32 s1, $0x2  }
0xb9: {  	s3 =	sand.u32 $0x4000, s31;
	s1 =	sadd.s32 s1, s30  }
0xba: {  	s0 =	sor.u32 s3, s0;
	s1 =	sshll.u32 s1, $0x11  }
0xbb: {  	s0 =	sor.u32 s1, s0  }
0xbc: {  	s0 =	sadd.s32 $0x8F2B, s0  }
0xbd: {  	[sflag:s0] =	ssyncadd.remote.s32 $0x1  }
0xbe: {  	_ =	sfence.sel $0xFFFF  }
0xbf: {  	[dreg:$0x0] =	wrdreg $0xFFFFFFFF;
	(pc) =	sbr.abs _section_cstart, $3  }
0xc0: {  	[dreg:$0x1] =	wrdreg $0xFFFFFFFF  }
0xc1: {  	_ =	task.clear_ibuf [dreg:s6], $0x2FFFF;
	_ =	strace $0x9FFFFFFF  }
0xc2: {  	(tm) =	ssettm $0x7FFFFFFF  }
0xc3: {  	_ =	shalt  }
tec
execute0_lowered:
.L_overlay_start_1:
0x0: {  	(tag) =	ssettag $0x1  }
0x1: {  	s0 =	srdreg.scid;
	s1 =	rddreg [dreg:$0x0]  }
0x2: {  	s8 =	stileid.u32;
	s2 =	rddreg [dreg:$0x1];
	s3 =	simm.s32 $0x0  }
0x3: {  	s19 =	simm.s32 $0x8200;
	s20 =	simm.s32 $0x5;
	s4 =	smul.u32 $0x2800, s8  }
0x4: {  	s21 =	simm.s32 $0x80;
	s22 =	simm.s32 $0x200;
	s23 =	smul.u32 $0x13C00, s8  }
0x5: {  	s28 =	simm.s32 $0x2;
	s0 =	sand.u32 $0x1, s0;
	s8 =	smul.u32 $0x4F000, s8  }
0x6: {  	s29 =	simm.s32 $0x3;
	s30 =	simm.s32 $0x4;
	s5 =	smul.u32 $0x1400, s0  }
0x7: {  	s31 =	simm.s32 $0x0;
	[smem:$0x7FF] =	sst s3;
	s6 =	smul.u32 $0x13C000, s0  }
0x8: {  	_ =	strace $0x8000004D;
	s0 =	ssub.s32 $0x2, s0;
	s24 =	sshrl.u32 s8, $0x2  }
0x9: {  	s26 =	sshrl.u32 s0, $0x1;
	s4 =	sadd.s32 s5, s4;
	s5 =	sadd.s32 s23, s6  }
0xa: {  	s0 =	ssub.s32 s0, s26;
	s23 =	simm.s32 $0x4200;
	s26 =	simm.s32 $0x1  }
0xb: {  	s7 =	sshrl.u32 s4, $0x3;
	s4 =	sadd.s32 $0xF600, s1;
	s25 =	sshrl.u32 s5, $0x3  }
0xc: {  	s5 =	sadd.s32 s24, s2;
	s0 =	smax.u32 s0, $0x1;
	s24 =	simm.s32 $0x100  }
0xd: {  	s18 =	sadd.s32 s7, s1;
	s1 =	sadd.s32 s25, s1;
	s6 =	sadd.s32 $0x12000, s5  }
0xe: {  	[dreg:$0x5] =	wrdreg s0;
	s9 =	sadd.s32 $0x2000, s5;
	s10 =	sadd.s32 $0x4000, s5  }
0xf: {  	s11 =	sadd.s32 $0x6000, s5;
	s12 =	sadd.s32 $0x8000, s5;
	s13 =	sadd.s32 $0xA000, s5  }
0x10: {  	s14 =	sadd.s32 $0xC000, s5;
	s15 =	sadd.s32 $0xE000, s5;
	s16 =	sadd.s32 $0x10000, s5  }
0x11: {  	s25 =	simm.s32 $0x180;
	[dreg:$0x3] =	wrdreg s6;
	s1 =	sadd.s32 $0x5E600, s1  }
0x12: {  	v0 =	vimm.f32 $0.0e+00;
	s17 =	sadd.s32 $0x5600, s18;
	s18 =	sadd.s32 $0xA600, s18;
	[dreg:$0x4] =	wrdreg s1  }
.LBB2_1:
0x13: {  	s0 =	simm.s32 $0x0;
	s1 =	simm.s32 $0x200  }
.LBB2_2:
0x14: {  	p0 =	sne.s32 s1, $0x7E00;
	[tilespmem:s0+$0x8270] =	vst v0  }
0x15: {  	[tilespmem:s0+$0x8200] =	vst v0  }
0x16: {  	[tilespmem:s0+$0x8210] =	vst v0  }
.Ltmp0:
0x17: {  	[tilespmem:s0+$0x8220] =	vst v0;
	(pc) =	sbr.rel @p0 .LBB2_2-.Ltmp0, $4  }
0x18: {  	[tilespmem:s0+$0x8230] =	vst v0  }
0x19: {  	[tilespmem:s0+$0x8240] =	vst v0  }
0x1a: {  	[tilespmem:s0+$0x8250] =	vst v0  }
0x1b: {  	[tilespmem:s0+$0x8260] =	vst v0;
	s0 =	sshra.s32 s1, $0x2;
	s1 =	sadd.s32 $0x200, s1  }
0x1c: {  	[tilespmem:s0+$0x8270] =	vst v0  }
0x1d: {  	[tilespmem:s0+$0x8200] =	vst v0  }
0x1e: {  	[tilespmem:s0+$0x8210] =	vst v0  }
0x1f: {  	[tilespmem:s0+$0x8220] =	vst v0  }
0x20: {  	[tilespmem:s0+$0x8230] =	vst v0  }
0x21: {  	[tilespmem:s0+$0x8240] =	vst v0  }
0x22: {  	[tilespmem:s0+$0x8250] =	vst v0  }
0x23: {  	[tilespmem:s0+$0x8260] =	vst v0  }
0x24: {  	[spmem:s5] =	stream.linear.scatter [tilespmem:s19], [sflag:$0x5], $0x2000, $0x38;
	[tilespmem:$0x1DE00] =	vst v63  }
0x25: {  	_ =	swait.ge [sflag:s20], $0x2000  }
0x26: {  	[sflag:s20] =	ssyncset.done $0x0  }
0x27: {  	[sflag:s20] =	ssyncadd.s32 $0xFFFFE000  }
0x28: {  	[spmem:s9] =	stream.linear.scatter [tilespmem:s19], [sflag:$0x5], $0x2000, $0x38;
	[tilespmem:$0x1DE00] =	vst v63  }
0x29: {  	_ =	swait.ge [sflag:s20], $0x2000  }
0x2a: {  	[sflag:s20] =	ssyncset.done $0x0  }
0x2b: {  	[sflag:s20] =	ssyncadd.s32 $0xFFFFE000  }
0x2c: {  	[spmem:s10] =	stream.linear.scatter [tilespmem:s19], [sflag:$0x5], $0x2000, $0x38;
	[tilespmem:$0x1DE00] =	vst v63  }
0x2d: {  	_ =	swait.ge [sflag:s20], $0x2000  }
0x2e: {  	[sflag:s20] =	ssyncset.done $0x0  }
0x2f: {  	[sflag:s20] =	ssyncadd.s32 $0xFFFFE000  }
0x30: {  	[spmem:s11] =	stream.linear.scatter [tilespmem:s19], [sflag:$0x5], $0x2000, $0x38;
	[tilespmem:$0x1DE00] =	vst v63  }
0x31: {  	_ =	swait.ge [sflag:s20], $0x2000  }
0x32: {  	[sflag:s20] =	ssyncset.done $0x0  }
0x33: {  	[sflag:s20] =	ssyncadd.s32 $0xFFFFE000  }
0x34: {  	[spmem:s12] =	stream.linear.scatter [tilespmem:s19], [sflag:$0x5], $0x2000, $0x38;
	[tilespmem:$0x1DE00] =	vst v63  }
0x35: {  	_ =	swait.ge [sflag:s20], $0x2000  }
0x36: {  	[sflag:s20] =	ssyncset.done $0x0  }
0x37: {  	[sflag:s20] =	ssyncadd.s32 $0xFFFFE000  }
0x38: {  	[spmem:s13] =	stream.linear.scatter [tilespmem:s19], [sflag:$0x5], $0x2000, $0x38;
	[tilespmem:$0x1DE00] =	vst v63  }
0x39: {  	_ =	swait.ge [sflag:s20], $0x2000  }
0x3a: {  	[sflag:s20] =	ssyncset.done $0x0  }
0x3b: {  	[sflag:s20] =	ssyncadd.s32 $0xFFFFE000  }
0x3c: {  	[spmem:s14] =	stream.linear.scatter [tilespmem:s19], [sflag:$0x5], $0x2000, $0x38;
	[tilespmem:$0x1DE00] =	vst v63  }
0x3d: {  	_ =	swait.ge [sflag:s20], $0x2000  }
0x3e: {  	[sflag:s20] =	ssyncset.done $0x0  }
0x3f: {  	[sflag:s20] =	ssyncadd.s32 $0xFFFFE000  }
0x40: {  	[spmem:s15] =	stream.linear.scatter [tilespmem:s19], [sflag:$0x5], $0x2000, $0x38;
	[tilespmem:$0x1DE00] =	vst v63  }
0x41: {  	_ =	swait.ge [sflag:s20], $0x2000  }
0x42: {  	[sflag:s20] =	ssyncset.done $0x0  }
0x43: {  	[sflag:s20] =	ssyncadd.s32 $0xFFFFE000  }
0x44: {  	[spmem:s16] =	stream.linear.scatter [tilespmem:s19], [sflag:$0x5], $0x2000, $0x38;
	[tilespmem:$0x1DE00] =	vst v63  }
0x45: {  	_ =	swait.ge [sflag:s20], $0x2000  }
0x46: {  	[sflag:s20] =	ssyncset.done $0x0  }
0x47: {  	s6 =	rddreg [dreg:$0x3];
	[sflag:s20] =	ssyncadd.s32 $0xFFFFE000  }
0x48: {  	[spmem:s6] =	stream.linear.scatter [tilespmem:s19], [sflag:$0x5], $0x1C00, $0x38;
	[tilespmem:$0x1DE00] =	vst v63  }
0x49: {  	_ =	swait.ge [sflag:s20], $0x1C00  }
0x4a: {  	[sflag:s20] =	ssyncset.done $0x0  }
0x4b: {  	[sflag:s20] =	ssyncadd.s32 $0xFFFFE400  }
0x4c: {  	s7 =	sadd.s32 $0x0, s17;
	[bflag:$0x0] =	sbarrier.arrive $0xFFFF  }
0x4d: {  	[tilespmem:s3], [sflag:$0x5] =	stream.linear.gather [hbm4b:s7+s3], $0x80, $0x38;
	[tilespmem:$0x1DE00] =	vst v63  }
0x4e: {  	_ =	swait.ge [sflag:s20], $0x80  }
0x4f: {  	[sflag:s20] =	ssyncset.done $0x0  }
0x50: {  	s0 =	sadd.s32 $0x10, s7;
	[sflag:s20] =	ssyncadd.s32 $0xFFFFFF80  }
0x51: {  	[tilespmem:s21], [sflag:$0x5] =	stream.linear.gather [hbm4b:s0+s3], $0x80, $0x38;
	[tilespmem:$0x1DE00] =	vst v63  }
0x52: {  	_ =	swait.ge [sflag:s20], $0x80  }
0x53: {  	[sflag:s20] =	ssyncset.done $0x0  }
0x54: {  	[sflag:s20] =	ssyncadd.s32 $0xFFFFFF80  }
0x55: {  	[tilespmem:s22], [sflag:$0x1] =	stream.indirect.gather [hbm4b:s4+s21], $0x80, s3, s21, $0xb8;
	[tilespmem:$0x1DE00] =	vst v63  }
0x56: {  	_ = 	snop  }
0x57: {  	[tilespmem:s23], [sflag:$0x2] =	stream.indirect.gather [hbm4b:s4+s21], $0x80, s21, s21, $0xb8;
	[tilespmem:$0x1DE00] =	vst v63  }
0x58: {  	s8 =	sadd.s32 $0x0, s18  }
0x59: {  	[tilespmem:s24], [sflag:$0x5] =	stream.linear.gather [hbm4b:s8+s3], $0x80, $0x38;
	[tilespmem:$0x1DE00] =	vst v63  }
0x5a: {  	_ =	swait.ge [sflag:s20], $0x80  }
0x5b: {  	[sflag:s20] =	ssyncset.done $0x0  }
0x5c: {  	s0 =	sadd.s32 $0x10, s8;
	[sflag:s20] =	ssyncadd.s32 $0xFFFFFF80  }
0x5d: {  	[tilespmem:s25], [sflag:$0x5] =	stream.linear.gather [hbm4b:s0+s3], $0x80, $0x38;
	[tilespmem:$0x1DE00] =	vst v63  }
0x5e: {  	_ =	swait.ge [sflag:s20], $0x80  }
0x5f: {  	[sflag:s20] =	ssyncset.done $0x0  }
0x60: {  	[sflag:s20] =	ssyncadd.s32 $0xFFFFFF80  }
0x61: {  	_ =	swait.ge [sflag:s26], $0x4000  }
0x62: {  	[sflag:s26] =	ssyncset.done $0x0  }
0x63: {  	[sflag:s26] =	ssyncadd.s32 $0xFFFFC000  }
0x64: {  	[spmem:s2] =	stream.indirect.scatter.add.f32 [tilespmem:s22], [sflag:$0x3], $0x80, s24, s21, $0xb8;
	[tilespmem:$0x1DE00] =	vst v63  }
0x65: {  	_ =	swait.ge [sflag:s28], $0x4000  }
0x66: {  	[sflag:s28] =	ssyncset.done $0x0  }
0x67: {  	[sflag:s28] =	ssyncadd.s32 $0xFFFFC000  }
0x68: {  	[spmem:s2] =	stream.indirect.scatter.add.f32 [tilespmem:s23], [sflag:$0x4], $0x80, s25, s21, $0xb8;
	[tilespmem:$0x1DE00] =	vst v63  }
0x69: {  	_ =	swait.ge [sflag:s29], $0x4000  }
0x6a: {  	[sflag:s29] =	ssyncset.done $0x0  }
0x6b: {  	[sflag:s29] =	ssyncadd.s32 $0xFFFFC000  }
0x6c: {  	_ =	swait.ge [sflag:s30], $0x4000  }
0x6d: {  	s1 =	simm.s32 $0x20;
	s0 =	simm.s32 $0x40;
	[sflag:s30] =	ssyncset.done $0x0  }
.LBB2_4:
0x6e: {  	s7 =	sadd.s32 s1, s17  }
0x6f: {  	[sflag:s30] =	ssyncadd.s32 $0xFFFFC000;
	s8 =	smov.u32 s0;
	s6 =	sadd.s32 $0x20, s0  }
0x70: {  	[tilespmem:s3], [sflag:$0x5] =	stream.linear.gather [hbm4b:s7+s3], $0x80, $0x38;
	[tilespmem:$0x1DE00] =	vst v63  }
0x71: {  	p0 =	sne.s32 s0, $0x260;
	_ =	swait.ge [sflag:s20], $0x80  }
0x72: {  	[sflag:s20] =	ssyncset.done $0x0  }
0x73: {  	s0 =	sadd.s32 $0x10, s7;
	[sflag:s20] =	ssyncadd.s32 $0xFFFFFF80  }
0x74: {  	[tilespmem:s21], [sflag:$0x5] =	stream.linear.gather [hbm4b:s0+s3], $0x80, $0x38;
	[tilespmem:$0x1DE00] =	vst v63  }
0x75: {  	_ =	swait.ge [sflag:s20], $0x80  }
0x76: {  	[sflag:s20] =	ssyncset.done $0x0  }
0x77: {  	[sflag:s20] =	ssyncadd.s32 $0xFFFFFF80  }
0x78: {  	[tilespmem:s22], [sflag:$0x1] =	stream.indirect.gather [hbm4b:s4+s21], $0x80, s3, s21, $0xb8;
	[tilespmem:$0x1DE00] =	vst v63  }
0x79: {  	_ = 	snop  }
0x7a: {  	[tilespmem:s23], [sflag:$0x2] =	stream.indirect.gather [hbm4b:s4+s21], $0x80, s21, s21, $0xb8;
	[tilespmem:$0x1DE00] =	vst v63  }
0x7b: {  	s0 =	sadd.s32 s1, s18;
	s1 =	smov.u32 s8  }
0x7c: {  	[tilespmem:s24], [sflag:$0x5] =	stream.linear.gather [hbm4b:s0+s3], $0x80, $0x38;
	[tilespmem:$0x1DE00] =	vst v63  }
0x7d: {  	_ =	swait.ge [sflag:s20], $0x80  }
0x7e: {  	[sflag:s20] =	ssyncset.done $0x0  }
0x7f: {  	s0 =	sadd.s32 $0x10, s0;
	[sflag:s20] =	ssyncadd.s32 $0xFFFFFF80  }
0x80: {  	[tilespmem:s25], [sflag:$0x5] =	stream.linear.gather [hbm4b:s0+s3], $0x80, $0x38;
	[tilespmem:$0x1DE00] =	vst v63  }
0x81: {  	_ =	swait.ge [sflag:s20], $0x80  }
0x82: {  	[sflag:s20] =	ssyncset.done $0x0  }
0x83: {  	[sflag:s20] =	ssyncadd.s32 $0xFFFFFF80  }
0x84: {  	_ =	swait.ge [sflag:s26], $0x4000  }
0x85: {  	[sflag:s26] =	ssyncset.done $0x0  }
0x86: {  	[sflag:s26] =	ssyncadd.s32 $0xFFFFC000  }
0x87: {  	[spmem:s2] =	stream.indirect.scatter.add.f32 [tilespmem:s22], [sflag:$0x3], $0x80, s24, s21, $0xb8;
	[tilespmem:$0x1DE00] =	vst v63  }
0x88: {  	_ =	swait.ge [sflag:s28], $0x4000  }
0x89: {  	[sflag:s28] =	ssyncset.done $0x0  }
0x8a: {  	[sflag:s28] =	ssyncadd.s32 $0xFFFFC000  }
0x8b: {  	[spmem:s2] =	stream.indirect.scatter.add.f32 [tilespmem:s23], [sflag:$0x4], $0x80, s25, s21, $0xb8;
	[tilespmem:$0x1DE00] =	vst v63  }
.Ltmp1:
0x8c: {  	_ =	swait.ge [sflag:s29], $0x4000;
	(pc) =	sbr.rel @p0 .LBB2_4-.Ltmp1, $4  }
0x8d: {  	[sflag:s29] =	ssyncset.done $0x0  }
0x8e: {  	[sflag:s29] =	ssyncadd.s32 $0xFFFFC000  }
0x8f: {  	_ =	swait.ge [sflag:s30], $0x4000  }
0x90: {  	s0 =	smov.u32 s6;
	[sflag:s30] =	ssyncset.done $0x0  }
0x91: {  	s0 =	sadd.s32 s1, s17;
	[sflag:s30] =	ssyncadd.s32 $0xFFFFC000  }
0x92: {  	[tilespmem:s3], [sflag:$0x5] =	stream.linear.gather [hbm4b:s0+s3], $0x80, $0x38;
	[tilespmem:$0x1DE00] =	vst v63  }
0x93: {  	_ =	swait.ge [sflag:s20], $0x80  }
0x94: {  	[sflag:s20] =	ssyncset.done $0x0  }
0x95: {  	s0 =	sadd.s32 $0x10, s0;
	[sflag:s20] =	ssyncadd.s32 $0xFFFFFF80  }
0x96: {  	[tilespmem:s21], [sflag:$0x5] =	stream.linear.gather [hbm4b:s0+s3], $0x80, $0x38;
	[tilespmem:$0x1DE00] =	vst v63  }
0x97: {  	_ =	swait.ge [sflag:s20], $0x80  }
0x98: {  	[sflag:s20] =	ssyncset.done $0x0  }
0x99: {  	[sflag:s20] =	ssyncadd.s32 $0xFFFFFF80  }
0x9a: {  	[tilespmem:s22], [sflag:$0x1] =	stream.indirect.gather [hbm4b:s4+s21], $0x80, s3, s21, $0xb8;
	[tilespmem:$0x1DE00] =	vst v63  }
0x9b: {  	_ = 	snop  }
0x9c: {  	[tilespmem:s23], [sflag:$0x2] =	stream.indirect.gather [hbm4b:s4+s21], $0x80, s21, s21, $0xb8;
	[tilespmem:$0x1DE00] =	vst v63  }
0x9d: {  	s1 =	sadd.s32 s1, s18  }
0x9e: {  	[tilespmem:s24], [sflag:$0x5] =	stream.linear.gather [hbm4b:s1+s3], $0x80, $0x38;
	[tilespmem:$0x1DE00] =	vst v63  }
0x9f: {  	_ =	swait.ge [sflag:s20], $0x80  }
0xa0: {  	[sflag:s20] =	ssyncset.done $0x0  }
0xa1: {  	s0 =	sadd.s32 $0x10, s1;
	[sflag:s20] =	ssyncadd.s32 $0xFFFFFF80  }
0xa2: {  	[tilespmem:s25], [sflag:$0x5] =	stream.linear.gather [hbm4b:s0+s3], $0x80, $0x38;
	[tilespmem:$0x1DE00] =	vst v63  }
0xa3: {  	_ =	swait.ge [sflag:s20], $0x80  }
0xa4: {  	[sflag:s20] =	ssyncset.done $0x0  }
0xa5: {  	[sflag:s20] =	ssyncadd.s32 $0xFFFFFF80  }
0xa6: {  	_ =	swait.ge [sflag:s26], $0x4000  }
0xa7: {  	[sflag:s26] =	ssyncset.done $0x0  }
0xa8: {  	[sflag:s26] =	ssyncadd.s32 $0xFFFFC000  }
0xa9: {  	[spmem:s2] =	stream.indirect.scatter.add.f32 [tilespmem:s22], [sflag:$0x3], $0x80, s24, s21, $0xb8;
	[tilespmem:$0x1DE00] =	vst v63  }
0xaa: {  	_ =	swait.ge [sflag:s28], $0x4000  }
0xab: {  	[sflag:s28] =	ssyncset.done $0x0  }
0xac: {  	[sflag:s28] =	ssyncadd.s32 $0xFFFFC000  }
0xad: {  	[spmem:s2] =	stream.indirect.scatter.add.f32 [tilespmem:s23], [sflag:$0x4], $0x80, s25, s21, $0xb8;
	[tilespmem:$0x1DE00] =	vst v63  }
0xae: {  	_ =	swait.ge [sflag:s29], $0x4000  }
0xaf: {  	[sflag:s29] =	ssyncset.done $0x0  }
0xb0: {  	[sflag:s29] =	ssyncadd.s32 $0xFFFFC000  }
0xb1: {  	_ =	swait.ge [sflag:s30], $0x4000  }
0xb2: {  	[sflag:s30] =	ssyncset.done $0x0  }
0xb3: {  	s6 =	stileid.u32;
	[sflag:s30] =	ssyncadd.s32 $0xFFFFC000  }
0xb4: {  	s0 =	sshll.u32 s6, $0x6;
	[bflag:$0x0] =	sbarrier.arrive $0xFFFF  }
0xb5: {  	s7 =	sshrl.u32 s5, $0x3;
	s0 =	sor.u32 $0x1C05, s0;
	s6 =	rddreg [dreg:$0x4]  }
0xb6: {  	[hbm:s6], [sflag:s0] =	dma.local [spmem:s7], $0x2780  }
0xb7: {  	_ =	swait.ge [sflag:s20], $0x2780  }
0xb8: {  	s31 =	sadd.s32 $0x1, s31;
	s8 =	rddreg [dreg:$0x5]  }
0xb9: {  	p0 =	sne.s32 s31, s8  }
.Ltmp2:
0xba: {  	_ = 	snop;
	(pc) =	sbr.rel @p0 .LBB2_1-.Ltmp2, $3  }
0xbb: {  	_ =	sdelay $0x1  }
0xbc: {  	[sflag:s20] =	ssyncset.done $0x0  }
0xbd: {  	[sflag:s20] =	ssyncadd.s32 $0xFFFFD880  }
0xbe: {  	_ =	sfence.sel $0x180000  }
0xbf: {  	[bflag:$0x0] =	sbarrier.arrive $0xFFFF  }
0xc0: {  	_ =	strace $0x9000004D  }
0xc1: {  	s0 =	stileid.u32;
	[bflag:$0x2] =	sbarrier.arrive $0xFFFF  }
0xc2: {  	p0 =	sne.s32 s0, $0x0;
	s0 =	rddreg [dreg:$0x2]  }
0xc3: {  	s0 =	sadd.s32 @!p0 $0x100000, s0  }
0xc4: {  	[sflag:s0] =	ssyncadd.tile.s32 @!p0 $0x1;
	_ =	shalt  }
.Lfunc_end2:
_tile_overlayer_lowered:
.L_overlay_start_2:
0xc5: {  	(tag) =	ssettag $0x2  }
0xc6: {  	s0 =	rddreg [dreg:$0x0];
	s2 =	stileid.u32  }
0xc7: {  	s1 =	rddreg [dreg:$0x1];
	p0 =	sne.s32 s2, $0x0  }
0xc8: {  	s3 =	rddreg [dreg:$0x2];
	[bflag:$0x3] =	sbarrier.arrive $0xFFFF;
	s2 =	simm.s32 @!p0 $0x1C05  }
0xc9: {  	[timem:s3], [sflag:s2] =	dma.local @!p0 [hbm:s0], s1  }
0xca: {  	s0 =	simm.s32 @!p0 $0x5  }
0xcb: {  	_ =	swait.ge @!p0 [sflag:s0], s1  }
0xcc: {  	s1 =	ssub.s32 @!p0 $0x0, s1;
	[sflag:s0] =	ssyncset.done @!p0 $0x0  }
0xcd: {  	[sflag:s0] =	ssyncadd.s32 @!p0 s1  }
0xce: {  	[bflag:$0x3] =	sbarrier.arrive $0xFFFF  }
0xcf: {  	_ =	shalt  }

</sc_bundles>
